<compile_context>
chip_gen: v7x
topology: tpu7x:2x2x1
jax: 0.10.2.dev20260603
libtpu: 0.0.44.dev20260713+nightly
codegen_flags: <defaults>
</compile_context>

<pallas_src>
import functools

import jax
import jax.numpy as jnp
from jax import lax
from jax.experimental import pallas as pl
from jax.experimental.pallas import tpu as pltpu
from jax.experimental.pallas import tpu_sc as plsc

_N = 10000
_E = 320000
_D = 128

_NC = 2
_NS = 16
_K = 128
_WIN = 16
_NWIN = 10
_CPT = _WIN * _NWIN
_EROWS = _NS * _CPT
_EPAD = _EROWS * _K
_NP = 10112
_PAD_DST = 10008
_RPT = _NP // _NS

_MESH = plsc.VectorSubcoreMesh(core_axis_name="c", subcore_axis_name="s",
                               num_cores=_NC, num_subcores=_NS)


def _agg_body(with_count, y_hbm, src_hbm, dst_hbm, z_hbm, ones_hbm, out_hbm,
              acc, srcv, dstv, rows_a, rows_b, sem_a, sem_b):
    c = lax.axis_index("c")
    s = lax.axis_index("s")
    r0 = s * _RPT

    pltpu.sync_copy(z_hbm.at[pl.ds(r0, _RPT)], acc.at[pl.ds(r0, _RPT)])
    if with_count:
        pltpu.sync_copy(ones_hbm, rows_a)
    plsc.subcore_barrier()

    def gather(j, rows, sem):
        pltpu.async_copy(y_hbm.at[srcv.at[j]], rows, sem)

    def drain_scatter(j, rows, sem):
        pltpu.make_async_copy(y_hbm.at[srcv.at[j]], rows, sem).wait()
        pltpu.sync_copy(rows, acc.at[dstv.at[j]], add=True)

    tile_chunk0 = s * _CPT

    if with_count:
        nwin_g = jnp.where(c == 0, _NWIN, 0)
        w_base = 0 * c
    else:
        nwin_g = _NWIN // 2
        w_base = jnp.where(c == 0, 0, _NWIN // 2)

    @pl.loop(0, nwin_g)
    def _(w):
        i0 = tile_chunk0 + (w_base + w) * _WIN
        pltpu.sync_copy(src_hbm.at[pl.ds(i0, _WIN)], srcv)
        pltpu.sync_copy(dst_hbm.at[pl.ds(i0, _WIN)], dstv)

        gather(0, rows_a, sem_a)

        @pl.loop(0, _WIN // 2 - 1)
        def _(j2):
            ja = 2 * j2
            gather(ja + 1, rows_b, sem_b)
            drain_scatter(ja, rows_a, sem_a)
            gather(ja + 2, rows_a, sem_a)
            drain_scatter(ja + 1, rows_b, sem_b)

        gather(_WIN - 1, rows_b, sem_b)
        drain_scatter(_WIN - 2, rows_a, sem_a)
        drain_scatter(_WIN - 1, rows_b, sem_b)

    if with_count:
        nwin_c = jnp.where(c == 1, _NWIN, 0)

        @pl.loop(0, nwin_c)
        def _(w):
            i0 = tile_chunk0 + w * _WIN
            pltpu.sync_copy(dst_hbm.at[pl.ds(i0, _WIN)], dstv)

            @pl.loop(0, _WIN)
            def _(j):
                pltpu.sync_copy(rows_a, acc.at[dstv.at[j]], add=True)

    plsc.subcore_barrier()
    pltpu.sync_copy(acc.at[pl.ds(r0, _RPT)],
                    out_hbm.at[c].at[pl.ds(r0, _RPT)])


def _make_agg(with_count):
    return pl.kernel(
        functools.partial(_agg_body, with_count),
        out_type=jax.ShapeDtypeStruct((_NC, _NP, _D), jnp.float32),
        mesh=_MESH,
        scratch_types=[
            pltpu.VMEM_SHARED((_NP, _D), jnp.float32),
            pltpu.VMEM((_WIN, _K), jnp.int32),
            pltpu.VMEM((_WIN, _K), jnp.int32),
            pltpu.VMEM((_K, _D), jnp.float32),
            pltpu.VMEM((_K, _D), jnp.float32),
            pltpu.SemaphoreType.DMA,
            pltpu.SemaphoreType.DMA,
        ],
    )


_agg_cnt = _make_agg(True)
_agg = _make_agg(False)


def _lin_body(x_ref, w_ref, b_ref, o_ref):
    o_ref[...] = (
        jnp.dot(x_ref[...], w_ref[...],
                preferred_element_type=jnp.float32,
                precision=lax.Precision.HIGHEST)
        + b_ref[...]
    )


def _lin(x, w_t, b):
    r = 1000
    return pl.pallas_call(
        _lin_body,
        grid=(_N // r,),
        in_specs=[
            pl.BlockSpec((r, _D), lambda i: (i, 0)),
            pl.BlockSpec((_D, _D), lambda i: (0, 0)),
            pl.BlockSpec((1, _D), lambda i: (0, 0)),
        ],
        out_specs=pl.BlockSpec((r, _D), lambda i: (i, 0)),
        out_shape=jax.ShapeDtypeStruct((_N, _D), jnp.float32),
    )(x, w_t, b)


def _combine_body(relu, s_ref, s1_ref, c_ref, xr_ref, w_ref, o_ref):
    ssum = s_ref[...] if s1_ref is None else s_ref[...] + s1_ref[...]
    cnt = c_ref[...][:, :1]
    mean = ssum / jnp.maximum(cnt, 1.0)
    out = (
        jnp.dot(mean, w_ref[...],
                preferred_element_type=jnp.float32,
                precision=lax.Precision.HIGHEST)
        + xr_ref[...]
    )
    if relu:
        out = jnp.maximum(out, 0.0)
    o_ref[...] = out


def _combine(s0, s1, cnt, xr, w_t, relu):
    r = 1000
    two = s1 is not None
    def body(*refs):
        if two:
            _combine_body(relu, *refs)
        else:
            sref, cref, xref, wref, oref = refs
            _combine_body(relu, sref, None, cref, xref, wref, oref)
    specs = [pl.BlockSpec((r, _D), lambda i: (i, 0))]
    if two:
        specs.append(pl.BlockSpec((r, _D), lambda i: (i, 0)))
    specs += [
        pl.BlockSpec((r, _D), lambda i: (i, 0)),
        pl.BlockSpec((r, _D), lambda i: (i, 0)),
        pl.BlockSpec((_D, _D), lambda i: (0, 0)),
    ]
    args = ([s0, s1] if two else [s0]) + [cnt, xr, w_t]
    return pl.pallas_call(
        body,
        grid=(_N // r,),
        in_specs=specs,
        out_specs=pl.BlockSpec((r, _D), lambda i: (i, 0)),
        out_shape=jax.ShapeDtypeStruct((_N, _D), jnp.float32),
    )(*args)


def kernel(x, edge_index, W1_l, b1, W1_r, W2_l, b2, W2_r):
    npad = _EPAD - _E
    pad_iota = jax.lax.iota(jnp.int32, npad)
    src = jnp.concatenate(
        [edge_index[0].astype(jnp.int32),
         pad_iota % _N]).reshape(_EROWS, _K)
    dst = jnp.concatenate(
        [edge_index[1].astype(jnp.int32),
         _PAD_DST + pad_iota % (_NP - _PAD_DST)]).reshape(_EROWS, _K)
    zeros_acc = jnp.zeros((_NP, _D), jnp.float32)
    ones = jnp.ones((_K, _D), jnp.float32)

    a1 = _agg_cnt(x, src, dst, zeros_acc, ones)
    xr1 = _lin(x, W1_r.T, b1.reshape(1, _D))
    h = _combine(a1[0], None, a1[1], xr1, W1_l.T, relu=True)

    a2 = _agg(h, src, dst, zeros_acc, ones)
    xr2 = _lin(h, W2_r.T, b2.reshape(1, _D))
    out = _combine(a2[0], a2[1], a1[1], xr2, W2_l.T, relu=False)
    return out

# --- scband reference (transcript-rebuilt; emitter-appended) ---
"""Pipeline reference for scband-gnn-4612794876017 (READ-ONLY COPY).

The authoritative reference and input builder live on the scoring server;
editing this copy changes nothing except your own understanding.
"""

import jax, jax.numpy as jnp
import numpy as np

N = 10000
E = 320000
D_IN = 128
D_HID = 128
D_OUT = 128


def setup_inputs(seed: int = 0) -> dict:
    key = jax.random.key(seed)
    k = jax.random.split(key, 8)
    x = jax.random.normal(k[0], (N, D_IN), dtype=jnp.float32)
    edge_index = jax.random.randint(k[1], (2, E), 0, N, dtype=jnp.int64)
    s1 = 1.0 / np.sqrt(D_IN)
    s2 = 1.0 / np.sqrt(D_HID)
    W1_l = jax.random.normal(k[2], (D_HID, D_IN), dtype=jnp.float32) * s1
    W1_r = jax.random.normal(k[3], (D_HID, D_IN), dtype=jnp.float32) * s1
    b1 = jnp.zeros((D_HID,), dtype=jnp.float32)
    W2_l = jax.random.normal(k[4], (D_OUT, D_HID), dtype=jnp.float32) * s2
    W2_r = jax.random.normal(k[5], (D_OUT, D_HID), dtype=jnp.float32) * s2
    b2 = jnp.zeros((D_OUT,), dtype=jnp.float32)
    return {"x": x, "edge_index": edge_index, "W1_l": W1_l, "b1": b1, "W1_r": W1_r,
            "W2_l": W2_l, "b2": b2, "W2_r": W2_r}


def _sage_conv(x, edge_index, W_l, b, W_r):
    # PyG SAGEConv with mean aggregation:
    # out = lin_l(mean_{j in N(i)} x_j) + lin_r(x_i)
    src = edge_index[0]
    dst = edge_index[1]
    msgs = jnp.take(x, src, axis=0)                      # gather  [E, d]
    summed = jax.ops.segment_sum(msgs, dst, num_segments=x.shape[0])
    cnt = jax.ops.segment_sum(jnp.ones((edge_index.shape[1],), dtype=x.dtype),
                              dst, num_segments=x.shape[0])
    mean = summed / jnp.clip(cnt, 1.0, None)[:, None]
    return mean @ W_l.T + b + x @ W_r.T


def reference(x, edge_index, W1_l, b1, W1_r, W2_l, b2, W2_r):
    h = _sage_conv(x, edge_index, W1_l, b1, W1_r)
    h = jax.nn.relu(h)
    out = _sage_conv(h, edge_index, W2_l, b2, W2_r)
    return out

if __name__ == "__main__":
    import jax
    _d = setup_inputs()
    print(jax.jit(kernel)(*tuple(_d.values())))

</pallas_src>

<mosaic_0001>
#map = affine_map<(d0, d1) -> (0, 0)>
#map1 = affine_map<(d0, d1) -> (0, 0, 0)>
module attributes {stable_mosaic.version = 14 : i64} {
  func.func @_agg_body(%arg0: i32, %arg1: i32, %arg2: memref<10000x128xf32, #tpu.memory_space<hbm>>, %arg3: memref<2560x128xi32, #tpu.memory_space<hbm>>, %arg4: memref<2560x128xi32, #tpu.memory_space<hbm>>, %arg5: memref<10112x128xf32, #tpu.memory_space<hbm>>, %arg6: memref<128x128xf32, #tpu.memory_space<hbm>>, %arg7: memref<2x10112x128xf32, #tpu.memory_space<hbm>>, %arg8: memref<10112x128xf32, #tpu.memory_space<vmem_shared>>, %arg9: memref<16x128xi32, #tpu.memory_space<vmem>>, %arg10: memref<16x128xi32, #tpu.memory_space<vmem>>, %arg11: memref<128x128xf32, #tpu.memory_space<vmem>>, %arg12: memref<128x128xf32, #tpu.memory_space<vmem>>, %arg13: memref<!tpu.dma_semaphore, #tpu.memory_space<semaphore_mem>>, %arg14: memref<!tpu.dma_semaphore, #tpu.memory_space<semaphore_mem>>) attributes {dimension_semantics = [#tpu.dimension_semantics<core_parallel>, #tpu.dimension_semantics<subcore_parallel>], iteration_bounds = array<i64: 2, 16>, scalar_prefetch = 0 : i64, scratch_operands = 7 : i64, tpu.core_type = #tpu.core_type<sc_vector_subcore>, window_params = [{transform_indices = #map}, {transform_indices = #map}, {transform_indices = #map}, {transform_indices = #map}, {transform_indices = #map}, {transform_indices = #map1}]} {
    %mul3A = arith.constant 632 : i32
    %mul3A_0 = arith.muli %arg1, %mul3A : i32
    "tpu.region"() ({
      %run_scoped3A = tpu.sem_alloc : memref<!tpu.dma_semaphore, #tpu.memory_space<semaphore_mem>>
      %dma_start3A = arith.constant 0 : i32
      %dma_start3A_47 = tpu.memref_slice %arg8[%mul3A_0, %dma_start3A] : memref<10112x128xf32, #tpu.memory_space<vmem_shared>> -> memref<632x128xf32, #tpu.memory_space<vmem_shared>>
      %dma_start3A_48 = arith.constant 0 : i32
      %dma_start3A_49 = tpu.memref_slice %arg5[%mul3A_0, %dma_start3A_48] : memref<10112x128xf32, #tpu.memory_space<hbm>> -> memref<632x128xf32, #tpu.memory_space<hbm>>
      tpu.enqueue_dma source(%dma_start3A_49 : memref<632x128xf32, #tpu.memory_space<hbm>>) target(%dma_start3A_47 : memref<632x128xf32, #tpu.memory_space<vmem_shared>>) target_semaphore(%run_scoped3A : memref<!tpu.dma_semaphore, #tpu.memory_space<semaphore_mem>>)
      %dma_wait3A = arith.constant 0 : i32
      %dma_wait3A_50 = tpu.memref_slice %arg8[%mul3A_0, %dma_wait3A] : memref<10112x128xf32, #tpu.memory_space<vmem_shared>> -> memref<632x128xf32, #tpu.memory_space<vmem_shared>>
      %dma_wait3A_51 = arith.constant 0 : i32
      %dma_wait3A_52 = tpu.memref_slice %arg5[%mul3A_0, %dma_wait3A_51] : memref<10112x128xf32, #tpu.memory_space<hbm>> -> memref<632x128xf32, #tpu.memory_space<hbm>>
      tpu.wait_dma2 semaphore(%run_scoped3A : memref<!tpu.dma_semaphore, #tpu.memory_space<semaphore_mem>>) src(%dma_wait3A_52 : memref<632x128xf32, #tpu.memory_space<hbm>>) dst(%dma_wait3A_50 : memref<632x128xf32, #tpu.memory_space<vmem_shared>>)
      tpu.yield
    }) : () -> ()
    "tpu.region"() ({
      %run_scoped3A = tpu.sem_alloc : memref<!tpu.dma_semaphore, #tpu.memory_space<semaphore_mem>>
      tpu.enqueue_dma source(%arg6 : memref<128x128xf32, #tpu.memory_space<hbm>>) target(%arg11 : memref<128x128xf32, #tpu.memory_space<vmem>>) target_semaphore(%run_scoped3A : memref<!tpu.dma_semaphore, #tpu.memory_space<semaphore_mem>>)
      tpu.wait_dma2 semaphore(%run_scoped3A : memref<!tpu.dma_semaphore, #tpu.memory_space<semaphore_mem>>) src(%arg6 : memref<128x128xf32, #tpu.memory_space<hbm>>) dst(%arg11 : memref<128x128xf32, #tpu.memory_space<vmem>>)
      tpu.yield
    }) : () -> ()
    %barrier3A = arith.constant 0 : index
    tpu.barrier barrier_id(%barrier3A)
    %mul3A_1 = arith.constant 160 : i32
    %mul3A_2 = arith.muli %arg1, %mul3A_1 : i32
    %eq3A = arith.constant 0 : i32
    %eq3A_3 = arith.cmpi eq, %arg0, %eq3A : i32
    %jit3A = arith.constant 10 : i32
    %jit3A_4 = arith.constant 0 : i32
    %select_n3A = arith.select %eq3A_3, %jit3A, %jit3A_4 : i32
    %mul3A_5 = arith.constant 0 : i32
    %mul3A_6 = arith.muli %mul3A_5, %arg0 : i32
    %sub3A = arith.constant 0 : i32
    %sub3A_7 = arith.subi %select_n3A, %sub3A : i32
    %sub3A_8 = arith.constant 1 : i32
    %sub3A_9 = arith.constant 1 : i32
    %sub3A_10 = arith.subi %sub3A_8, %sub3A_9 : i32
    %add3A = arith.addi %sub3A_7, %sub3A_10 : i32
    %div3A = arith.constant 1 : i32
    %div3A_11 = arith.divsi %add3A, %div3A : i32
    %while3A = arith.constant 1 : i32
    %while3A_12 = arith.constant 0 : i32
    %while3A_13 = arith.constant 0 : i32
    %while3A_14 = arith.subi %div3A_11, %while3A_13 : i32
    %while3A_15 = arith.addi %while3A_13, %while3A_14 : i32
    %while3A_16 = arith.constant 1 : i32
    %while3A_17 = arith.divsi %while3A_14, %while3A_16 : i32
    %while3A_18 = arith.muli %while3A_17, %while3A_16 : i32
    %while3A_19 = arith.addi %while3A_13, %while3A_18 : i32
    %while3A_20 = arith.constant 1 : i32
    scf.for %while3A_47 = %while3A_13 to %while3A_19 step %while3A_20  : i32 {
      %mul3A_48 = arith.muli %while3A_47, %while3A : i32
      %add3A_49 = arith.addi %while3A_12, %mul3A_48 : i32
      %add3A_50 = arith.addi %mul3A_6, %add3A_49 : i32
      %mul3A_51 = arith.constant 16 : i32
      %mul3A_52 = arith.muli %add3A_50, %mul3A_51 : i32
      %add3A_53 = arith.addi %mul3A_2, %mul3A_52 : i32
      "tpu.region"() ({
        %run_scoped3A_85 = tpu.sem_alloc : memref<!tpu.dma_semaphore, #tpu.memory_space<semaphore_mem>>
        %dma_start3A_86 = arith.constant 0 : i32
        %dma_start3A_87 = tpu.memref_slice %arg3[%add3A_53, %dma_start3A_86] : memref<2560x128xi32, #tpu.memory_space<hbm>> -> memref<16x128xi32, #tpu.memory_space<hbm>>
        %dma_start3A_88 = arith.constant 0 : i32
        %dma_start3A_89 = tpu.memref_slice %arg3[%add3A_53, %dma_start3A_88] : memref<2560x128xi32, #tpu.memory_space<hbm>> -> memref<16x128xi32, #tpu.memory_space<hbm>>
        tpu.enqueue_dma source(%dma_start3A_89 : memref<16x128xi32, #tpu.memory_space<hbm>>) target(%arg9 : memref<16x128xi32, #tpu.memory_space<vmem>>) target_semaphore(%run_scoped3A_85 : memref<!tpu.dma_semaphore, #tpu.memory_space<semaphore_mem>>)
        %dma_wait3A_90 = arith.constant 0 : i32
        %dma_wait3A_91 = tpu.memref_slice %arg3[%add3A_53, %dma_wait3A_90] : memref<2560x128xi32, #tpu.memory_space<hbm>> -> memref<16x128xi32, #tpu.memory_space<hbm>>
        %dma_wait3A_92 = arith.constant 0 : i32
        %dma_wait3A_93 = tpu.memref_slice %arg3[%add3A_53, %dma_wait3A_92] : memref<2560x128xi32, #tpu.memory_space<hbm>> -> memref<16x128xi32, #tpu.memory_space<hbm>>
        tpu.wait_dma2 semaphore(%run_scoped3A_85 : memref<!tpu.dma_semaphore, #tpu.memory_space<semaphore_mem>>) src(%dma_wait3A_93 : memref<16x128xi32, #tpu.memory_space<hbm>>) dst(%arg9 : memref<16x128xi32, #tpu.memory_space<vmem>>)
        tpu.yield
      }) : () -> ()
      "tpu.region"() ({
        %run_scoped3A_85 = tpu.sem_alloc : memref<!tpu.dma_semaphore, #tpu.memory_space<semaphore_mem>>
        %dma_start3A_86 = arith.constant 0 : i32
        %dma_start3A_87 = tpu.memref_slice %arg4[%add3A_53, %dma_start3A_86] : memref<2560x128xi32, #tpu.memory_space<hbm>> -> memref<16x128xi32, #tpu.memory_space<hbm>>
        %dma_start3A_88 = arith.constant 0 : i32
        %dma_start3A_89 = tpu.memref_slice %arg4[%add3A_53, %dma_start3A_88] : memref<2560x128xi32, #tpu.memory_space<hbm>> -> memref<16x128xi32, #tpu.memory_space<hbm>>
        tpu.enqueue_dma source(%dma_start3A_89 : memref<16x128xi32, #tpu.memory_space<hbm>>) target(%arg10 : memref<16x128xi32, #tpu.memory_space<vmem>>) target_semaphore(%run_scoped3A_85 : memref<!tpu.dma_semaphore, #tpu.memory_space<semaphore_mem>>)
        %dma_wait3A_90 = arith.constant 0 : i32
        %dma_wait3A_91 = tpu.memref_slice %arg4[%add3A_53, %dma_wait3A_90] : memref<2560x128xi32, #tpu.memory_space<hbm>> -> memref<16x128xi32, #tpu.memory_space<hbm>>
        %dma_wait3A_92 = arith.constant 0 : i32
        %dma_wait3A_93 = tpu.memref_slice %arg4[%add3A_53, %dma_wait3A_92] : memref<2560x128xi32, #tpu.memory_space<hbm>> -> memref<16x128xi32, #tpu.memory_space<hbm>>
        tpu.wait_dma2 semaphore(%run_scoped3A_85 : memref<!tpu.dma_semaphore, #tpu.memory_space<semaphore_mem>>) src(%dma_wait3A_93 : memref<16x128xi32, #tpu.memory_space<hbm>>) dst(%arg10 : memref<16x128xi32, #tpu.memory_space<vmem>>)
        tpu.yield
      }) : () -> ()
      %dma_start3A = arith.constant 0 : i32
      %dma_start3A_54 = arith.constant 0 : i32
      %dma_start3A_55 = tpu.memref_slice %arg9[%dma_start3A, %dma_start3A_54] : memref<16x128xi32, #tpu.memory_space<vmem>> -> memref<1x128xi32, #tpu.memory_space<vmem>>
      %dma_start3A_56 = tpu.memref_squeeze %dma_start3A_55 : memref<1x128xi32, #tpu.memory_space<vmem>> -> memref<128xi32, #tpu.memory_space<vmem>>
      %dma_start3A_57 = arith.constant 0 : i32
      %dma_start3A_58 = arith.constant 0 : i32
      %dma_start3A_59 = tpu.memref_slice %arg2[%dma_start3A_57, %dma_start3A_58] : memref<10000x128xf32, #tpu.memory_space<hbm>> -> memref<10000x128xf32, #tpu.memory_space<hbm>>
      tpu.enqueue_indirect_dma source(%dma_start3A_59 : memref<10000x128xf32, #tpu.memory_space<hbm>>) target(%arg11 : memref<128x128xf32, #tpu.memory_space<vmem>>) offsets(%dma_start3A_56 : memref<128xi32, #tpu.memory_space<vmem>>) semaphore(%arg13 : memref<!tpu.dma_semaphore, #tpu.memory_space<semaphore_mem>>)
      %scan3A = arith.constant 0 : i32
      %scan3A_60 = arith.constant 7 : i32
      %scan3A_61 = arith.addi %scan3A, %scan3A_60 : i32
      %scan3A_62 = arith.constant 1 : i32
      scf.for %scan3A_85 = %scan3A to %scan3A_61 step %scan3A_62  : i32 {
        %mul3A_86 = arith.constant 1 : i32
        %mul3A_87 = arith.muli %scan3A_85, %mul3A_86 : i32
        %add3A_88 = arith.constant 0 : i32
        %add3A_89 = arith.addi %add3A_88, %mul3A_87 : i32
        %mul3A_90 = arith.constant 2 : i32
        %mul3A_91 = arith.muli %mul3A_90, %add3A_89 : i32
        %add3A_92 = arith.constant 1 : i32
        %add3A_93 = arith.addi %mul3A_91, %add3A_92 : i32
        %dma_start3A_94 = arith.constant 0 : i32
        %dma_start3A_95 = tpu.memref_slice %arg9[%add3A_93, %dma_start3A_94] : memref<16x128xi32, #tpu.memory_space<vmem>> -> memref<1x128xi32, #tpu.memory_space<vmem>>
        %dma_start3A_96 = tpu.memref_squeeze %dma_start3A_95 : memref<1x128xi32, #tpu.memory_space<vmem>> -> memref<128xi32, #tpu.memory_space<vmem>>
        %dma_start3A_97 = arith.constant 0 : i32
        %dma_start3A_98 = arith.constant 0 : i32
        %dma_start3A_99 = tpu.memref_slice %arg2[%dma_start3A_97, %dma_start3A_98] : memref<10000x128xf32, #tpu.memory_space<hbm>> -> memref<10000x128xf32, #tpu.memory_space<hbm>>
        tpu.enqueue_indirect_dma source(%dma_start3A_99 : memref<10000x128xf32, #tpu.memory_space<hbm>>) target(%arg12 : memref<128x128xf32, #tpu.memory_space<vmem>>) offsets(%dma_start3A_96 : memref<128xi32, #tpu.memory_space<vmem>>) semaphore(%arg14 : memref<!tpu.dma_semaphore, #tpu.memory_space<semaphore_mem>>)
        %dma_wait3A_100 = arith.constant 0 : i32
        %dma_wait3A_101 = tpu.memref_slice %arg9[%mul3A_91, %dma_wait3A_100] : memref<16x128xi32, #tpu.memory_space<vmem>> -> memref<1x128xi32, #tpu.memory_space<vmem>>
        %dma_wait3A_102 = tpu.memref_squeeze %dma_wait3A_101 : memref<1x128xi32, #tpu.memory_space<vmem>> -> memref<128xi32, #tpu.memory_space<vmem>>
        %dma_wait3A_103 = arith.constant 0 : i32
        %dma_wait3A_104 = arith.constant 0 : i32
        %dma_wait3A_105 = tpu.memref_slice %arg2[%dma_wait3A_103, %dma_wait3A_104] : memref<10000x128xf32, #tpu.memory_space<hbm>> -> memref<10000x128xf32, #tpu.memory_space<hbm>>
        tpu.wait_indirect_dma semaphore(%arg13 : memref<!tpu.dma_semaphore, #tpu.memory_space<semaphore_mem>>) src(%dma_wait3A_105 : memref<10000x128xf32, #tpu.memory_space<hbm>>) dst(%arg11 : memref<128x128xf32, #tpu.memory_space<vmem>>)
        "tpu.region"() ({
          %run_scoped3A_122 = tpu.sem_alloc : memref<!tpu.dma_semaphore, #tpu.memory_space<semaphore_mem>>
          %dma_start3A_123 = arith.constant 0 : i32
          %dma_start3A_124 = tpu.memref_slice %arg10[%mul3A_91, %dma_start3A_123] : memref<16x128xi32, #tpu.memory_space<vmem>> -> memref<1x128xi32, #tpu.memory_space<vmem>>
          %dma_start3A_125 = tpu.memref_squeeze %dma_start3A_124 : memref<1x128xi32, #tpu.memory_space<vmem>> -> memref<128xi32, #tpu.memory_space<vmem>>
          %dma_start3A_126 = arith.constant 0 : i32
          %dma_start3A_127 = arith.constant 0 : i32
          %dma_start3A_128 = tpu.memref_slice %arg8[%dma_start3A_126, %dma_start3A_127] : memref<10112x128xf32, #tpu.memory_space<vmem_shared>> -> memref<10112x128xf32, #tpu.memory_space<vmem_shared>>
          tpu.enqueue_indirect_dma source(%arg11 : memref<128x128xf32, #tpu.memory_space<vmem>>) target(%dma_start3A_128 : memref<10112x128xf32, #tpu.memory_space<vmem_shared>>) offsets(%dma_start3A_125 : memref<128xi32, #tpu.memory_space<vmem>>) semaphore(%run_scoped3A_122 : memref<!tpu.dma_semaphore, #tpu.memory_space<semaphore_mem>>) {add = true}
          %dma_wait3A_129 = arith.constant 0 : i32
          %dma_wait3A_130 = tpu.memref_slice %arg10[%mul3A_91, %dma_wait3A_129] : memref<16x128xi32, #tpu.memory_space<vmem>> -> memref<1x128xi32, #tpu.memory_space<vmem>>
          %dma_wait3A_131 = tpu.memref_squeeze %dma_wait3A_130 : memref<1x128xi32, #tpu.memory_space<vmem>> -> memref<128xi32, #tpu.memory_space<vmem>>
          %dma_wait3A_132 = arith.constant 0 : i32
          %dma_wait3A_133 = arith.constant 0 : i32
          %dma_wait3A_134 = tpu.memref_slice %arg8[%dma_wait3A_132, %dma_wait3A_133] : memref<10112x128xf32, #tpu.memory_space<vmem_shared>> -> memref<10112x128xf32, #tpu.memory_space<vmem_shared>>
          tpu.wait_indirect_dma semaphore(%run_scoped3A_122 : memref<!tpu.dma_semaphore, #tpu.memory_space<semaphore_mem>>) src(%arg11 : memref<128x128xf32, #tpu.memory_space<vmem>>) dst(%dma_wait3A_134 : memref<10112x128xf32, #tpu.memory_space<vmem_shared>>)
          tpu.yield
        }) : () -> ()
        %add3A_106 = arith.constant 2 : i32
        %add3A_107 = arith.addi %mul3A_91, %add3A_106 : i32
        %dma_start3A_108 = arith.constant 0 : i32
        %dma_start3A_109 = tpu.memref_slice %arg9[%add3A_107, %dma_start3A_108] : memref<16x128xi32, #tpu.memory_space<vmem>> -> memref<1x128xi32, #tpu.memory_space<vmem>>
        %dma_start3A_110 = tpu.memref_squeeze %dma_start3A_109 : memref<1x128xi32, #tpu.memory_space<vmem>> -> memref<128xi32, #tpu.memory_space<vmem>>
        %dma_start3A_111 = arith.constant 0 : i32
        %dma_start3A_112 = arith.constant 0 : i32
        %dma_start3A_113 = tpu.memref_slice %arg2[%dma_start3A_111, %dma_start3A_112] : memref<10000x128xf32, #tpu.memory_space<hbm>> -> memref<10000x128xf32, #tpu.memory_space<hbm>>
        tpu.enqueue_indirect_dma source(%dma_start3A_113 : memref<10000x128xf32, #tpu.memory_space<hbm>>) target(%arg11 : memref<128x128xf32, #tpu.memory_space<vmem>>) offsets(%dma_start3A_110 : memref<128xi32, #tpu.memory_space<vmem>>) semaphore(%arg13 : memref<!tpu.dma_semaphore, #tpu.memory_space<semaphore_mem>>)
        %add3A_114 = arith.constant 1 : i32
        %add3A_115 = arith.addi %mul3A_91, %add3A_114 : i32
        %dma_wait3A_116 = arith.constant 0 : i32
        %dma_wait3A_117 = tpu.memref_slice %arg9[%add3A_115, %dma_wait3A_116] : memref<16x128xi32, #tpu.memory_space<vmem>> -> memref<1x128xi32, #tpu.memory_space<vmem>>
        %dma_wait3A_118 = tpu.memref_squeeze %dma_wait3A_117 : memref<1x128xi32, #tpu.memory_space<vmem>> -> memref<128xi32, #tpu.memory_space<vmem>>
        %dma_wait3A_119 = arith.constant 0 : i32
        %dma_wait3A_120 = arith.constant 0 : i32
        %dma_wait3A_121 = tpu.memref_slice %arg2[%dma_wait3A_119, %dma_wait3A_120] : memref<10000x128xf32, #tpu.memory_space<hbm>> -> memref<10000x128xf32, #tpu.memory_space<hbm>>
        tpu.wait_indirect_dma semaphore(%arg14 : memref<!tpu.dma_semaphore, #tpu.memory_space<semaphore_mem>>) src(%dma_wait3A_121 : memref<10000x128xf32, #tpu.memory_space<hbm>>) dst(%arg12 : memref<128x128xf32, #tpu.memory_space<vmem>>)
        "tpu.region"() ({
          %run_scoped3A_122 = tpu.sem_alloc : memref<!tpu.dma_semaphore, #tpu.memory_space<semaphore_mem>>
          %dma_start3A_123 = arith.constant 0 : i32
          %dma_start3A_124 = tpu.memref_slice %arg10[%add3A_115, %dma_start3A_123] : memref<16x128xi32, #tpu.memory_space<vmem>> -> memref<1x128xi32, #tpu.memory_space<vmem>>
          %dma_start3A_125 = tpu.memref_squeeze %dma_start3A_124 : memref<1x128xi32, #tpu.memory_space<vmem>> -> memref<128xi32, #tpu.memory_space<vmem>>
          %dma_start3A_126 = arith.constant 0 : i32
          %dma_start3A_127 = arith.constant 0 : i32
          %dma_start3A_128 = tpu.memref_slice %arg8[%dma_start3A_126, %dma_start3A_127] : memref<10112x128xf32, #tpu.memory_space<vmem_shared>> -> memref<10112x128xf32, #tpu.memory_space<vmem_shared>>
          tpu.enqueue_indirect_dma source(%arg12 : memref<128x128xf32, #tpu.memory_space<vmem>>) target(%dma_start3A_128 : memref<10112x128xf32, #tpu.memory_space<vmem_shared>>) offsets(%dma_start3A_125 : memref<128xi32, #tpu.memory_space<vmem>>) semaphore(%run_scoped3A_122 : memref<!tpu.dma_semaphore, #tpu.memory_space<semaphore_mem>>) {add = true}
          %dma_wait3A_129 = arith.constant 0 : i32
          %dma_wait3A_130 = tpu.memref_slice %arg10[%add3A_115, %dma_wait3A_129] : memref<16x128xi32, #tpu.memory_space<vmem>> -> memref<1x128xi32, #tpu.memory_space<vmem>>
          %dma_wait3A_131 = tpu.memref_squeeze %dma_wait3A_130 : memref<1x128xi32, #tpu.memory_space<vmem>> -> memref<128xi32, #tpu.memory_space<vmem>>
          %dma_wait3A_132 = arith.constant 0 : i32
          %dma_wait3A_133 = arith.constant 0 : i32
          %dma_wait3A_134 = tpu.memref_slice %arg8[%dma_wait3A_132, %dma_wait3A_133] : memref<10112x128xf32, #tpu.memory_space<vmem_shared>> -> memref<10112x128xf32, #tpu.memory_space<vmem_shared>>
          tpu.wait_indirect_dma semaphore(%run_scoped3A_122 : memref<!tpu.dma_semaphore, #tpu.memory_space<semaphore_mem>>) src(%arg12 : memref<128x128xf32, #tpu.memory_space<vmem>>) dst(%dma_wait3A_134 : memref<10112x128xf32, #tpu.memory_space<vmem_shared>>)
          tpu.yield
        }) : () -> ()
      }
      %scan3A_63 = arith.constant 7 : i32
      %dma_start3A_64 = arith.constant 15 : i32
      %dma_start3A_65 = arith.constant 0 : i32
      %dma_start3A_66 = tpu.memref_slice %arg9[%dma_start3A_64, %dma_start3A_65] : memref<16x128xi32, #tpu.memory_space<vmem>> -> memref<1x128xi32, #tpu.memory_space<vmem>>
      %dma_start3A_67 = tpu.memref_squeeze %dma_start3A_66 : memref<1x128xi32, #tpu.memory_space<vmem>> -> memref<128xi32, #tpu.memory_space<vmem>>
      %dma_start3A_68 = arith.constant 0 : i32
      %dma_start3A_69 = arith.constant 0 : i32
      %dma_start3A_70 = tpu.memref_slice %arg2[%dma_start3A_68, %dma_start3A_69] : memref<10000x128xf32, #tpu.memory_space<hbm>> -> memref<10000x128xf32, #tpu.memory_space<hbm>>
      tpu.enqueue_indirect_dma source(%dma_start3A_70 : memref<10000x128xf32, #tpu.memory_space<hbm>>) target(%arg12 : memref<128x128xf32, #tpu.memory_space<vmem>>) offsets(%dma_start3A_67 : memref<128xi32, #tpu.memory_space<vmem>>) semaphore(%arg14 : memref<!tpu.dma_semaphore, #tpu.memory_space<semaphore_mem>>)
      %dma_wait3A = arith.constant 14 : i32
      %dma_wait3A_71 = arith.constant 0 : i32
      %dma_wait3A_72 = tpu.memref_slice %arg9[%dma_wait3A, %dma_wait3A_71] : memref<16x128xi32, #tpu.memory_space<vmem>> -> memref<1x128xi32, #tpu.memory_space<vmem>>
      %dma_wait3A_73 = tpu.memref_squeeze %dma_wait3A_72 : memref<1x128xi32, #tpu.memory_space<vmem>> -> memref<128xi32, #tpu.memory_space<vmem>>
      %dma_wait3A_74 = arith.constant 0 : i32
      %dma_wait3A_75 = arith.constant 0 : i32
      %dma_wait3A_76 = tpu.memref_slice %arg2[%dma_wait3A_74, %dma_wait3A_75] : memref<10000x128xf32, #tpu.memory_space<hbm>> -> memref<10000x128xf32, #tpu.memory_space<hbm>>
      tpu.wait_indirect_dma semaphore(%arg13 : memref<!tpu.dma_semaphore, #tpu.memory_space<semaphore_mem>>) src(%dma_wait3A_76 : memref<10000x128xf32, #tpu.memory_space<hbm>>) dst(%arg11 : memref<128x128xf32, #tpu.memory_space<vmem>>)
      %run_scoped3A = arith.constant 14 : i32
      "tpu.region"() ({
        %run_scoped3A_85 = tpu.sem_alloc : memref<!tpu.dma_semaphore, #tpu.memory_space<semaphore_mem>>
        %dma_start3A_86 = arith.constant 0 : i32
        %dma_start3A_87 = tpu.memref_slice %arg10[%run_scoped3A, %dma_start3A_86] : memref<16x128xi32, #tpu.memory_space<vmem>> -> memref<1x128xi32, #tpu.memory_space<vmem>>
        %dma_start3A_88 = tpu.memref_squeeze %dma_start3A_87 : memref<1x128xi32, #tpu.memory_space<vmem>> -> memref<128xi32, #tpu.memory_space<vmem>>
        %dma_start3A_89 = arith.constant 0 : i32
        %dma_start3A_90 = arith.constant 0 : i32
        %dma_start3A_91 = tpu.memref_slice %arg8[%dma_start3A_89, %dma_start3A_90] : memref<10112x128xf32, #tpu.memory_space<vmem_shared>> -> memref<10112x128xf32, #tpu.memory_space<vmem_shared>>
        tpu.enqueue_indirect_dma source(%arg11 : memref<128x128xf32, #tpu.memory_space<vmem>>) target(%dma_start3A_91 : memref<10112x128xf32, #tpu.memory_space<vmem_shared>>) offsets(%dma_start3A_88 : memref<128xi32, #tpu.memory_space<vmem>>) semaphore(%run_scoped3A_85 : memref<!tpu.dma_semaphore, #tpu.memory_space<semaphore_mem>>) {add = true}
        %dma_wait3A_92 = arith.constant 0 : i32
        %dma_wait3A_93 = tpu.memref_slice %arg10[%run_scoped3A, %dma_wait3A_92] : memref<16x128xi32, #tpu.memory_space<vmem>> -> memref<1x128xi32, #tpu.memory_space<vmem>>
        %dma_wait3A_94 = tpu.memref_squeeze %dma_wait3A_93 : memref<1x128xi32, #tpu.memory_space<vmem>> -> memref<128xi32, #tpu.memory_space<vmem>>
        %dma_wait3A_95 = arith.constant 0 : i32
        %dma_wait3A_96 = arith.constant 0 : i32
        %dma_wait3A_97 = tpu.memref_slice %arg8[%dma_wait3A_95, %dma_wait3A_96] : memref<10112x128xf32, #tpu.memory_space<vmem_shared>> -> memref<10112x128xf32, #tpu.memory_space<vmem_shared>>
        tpu.wait_indirect_dma semaphore(%run_scoped3A_85 : memref<!tpu.dma_semaphore, #tpu.memory_space<semaphore_mem>>) src(%arg11 : memref<128x128xf32, #tpu.memory_space<vmem>>) dst(%dma_wait3A_97 : memref<10112x128xf32, #tpu.memory_space<vmem_shared>>)
        tpu.yield
      }) : () -> ()
      %dma_wait3A_77 = arith.constant 15 : i32
      %dma_wait3A_78 = arith.constant 0 : i32
      %dma_wait3A_79 = tpu.memref_slice %arg9[%dma_wait3A_77, %dma_wait3A_78] : memref<16x128xi32, #tpu.memory_space<vmem>> -> memref<1x128xi32, #tpu.memory_space<vmem>>
      %dma_wait3A_80 = tpu.memref_squeeze %dma_wait3A_79 : memref<1x128xi32, #tpu.memory_space<vmem>> -> memref<128xi32, #tpu.memory_space<vmem>>
      %dma_wait3A_81 = arith.constant 0 : i32
      %dma_wait3A_82 = arith.constant 0 : i32
      %dma_wait3A_83 = tpu.memref_slice %arg2[%dma_wait3A_81, %dma_wait3A_82] : memref<10000x128xf32, #tpu.memory_space<hbm>> -> memref<10000x128xf32, #tpu.memory_space<hbm>>
      tpu.wait_indirect_dma semaphore(%arg14 : memref<!tpu.dma_semaphore, #tpu.memory_space<semaphore_mem>>) src(%dma_wait3A_83 : memref<10000x128xf32, #tpu.memory_space<hbm>>) dst(%arg12 : memref<128x128xf32, #tpu.memory_space<vmem>>)
      %run_scoped3A_84 = arith.constant 15 : i32
      "tpu.region"() ({
        %run_scoped3A_85 = tpu.sem_alloc : memref<!tpu.dma_semaphore, #tpu.memory_space<semaphore_mem>>
        %dma_start3A_86 = arith.constant 0 : i32
        %dma_start3A_87 = tpu.memref_slice %arg10[%run_scoped3A_84, %dma_start3A_86] : memref<16x128xi32, #tpu.memory_space<vmem>> -> memref<1x128xi32, #tpu.memory_space<vmem>>
        %dma_start3A_88 = tpu.memref_squeeze %dma_start3A_87 : memref<1x128xi32, #tpu.memory_space<vmem>> -> memref<128xi32, #tpu.memory_space<vmem>>
        %dma_start3A_89 = arith.constant 0 : i32
        %dma_start3A_90 = arith.constant 0 : i32
        %dma_start3A_91 = tpu.memref_slice %arg8[%dma_start3A_89, %dma_start3A_90] : memref<10112x128xf32, #tpu.memory_space<vmem_shared>> -> memref<10112x128xf32, #tpu.memory_space<vmem_shared>>
        tpu.enqueue_indirect_dma source(%arg12 : memref<128x128xf32, #tpu.memory_space<vmem>>) target(%dma_start3A_91 : memref<10112x128xf32, #tpu.memory_space<vmem_shared>>) offsets(%dma_start3A_88 : memref<128xi32, #tpu.memory_space<vmem>>) semaphore(%run_scoped3A_85 : memref<!tpu.dma_semaphore, #tpu.memory_space<semaphore_mem>>) {add = true}
        %dma_wait3A_92 = arith.constant 0 : i32
        %dma_wait3A_93 = tpu.memref_slice %arg10[%run_scoped3A_84, %dma_wait3A_92] : memref<16x128xi32, #tpu.memory_space<vmem>> -> memref<1x128xi32, #tpu.memory_space<vmem>>
        %dma_wait3A_94 = tpu.memref_squeeze %dma_wait3A_93 : memref<1x128xi32, #tpu.memory_space<vmem>> -> memref<128xi32, #tpu.memory_space<vmem>>
        %dma_wait3A_95 = arith.constant 0 : i32
        %dma_wait3A_96 = arith.constant 0 : i32
        %dma_wait3A_97 = tpu.memref_slice %arg8[%dma_wait3A_95, %dma_wait3A_96] : memref<10112x128xf32, #tpu.memory_space<vmem_shared>> -> memref<10112x128xf32, #tpu.memory_space<vmem_shared>>
        tpu.wait_indirect_dma semaphore(%run_scoped3A_85 : memref<!tpu.dma_semaphore, #tpu.memory_space<semaphore_mem>>) src(%arg12 : memref<128x128xf32, #tpu.memory_space<vmem>>) dst(%dma_wait3A_97 : memref<10112x128xf32, #tpu.memory_space<vmem_shared>>)
        tpu.yield
      }) : () -> ()
    }
    %while3A_21 = arith.constant 1 : i32
    scf.for %while3A_47 = %while3A_19 to %while3A_15 step %while3A_21  : i32 {
      %mul3A_48 = arith.muli %while3A_47, %while3A : i32
      %add3A_49 = arith.addi %while3A_12, %mul3A_48 : i32
      %add3A_50 = arith.addi %mul3A_6, %add3A_49 : i32
      %mul3A_51 = arith.constant 16 : i32
      %mul3A_52 = arith.muli %add3A_50, %mul3A_51 : i32
      %add3A_53 = arith.addi %mul3A_2, %mul3A_52 : i32
      "tpu.region"() ({
        %run_scoped3A_85 = tpu.sem_alloc : memref<!tpu.dma_semaphore, #tpu.memory_space<semaphore_mem>>
        %dma_start3A_86 = arith.constant 0 : i32
        %dma_start3A_87 = tpu.memref_slice %arg3[%add3A_53, %dma_start3A_86] : memref<2560x128xi32, #tpu.memory_space<hbm>> -> memref<16x128xi32, #tpu.memory_space<hbm>>
        %dma_start3A_88 = arith.constant 0 : i32
        %dma_start3A_89 = tpu.memref_slice %arg3[%add3A_53, %dma_start3A_88] : memref<2560x128xi32, #tpu.memory_space<hbm>> -> memref<16x128xi32, #tpu.memory_space<hbm>>
        tpu.enqueue_dma source(%dma_start3A_89 : memref<16x128xi32, #tpu.memory_space<hbm>>) target(%arg9 : memref<16x128xi32, #tpu.memory_space<vmem>>) target_semaphore(%run_scoped3A_85 : memref<!tpu.dma_semaphore, #tpu.memory_space<semaphore_mem>>)
        %dma_wait3A_90 = arith.constant 0 : i32
        %dma_wait3A_91 = tpu.memref_slice %arg3[%add3A_53, %dma_wait3A_90] : memref<2560x128xi32, #tpu.memory_space<hbm>> -> memref<16x128xi32, #tpu.memory_space<hbm>>
        %dma_wait3A_92 = arith.constant 0 : i32
        %dma_wait3A_93 = tpu.memref_slice %arg3[%add3A_53, %dma_wait3A_92] : memref<2560x128xi32, #tpu.memory_space<hbm>> -> memref<16x128xi32, #tpu.memory_space<hbm>>
        tpu.wait_dma2 semaphore(%run_scoped3A_85 : memref<!tpu.dma_semaphore, #tpu.memory_space<semaphore_mem>>) src(%dma_wait3A_93 : memref<16x128xi32, #tpu.memory_space<hbm>>) dst(%arg9 : memref<16x128xi32, #tpu.memory_space<vmem>>)
        tpu.yield
      }) : () -> ()
      "tpu.region"() ({
        %run_scoped3A_85 = tpu.sem_alloc : memref<!tpu.dma_semaphore, #tpu.memory_space<semaphore_mem>>
        %dma_start3A_86 = arith.constant 0 : i32
        %dma_start3A_87 = tpu.memref_slice %arg4[%add3A_53, %dma_start3A_86] : memref<2560x128xi32, #tpu.memory_space<hbm>> -> memref<16x128xi32, #tpu.memory_space<hbm>>
        %dma_start3A_88 = arith.constant 0 : i32
        %dma_start3A_89 = tpu.memref_slice %arg4[%add3A_53, %dma_start3A_88] : memref<2560x128xi32, #tpu.memory_space<hbm>> -> memref<16x128xi32, #tpu.memory_space<hbm>>
        tpu.enqueue_dma source(%dma_start3A_89 : memref<16x128xi32, #tpu.memory_space<hbm>>) target(%arg10 : memref<16x128xi32, #tpu.memory_space<vmem>>) target_semaphore(%run_scoped3A_85 : memref<!tpu.dma_semaphore, #tpu.memory_space<semaphore_mem>>)
        %dma_wait3A_90 = arith.constant 0 : i32
        %dma_wait3A_91 = tpu.memref_slice %arg4[%add3A_53, %dma_wait3A_90] : memref<2560x128xi32, #tpu.memory_space<hbm>> -> memref<16x128xi32, #tpu.memory_space<hbm>>
        %dma_wait3A_92 = arith.constant 0 : i32
        %dma_wait3A_93 = tpu.memref_slice %arg4[%add3A_53, %dma_wait3A_92] : memref<2560x128xi32, #tpu.memory_space<hbm>> -> memref<16x128xi32, #tpu.memory_space<hbm>>
        tpu.wait_dma2 semaphore(%run_scoped3A_85 : memref<!tpu.dma_semaphore, #tpu.memory_space<semaphore_mem>>) src(%dma_wait3A_93 : memref<16x128xi32, #tpu.memory_space<hbm>>) dst(%arg10 : memref<16x128xi32, #tpu.memory_space<vmem>>)
        tpu.yield
      }) : () -> ()
      %dma_start3A = arith.constant 0 : i32
      %dma_start3A_54 = arith.constant 0 : i32
      %dma_start3A_55 = tpu.memref_slice %arg9[%dma_start3A, %dma_start3A_54] : memref<16x128xi32, #tpu.memory_space<vmem>> -> memref<1x128xi32, #tpu.memory_space<vmem>>
      %dma_start3A_56 = tpu.memref_squeeze %dma_start3A_55 : memref<1x128xi32, #tpu.memory_space<vmem>> -> memref<128xi32, #tpu.memory_space<vmem>>
      %dma_start3A_57 = arith.constant 0 : i32
      %dma_start3A_58 = arith.constant 0 : i32
      %dma_start3A_59 = tpu.memref_slice %arg2[%dma_start3A_57, %dma_start3A_58] : memref<10000x128xf32, #tpu.memory_space<hbm>> -> memref<10000x128xf32, #tpu.memory_space<hbm>>
      tpu.enqueue_indirect_dma source(%dma_start3A_59 : memref<10000x128xf32, #tpu.memory_space<hbm>>) target(%arg11 : memref<128x128xf32, #tpu.memory_space<vmem>>) offsets(%dma_start3A_56 : memref<128xi32, #tpu.memory_space<vmem>>) semaphore(%arg13 : memref<!tpu.dma_semaphore, #tpu.memory_space<semaphore_mem>>)
      %scan3A = arith.constant 0 : i32
      %scan3A_60 = arith.constant 7 : i32
      %scan3A_61 = arith.addi %scan3A, %scan3A_60 : i32
      %scan3A_62 = arith.constant 1 : i32
      scf.for %scan3A_85 = %scan3A to %scan3A_61 step %scan3A_62  : i32 {
        %mul3A_86 = arith.constant 1 : i32
        %mul3A_87 = arith.muli %scan3A_85, %mul3A_86 : i32
        %add3A_88 = arith.constant 0 : i32
        %add3A_89 = arith.addi %add3A_88, %mul3A_87 : i32
        %mul3A_90 = arith.constant 2 : i32
        %mul3A_91 = arith.muli %mul3A_90, %add3A_89 : i32
        %add3A_92 = arith.constant 1 : i32
        %add3A_93 = arith.addi %mul3A_91, %add3A_92 : i32
        %dma_start3A_94 = arith.constant 0 : i32
        %dma_start3A_95 = tpu.memref_slice %arg9[%add3A_93, %dma_start3A_94] : memref<16x128xi32, #tpu.memory_space<vmem>> -> memref<1x128xi32, #tpu.memory_space<vmem>>
        %dma_start3A_96 = tpu.memref_squeeze %dma_start3A_95 : memref<1x128xi32, #tpu.memory_space<vmem>> -> memref<128xi32, #tpu.memory_space<vmem>>
        %dma_start3A_97 = arith.constant 0 : i32
        %dma_start3A_98 = arith.constant 0 : i32
        %dma_start3A_99 = tpu.memref_slice %arg2[%dma_start3A_97, %dma_start3A_98] : memref<10000x128xf32, #tpu.memory_space<hbm>> -> memref<10000x128xf32, #tpu.memory_space<hbm>>
        tpu.enqueue_indirect_dma source(%dma_start3A_99 : memref<10000x128xf32, #tpu.memory_space<hbm>>) target(%arg12 : memref<128x128xf32, #tpu.memory_space<vmem>>) offsets(%dma_start3A_96 : memref<128xi32, #tpu.memory_space<vmem>>) semaphore(%arg14 : memref<!tpu.dma_semaphore, #tpu.memory_space<semaphore_mem>>)
        %dma_wait3A_100 = arith.constant 0 : i32
        %dma_wait3A_101 = tpu.memref_slice %arg9[%mul3A_91, %dma_wait3A_100] : memref<16x128xi32, #tpu.memory_space<vmem>> -> memref<1x128xi32, #tpu.memory_space<vmem>>
        %dma_wait3A_102 = tpu.memref_squeeze %dma_wait3A_101 : memref<1x128xi32, #tpu.memory_space<vmem>> -> memref<128xi32, #tpu.memory_space<vmem>>
        %dma_wait3A_103 = arith.constant 0 : i32
        %dma_wait3A_104 = arith.constant 0 : i32
        %dma_wait3A_105 = tpu.memref_slice %arg2[%dma_wait3A_103, %dma_wait3A_104] : memref<10000x128xf32, #tpu.memory_space<hbm>> -> memref<10000x128xf32, #tpu.memory_space<hbm>>
        tpu.wait_indirect_dma semaphore(%arg13 : memref<!tpu.dma_semaphore, #tpu.memory_space<semaphore_mem>>) src(%dma_wait3A_105 : memref<10000x128xf32, #tpu.memory_space<hbm>>) dst(%arg11 : memref<128x128xf32, #tpu.memory_space<vmem>>)
        "tpu.region"() ({
          %run_scoped3A_122 = tpu.sem_alloc : memref<!tpu.dma_semaphore, #tpu.memory_space<semaphore_mem>>
          %dma_start3A_123 = arith.constant 0 : i32
          %dma_start3A_124 = tpu.memref_slice %arg10[%mul3A_91, %dma_start3A_123] : memref<16x128xi32, #tpu.memory_space<vmem>> -> memref<1x128xi32, #tpu.memory_space<vmem>>
          %dma_start3A_125 = tpu.memref_squeeze %dma_start3A_124 : memref<1x128xi32, #tpu.memory_space<vmem>> -> memref<128xi32, #tpu.memory_space<vmem>>
          %dma_start3A_126 = arith.constant 0 : i32
          %dma_start3A_127 = arith.constant 0 : i32
          %dma_start3A_128 = tpu.memref_slice %arg8[%dma_start3A_126, %dma_start3A_127] : memref<10112x128xf32, #tpu.memory_space<vmem_shared>> -> memref<10112x128xf32, #tpu.memory_space<vmem_shared>>
          tpu.enqueue_indirect_dma source(%arg11 : memref<128x128xf32, #tpu.memory_space<vmem>>) target(%dma_start3A_128 : memref<10112x128xf32, #tpu.memory_space<vmem_shared>>) offsets(%dma_start3A_125 : memref<128xi32, #tpu.memory_space<vmem>>) semaphore(%run_scoped3A_122 : memref<!tpu.dma_semaphore, #tpu.memory_space<semaphore_mem>>) {add = true}
          %dma_wait3A_129 = arith.constant 0 : i32
          %dma_wait3A_130 = tpu.memref_slice %arg10[%mul3A_91, %dma_wait3A_129] : memref<16x128xi32, #tpu.memory_space<vmem>> -> memref<1x128xi32, #tpu.memory_space<vmem>>
          %dma_wait3A_131 = tpu.memref_squeeze %dma_wait3A_130 : memref<1x128xi32, #tpu.memory_space<vmem>> -> memref<128xi32, #tpu.memory_space<vmem>>
          %dma_wait3A_132 = arith.constant 0 : i32
          %dma_wait3A_133 = arith.constant 0 : i32
          %dma_wait3A_134 = tpu.memref_slice %arg8[%dma_wait3A_132, %dma_wait3A_133] : memref<10112x128xf32, #tpu.memory_space<vmem_shared>> -> memref<10112x128xf32, #tpu.memory_space<vmem_shared>>
          tpu.wait_indirect_dma semaphore(%run_scoped3A_122 : memref<!tpu.dma_semaphore, #tpu.memory_space<semaphore_mem>>) src(%arg11 : memref<128x128xf32, #tpu.memory_space<vmem>>) dst(%dma_wait3A_134 : memref<10112x128xf32, #tpu.memory_space<vmem_shared>>)
          tpu.yield
        }) : () -> ()
        %add3A_106 = arith.constant 2 : i32
        %add3A_107 = arith.addi %mul3A_91, %add3A_106 : i32
        %dma_start3A_108 = arith.constant 0 : i32
        %dma_start3A_109 = tpu.memref_slice %arg9[%add3A_107, %dma_start3A_108] : memref<16x128xi32, #tpu.memory_space<vmem>> -> memref<1x128xi32, #tpu.memory_space<vmem>>
        %dma_start3A_110 = tpu.memref_squeeze %dma_start3A_109 : memref<1x128xi32, #tpu.memory_space<vmem>> -> memref<128xi32, #tpu.memory_space<vmem>>
        %dma_start3A_111 = arith.constant 0 : i32
        %dma_start3A_112 = arith.constant 0 : i32
        %dma_start3A_113 = tpu.memref_slice %arg2[%dma_start3A_111, %dma_start3A_112] : memref<10000x128xf32, #tpu.memory_space<hbm>> -> memref<10000x128xf32, #tpu.memory_space<hbm>>
        tpu.enqueue_indirect_dma source(%dma_start3A_113 : memref<10000x128xf32, #tpu.memory_space<hbm>>) target(%arg11 : memref<128x128xf32, #tpu.memory_space<vmem>>) offsets(%dma_start3A_110 : memref<128xi32, #tpu.memory_space<vmem>>) semaphore(%arg13 : memref<!tpu.dma_semaphore, #tpu.memory_space<semaphore_mem>>)
        %add3A_114 = arith.constant 1 : i32
        %add3A_115 = arith.addi %mul3A_91, %add3A_114 : i32
        %dma_wait3A_116 = arith.constant 0 : i32
        %dma_wait3A_117 = tpu.memref_slice %arg9[%add3A_115, %dma_wait3A_116] : memref<16x128xi32, #tpu.memory_space<vmem>> -> memref<1x128xi32, #tpu.memory_space<vmem>>
        %dma_wait3A_118 = tpu.memref_squeeze %dma_wait3A_117 : memref<1x128xi32, #tpu.memory_space<vmem>> -> memref<128xi32, #tpu.memory_space<vmem>>
        %dma_wait3A_119 = arith.constant 0 : i32
        %dma_wait3A_120 = arith.constant 0 : i32
        %dma_wait3A_121 = tpu.memref_slice %arg2[%dma_wait3A_119, %dma_wait3A_120] : memref<10000x128xf32, #tpu.memory_space<hbm>> -> memref<10000x128xf32, #tpu.memory_space<hbm>>
        tpu.wait_indirect_dma semaphore(%arg14 : memref<!tpu.dma_semaphore, #tpu.memory_space<semaphore_mem>>) src(%dma_wait3A_121 : memref<10000x128xf32, #tpu.memory_space<hbm>>) dst(%arg12 : memref<128x128xf32, #tpu.memory_space<vmem>>)
        "tpu.region"() ({
          %run_scoped3A_122 = tpu.sem_alloc : memref<!tpu.dma_semaphore, #tpu.memory_space<semaphore_mem>>
          %dma_start3A_123 = arith.constant 0 : i32
          %dma_start3A_124 = tpu.memref_slice %arg10[%add3A_115, %dma_start3A_123] : memref<16x128xi32, #tpu.memory_space<vmem>> -> memref<1x128xi32, #tpu.memory_space<vmem>>
          %dma_start3A_125 = tpu.memref_squeeze %dma_start3A_124 : memref<1x128xi32, #tpu.memory_space<vmem>> -> memref<128xi32, #tpu.memory_space<vmem>>
          %dma_start3A_126 = arith.constant 0 : i32
          %dma_start3A_127 = arith.constant 0 : i32
          %dma_start3A_128 = tpu.memref_slice %arg8[%dma_start3A_126, %dma_start3A_127] : memref<10112x128xf32, #tpu.memory_space<vmem_shared>> -> memref<10112x128xf32, #tpu.memory_space<vmem_shared>>
          tpu.enqueue_indirect_dma source(%arg12 : memref<128x128xf32, #tpu.memory_space<vmem>>) target(%dma_start3A_128 : memref<10112x128xf32, #tpu.memory_space<vmem_shared>>) offsets(%dma_start3A_125 : memref<128xi32, #tpu.memory_space<vmem>>) semaphore(%run_scoped3A_122 : memref<!tpu.dma_semaphore, #tpu.memory_space<semaphore_mem>>) {add = true}
          %dma_wait3A_129 = arith.constant 0 : i32
          %dma_wait3A_130 = tpu.memref_slice %arg10[%add3A_115, %dma_wait3A_129] : memref<16x128xi32, #tpu.memory_space<vmem>> -> memref<1x128xi32, #tpu.memory_space<vmem>>
          %dma_wait3A_131 = tpu.memref_squeeze %dma_wait3A_130 : memref<1x128xi32, #tpu.memory_space<vmem>> -> memref<128xi32, #tpu.memory_space<vmem>>
          %dma_wait3A_132 = arith.constant 0 : i32
          %dma_wait3A_133 = arith.constant 0 : i32
          %dma_wait3A_134 = tpu.memref_slice %arg8[%dma_wait3A_132, %dma_wait3A_133] : memref<10112x128xf32, #tpu.memory_space<vmem_shared>> -> memref<10112x128xf32, #tpu.memory_space<vmem_shared>>
          tpu.wait_indirect_dma semaphore(%run_scoped3A_122 : memref<!tpu.dma_semaphore, #tpu.memory_space<semaphore_mem>>) src(%arg12 : memref<128x128xf32, #tpu.memory_space<vmem>>) dst(%dma_wait3A_134 : memref<10112x128xf32, #tpu.memory_space<vmem_shared>>)
          tpu.yield
        }) : () -> ()
      }
      %scan3A_63 = arith.constant 7 : i32
      %dma_start3A_64 = arith.constant 15 : i32
      %dma_start3A_65 = arith.constant 0 : i32
      %dma_start3A_66 = tpu.memref_slice %arg9[%dma_start3A_64, %dma_start3A_65] : memref<16x128xi32, #tpu.memory_space<vmem>> -> memref<1x128xi32, #tpu.memory_space<vmem>>
      %dma_start3A_67 = tpu.memref_squeeze %dma_start3A_66 : memref<1x128xi32, #tpu.memory_space<vmem>> -> memref<128xi32, #tpu.memory_space<vmem>>
      %dma_start3A_68 = arith.constant 0 : i32
      %dma_start3A_69 = arith.constant 0 : i32
      %dma_start3A_70 = tpu.memref_slice %arg2[%dma_start3A_68, %dma_start3A_69] : memref<10000x128xf32, #tpu.memory_space<hbm>> -> memref<10000x128xf32, #tpu.memory_space<hbm>>
      tpu.enqueue_indirect_dma source(%dma_start3A_70 : memref<10000x128xf32, #tpu.memory_space<hbm>>) target(%arg12 : memref<128x128xf32, #tpu.memory_space<vmem>>) offsets(%dma_start3A_67 : memref<128xi32, #tpu.memory_space<vmem>>) semaphore(%arg14 : memref<!tpu.dma_semaphore, #tpu.memory_space<semaphore_mem>>)
      %dma_wait3A = arith.constant 14 : i32
      %dma_wait3A_71 = arith.constant 0 : i32
      %dma_wait3A_72 = tpu.memref_slice %arg9[%dma_wait3A, %dma_wait3A_71] : memref<16x128xi32, #tpu.memory_space<vmem>> -> memref<1x128xi32, #tpu.memory_space<vmem>>
      %dma_wait3A_73 = tpu.memref_squeeze %dma_wait3A_72 : memref<1x128xi32, #tpu.memory_space<vmem>> -> memref<128xi32, #tpu.memory_space<vmem>>
      %dma_wait3A_74 = arith.constant 0 : i32
      %dma_wait3A_75 = arith.constant 0 : i32
      %dma_wait3A_76 = tpu.memref_slice %arg2[%dma_wait3A_74, %dma_wait3A_75] : memref<10000x128xf32, #tpu.memory_space<hbm>> -> memref<10000x128xf32, #tpu.memory_space<hbm>>
      tpu.wait_indirect_dma semaphore(%arg13 : memref<!tpu.dma_semaphore, #tpu.memory_space<semaphore_mem>>) src(%dma_wait3A_76 : memref<10000x128xf32, #tpu.memory_space<hbm>>) dst(%arg11 : memref<128x128xf32, #tpu.memory_space<vmem>>)
      %run_scoped3A = arith.constant 14 : i32
      "tpu.region"() ({
        %run_scoped3A_85 = tpu.sem_alloc : memref<!tpu.dma_semaphore, #tpu.memory_space<semaphore_mem>>
        %dma_start3A_86 = arith.constant 0 : i32
        %dma_start3A_87 = tpu.memref_slice %arg10[%run_scoped3A, %dma_start3A_86] : memref<16x128xi32, #tpu.memory_space<vmem>> -> memref<1x128xi32, #tpu.memory_space<vmem>>
        %dma_start3A_88 = tpu.memref_squeeze %dma_start3A_87 : memref<1x128xi32, #tpu.memory_space<vmem>> -> memref<128xi32, #tpu.memory_space<vmem>>
        %dma_start3A_89 = arith.constant 0 : i32
        %dma_start3A_90 = arith.constant 0 : i32
        %dma_start3A_91 = tpu.memref_slice %arg8[%dma_start3A_89, %dma_start3A_90] : memref<10112x128xf32, #tpu.memory_space<vmem_shared>> -> memref<10112x128xf32, #tpu.memory_space<vmem_shared>>
        tpu.enqueue_indirect_dma source(%arg11 : memref<128x128xf32, #tpu.memory_space<vmem>>) target(%dma_start3A_91 : memref<10112x128xf32, #tpu.memory_space<vmem_shared>>) offsets(%dma_start3A_88 : memref<128xi32, #tpu.memory_space<vmem>>) semaphore(%run_scoped3A_85 : memref<!tpu.dma_semaphore, #tpu.memory_space<semaphore_mem>>) {add = true}
        %dma_wait3A_92 = arith.constant 0 : i32
        %dma_wait3A_93 = tpu.memref_slice %arg10[%run_scoped3A, %dma_wait3A_92] : memref<16x128xi32, #tpu.memory_space<vmem>> -> memref<1x128xi32, #tpu.memory_space<vmem>>
        %dma_wait3A_94 = tpu.memref_squeeze %dma_wait3A_93 : memref<1x128xi32, #tpu.memory_space<vmem>> -> memref<128xi32, #tpu.memory_space<vmem>>
        %dma_wait3A_95 = arith.constant 0 : i32
        %dma_wait3A_96 = arith.constant 0 : i32
        %dma_wait3A_97 = tpu.memref_slice %arg8[%dma_wait3A_95, %dma_wait3A_96] : memref<10112x128xf32, #tpu.memory_space<vmem_shared>> -> memref<10112x128xf32, #tpu.memory_space<vmem_shared>>
        tpu.wait_indirect_dma semaphore(%run_scoped3A_85 : memref<!tpu.dma_semaphore, #tpu.memory_space<semaphore_mem>>) src(%arg11 : memref<128x128xf32, #tpu.memory_space<vmem>>) dst(%dma_wait3A_97 : memref<10112x128xf32, #tpu.memory_space<vmem_shared>>)
        tpu.yield
      }) : () -> ()
      %dma_wait3A_77 = arith.constant 15 : i32
      %dma_wait3A_78 = arith.constant 0 : i32
      %dma_wait3A_79 = tpu.memref_slice %arg9[%dma_wait3A_77, %dma_wait3A_78] : memref<16x128xi32, #tpu.memory_space<vmem>> -> memref<1x128xi32, #tpu.memory_space<vmem>>
      %dma_wait3A_80 = tpu.memref_squeeze %dma_wait3A_79 : memref<1x128xi32, #tpu.memory_space<vmem>> -> memref<128xi32, #tpu.memory_space<vmem>>
      %dma_wait3A_81 = arith.constant 0 : i32
      %dma_wait3A_82 = arith.constant 0 : i32
      %dma_wait3A_83 = tpu.memref_slice %arg2[%dma_wait3A_81, %dma_wait3A_82] : memref<10000x128xf32, #tpu.memory_space<hbm>> -> memref<10000x128xf32, #tpu.memory_space<hbm>>
      tpu.wait_indirect_dma semaphore(%arg14 : memref<!tpu.dma_semaphore, #tpu.memory_space<semaphore_mem>>) src(%dma_wait3A_83 : memref<10000x128xf32, #tpu.memory_space<hbm>>) dst(%arg12 : memref<128x128xf32, #tpu.memory_space<vmem>>)
      %run_scoped3A_84 = arith.constant 15 : i32
      "tpu.region"() ({
        %run_scoped3A_85 = tpu.sem_alloc : memref<!tpu.dma_semaphore, #tpu.memory_space<semaphore_mem>>
        %dma_start3A_86 = arith.constant 0 : i32
        %dma_start3A_87 = tpu.memref_slice %arg10[%run_scoped3A_84, %dma_start3A_86] : memref<16x128xi32, #tpu.memory_space<vmem>> -> memref<1x128xi32, #tpu.memory_space<vmem>>
        %dma_start3A_88 = tpu.memref_squeeze %dma_start3A_87 : memref<1x128xi32, #tpu.memory_space<vmem>> -> memref<128xi32, #tpu.memory_space<vmem>>
        %dma_start3A_89 = arith.constant 0 : i32
        %dma_start3A_90 = arith.constant 0 : i32
        %dma_start3A_91 = tpu.memref_slice %arg8[%dma_start3A_89, %dma_start3A_90] : memref<10112x128xf32, #tpu.memory_space<vmem_shared>> -> memref<10112x128xf32, #tpu.memory_space<vmem_shared>>
        tpu.enqueue_indirect_dma source(%arg12 : memref<128x128xf32, #tpu.memory_space<vmem>>) target(%dma_start3A_91 : memref<10112x128xf32, #tpu.memory_space<vmem_shared>>) offsets(%dma_start3A_88 : memref<128xi32, #tpu.memory_space<vmem>>) semaphore(%run_scoped3A_85 : memref<!tpu.dma_semaphore, #tpu.memory_space<semaphore_mem>>) {add = true}
        %dma_wait3A_92 = arith.constant 0 : i32
        %dma_wait3A_93 = tpu.memref_slice %arg10[%run_scoped3A_84, %dma_wait3A_92] : memref<16x128xi32, #tpu.memory_space<vmem>> -> memref<1x128xi32, #tpu.memory_space<vmem>>
        %dma_wait3A_94 = tpu.memref_squeeze %dma_wait3A_93 : memref<1x128xi32, #tpu.memory_space<vmem>> -> memref<128xi32, #tpu.memory_space<vmem>>
        %dma_wait3A_95 = arith.constant 0 : i32
        %dma_wait3A_96 = arith.constant 0 : i32
        %dma_wait3A_97 = tpu.memref_slice %arg8[%dma_wait3A_95, %dma_wait3A_96] : memref<10112x128xf32, #tpu.memory_space<vmem_shared>> -> memref<10112x128xf32, #tpu.memory_space<vmem_shared>>
        tpu.wait_indirect_dma semaphore(%run_scoped3A_85 : memref<!tpu.dma_semaphore, #tpu.memory_space<semaphore_mem>>) src(%arg12 : memref<128x128xf32, #tpu.memory_space<vmem>>) dst(%dma_wait3A_97 : memref<10112x128xf32, #tpu.memory_space<vmem_shared>>)
        tpu.yield
      }) : () -> ()
    }
    %eq3A_22 = arith.constant 1 : i32
    %eq3A_23 = arith.cmpi eq, %arg0, %eq3A_22 : i32
    %jit3A_24 = arith.constant 10 : i32
    %jit3A_25 = arith.constant 0 : i32
    %select_n3A_26 = arith.select %eq3A_23, %jit3A_24, %jit3A_25 : i32
    %sub3A_27 = arith.constant 0 : i32
    %sub3A_28 = arith.subi %select_n3A_26, %sub3A_27 : i32
    %sub3A_29 = arith.constant 1 : i32
    %sub3A_30 = arith.constant 1 : i32
    %sub3A_31 = arith.subi %sub3A_29, %sub3A_30 : i32
    %add3A_32 = arith.addi %sub3A_28, %sub3A_31 : i32
    %div3A_33 = arith.constant 1 : i32
    %div3A_34 = arith.divsi %add3A_32, %div3A_33 : i32
    %while3A_35 = arith.constant 1 : i32
    %while3A_36 = arith.constant 0 : i32
    %while3A_37 = arith.constant 0 : i32
    %while3A_38 = arith.subi %div3A_34, %while3A_37 : i32
    %while3A_39 = arith.addi %while3A_37, %while3A_38 : i32
    %while3A_40 = arith.constant 1 : i32
    %while3A_41 = arith.divsi %while3A_38, %while3A_40 : i32
    %while3A_42 = arith.muli %while3A_41, %while3A_40 : i32
    %while3A_43 = arith.addi %while3A_37, %while3A_42 : i32
    %while3A_44 = arith.constant 1 : i32
    scf.for %while3A_47 = %while3A_37 to %while3A_43 step %while3A_44  : i32 {
      %mul3A_48 = arith.muli %while3A_47, %while3A_35 : i32
      %add3A_49 = arith.addi %while3A_36, %mul3A_48 : i32
      %mul3A_50 = arith.constant 16 : i32
      %mul3A_51 = arith.muli %add3A_49, %mul3A_50 : i32
      %add3A_52 = arith.addi %mul3A_2, %mul3A_51 : i32
      "tpu.region"() ({
        %run_scoped3A = tpu.sem_alloc : memref<!tpu.dma_semaphore, #tpu.memory_space<semaphore_mem>>
        %dma_start3A = arith.constant 0 : i32
        %dma_start3A_57 = tpu.memref_slice %arg4[%add3A_52, %dma_start3A] : memref<2560x128xi32, #tpu.memory_space<hbm>> -> memref<16x128xi32, #tpu.memory_space<hbm>>
        %dma_start3A_58 = arith.constant 0 : i32
        %dma_start3A_59 = tpu.memref_slice %arg4[%add3A_52, %dma_start3A_58] : memref<2560x128xi32, #tpu.memory_space<hbm>> -> memref<16x128xi32, #tpu.memory_space<hbm>>
        tpu.enqueue_dma source(%dma_start3A_59 : memref<16x128xi32, #tpu.memory_space<hbm>>) target(%arg10 : memref<16x128xi32, #tpu.memory_space<vmem>>) target_semaphore(%run_scoped3A : memref<!tpu.dma_semaphore, #tpu.memory_space<semaphore_mem>>)
        %dma_wait3A = arith.constant 0 : i32
        %dma_wait3A_60 = tpu.memref_slice %arg4[%add3A_52, %dma_wait3A] : memref<2560x128xi32, #tpu.memory_space<hbm>> -> memref<16x128xi32, #tpu.memory_space<hbm>>
        %dma_wait3A_61 = arith.constant 0 : i32
        %dma_wait3A_62 = tpu.memref_slice %arg4[%add3A_52, %dma_wait3A_61] : memref<2560x128xi32, #tpu.memory_space<hbm>> -> memref<16x128xi32, #tpu.memory_space<hbm>>
        tpu.wait_dma2 semaphore(%run_scoped3A : memref<!tpu.dma_semaphore, #tpu.memory_space<semaphore_mem>>) src(%dma_wait3A_62 : memref<16x128xi32, #tpu.memory_space<hbm>>) dst(%arg10 : memref<16x128xi32, #tpu.memory_space<vmem>>)
        tpu.yield
      }) : () -> ()
      %scan3A = arith.constant 0 : i32
      %scan3A_53 = arith.constant 16 : i32
      %scan3A_54 = arith.addi %scan3A, %scan3A_53 : i32
      %scan3A_55 = arith.constant 1 : i32
      scf.for %scan3A_57 = %scan3A to %scan3A_54 step %scan3A_55  : i32 {
        %mul3A_58 = arith.constant 1 : i32
        %mul3A_59 = arith.muli %scan3A_57, %mul3A_58 : i32
        %add3A_60 = arith.constant 0 : i32
        %add3A_61 = arith.addi %add3A_60, %mul3A_59 : i32
        "tpu.region"() ({
          %run_scoped3A = tpu.sem_alloc : memref<!tpu.dma_semaphore, #tpu.memory_space<semaphore_mem>>
          %dma_start3A = arith.constant 0 : i32
          %dma_start3A_62 = tpu.memref_slice %arg10[%add3A_61, %dma_start3A] : memref<16x128xi32, #tpu.memory_space<vmem>> -> memref<1x128xi32, #tpu.memory_space<vmem>>
          %dma_start3A_63 = tpu.memref_squeeze %dma_start3A_62 : memref<1x128xi32, #tpu.memory_space<vmem>> -> memref<128xi32, #tpu.memory_space<vmem>>
          %dma_start3A_64 = arith.constant 0 : i32
          %dma_start3A_65 = arith.constant 0 : i32
          %dma_start3A_66 = tpu.memref_slice %arg8[%dma_start3A_64, %dma_start3A_65] : memref<10112x128xf32, #tpu.memory_space<vmem_shared>> -> memref<10112x128xf32, #tpu.memory_space<vmem_shared>>
          tpu.enqueue_indirect_dma source(%arg11 : memref<128x128xf32, #tpu.memory_space<vmem>>) target(%dma_start3A_66 : memref<10112x128xf32, #tpu.memory_space<vmem_shared>>) offsets(%dma_start3A_63 : memref<128xi32, #tpu.memory_space<vmem>>) semaphore(%run_scoped3A : memref<!tpu.dma_semaphore, #tpu.memory_space<semaphore_mem>>) {add = true}
          %dma_wait3A = arith.constant 0 : i32
          %dma_wait3A_67 = tpu.memref_slice %arg10[%add3A_61, %dma_wait3A] : memref<16x128xi32, #tpu.memory_space<vmem>> -> memref<1x128xi32, #tpu.memory_space<vmem>>
          %dma_wait3A_68 = tpu.memref_squeeze %dma_wait3A_67 : memref<1x128xi32, #tpu.memory_space<vmem>> -> memref<128xi32, #tpu.memory_space<vmem>>
          %dma_wait3A_69 = arith.constant 0 : i32
          %dma_wait3A_70 = arith.constant 0 : i32
          %dma_wait3A_71 = tpu.memref_slice %arg8[%dma_wait3A_69, %dma_wait3A_70] : memref<10112x128xf32, #tpu.memory_space<vmem_shared>> -> memref<10112x128xf32, #tpu.memory_space<vmem_shared>>
          tpu.wait_indirect_dma semaphore(%run_scoped3A : memref<!tpu.dma_semaphore, #tpu.memory_space<semaphore_mem>>) src(%arg11 : memref<128x128xf32, #tpu.memory_space<vmem>>) dst(%dma_wait3A_71 : memref<10112x128xf32, #tpu.memory_space<vmem_shared>>)
          tpu.yield
        }) : () -> ()
      }
      %scan3A_56 = arith.constant 16 : i32
    }
    %while3A_45 = arith.constant 1 : i32
    scf.for %while3A_47 = %while3A_43 to %while3A_39 step %while3A_45  : i32 {
      %mul3A_48 = arith.muli %while3A_47, %while3A_35 : i32
      %add3A_49 = arith.addi %while3A_36, %mul3A_48 : i32
      %mul3A_50 = arith.constant 16 : i32
      %mul3A_51 = arith.muli %add3A_49, %mul3A_50 : i32
      %add3A_52 = arith.addi %mul3A_2, %mul3A_51 : i32
      "tpu.region"() ({
        %run_scoped3A = tpu.sem_alloc : memref<!tpu.dma_semaphore, #tpu.memory_space<semaphore_mem>>
        %dma_start3A = arith.constant 0 : i32
        %dma_start3A_57 = tpu.memref_slice %arg4[%add3A_52, %dma_start3A] : memref<2560x128xi32, #tpu.memory_space<hbm>> -> memref<16x128xi32, #tpu.memory_space<hbm>>
        %dma_start3A_58 = arith.constant 0 : i32
        %dma_start3A_59 = tpu.memref_slice %arg4[%add3A_52, %dma_start3A_58] : memref<2560x128xi32, #tpu.memory_space<hbm>> -> memref<16x128xi32, #tpu.memory_space<hbm>>
        tpu.enqueue_dma source(%dma_start3A_59 : memref<16x128xi32, #tpu.memory_space<hbm>>) target(%arg10 : memref<16x128xi32, #tpu.memory_space<vmem>>) target_semaphore(%run_scoped3A : memref<!tpu.dma_semaphore, #tpu.memory_space<semaphore_mem>>)
        %dma_wait3A = arith.constant 0 : i32
        %dma_wait3A_60 = tpu.memref_slice %arg4[%add3A_52, %dma_wait3A] : memref<2560x128xi32, #tpu.memory_space<hbm>> -> memref<16x128xi32, #tpu.memory_space<hbm>>
        %dma_wait3A_61 = arith.constant 0 : i32
        %dma_wait3A_62 = tpu.memref_slice %arg4[%add3A_52, %dma_wait3A_61] : memref<2560x128xi32, #tpu.memory_space<hbm>> -> memref<16x128xi32, #tpu.memory_space<hbm>>
        tpu.wait_dma2 semaphore(%run_scoped3A : memref<!tpu.dma_semaphore, #tpu.memory_space<semaphore_mem>>) src(%dma_wait3A_62 : memref<16x128xi32, #tpu.memory_space<hbm>>) dst(%arg10 : memref<16x128xi32, #tpu.memory_space<vmem>>)
        tpu.yield
      }) : () -> ()
      %scan3A = arith.constant 0 : i32
      %scan3A_53 = arith.constant 16 : i32
      %scan3A_54 = arith.addi %scan3A, %scan3A_53 : i32
      %scan3A_55 = arith.constant 1 : i32
      scf.for %scan3A_57 = %scan3A to %scan3A_54 step %scan3A_55  : i32 {
        %mul3A_58 = arith.constant 1 : i32
        %mul3A_59 = arith.muli %scan3A_57, %mul3A_58 : i32
        %add3A_60 = arith.constant 0 : i32
        %add3A_61 = arith.addi %add3A_60, %mul3A_59 : i32
        "tpu.region"() ({
          %run_scoped3A = tpu.sem_alloc : memref<!tpu.dma_semaphore, #tpu.memory_space<semaphore_mem>>
          %dma_start3A = arith.constant 0 : i32
          %dma_start3A_62 = tpu.memref_slice %arg10[%add3A_61, %dma_start3A] : memref<16x128xi32, #tpu.memory_space<vmem>> -> memref<1x128xi32, #tpu.memory_space<vmem>>
          %dma_start3A_63 = tpu.memref_squeeze %dma_start3A_62 : memref<1x128xi32, #tpu.memory_space<vmem>> -> memref<128xi32, #tpu.memory_space<vmem>>
          %dma_start3A_64 = arith.constant 0 : i32
          %dma_start3A_65 = arith.constant 0 : i32
          %dma_start3A_66 = tpu.memref_slice %arg8[%dma_start3A_64, %dma_start3A_65] : memref<10112x128xf32, #tpu.memory_space<vmem_shared>> -> memref<10112x128xf32, #tpu.memory_space<vmem_shared>>
          tpu.enqueue_indirect_dma source(%arg11 : memref<128x128xf32, #tpu.memory_space<vmem>>) target(%dma_start3A_66 : memref<10112x128xf32, #tpu.memory_space<vmem_shared>>) offsets(%dma_start3A_63 : memref<128xi32, #tpu.memory_space<vmem>>) semaphore(%run_scoped3A : memref<!tpu.dma_semaphore, #tpu.memory_space<semaphore_mem>>) {add = true}
          %dma_wait3A = arith.constant 0 : i32
          %dma_wait3A_67 = tpu.memref_slice %arg10[%add3A_61, %dma_wait3A] : memref<16x128xi32, #tpu.memory_space<vmem>> -> memref<1x128xi32, #tpu.memory_space<vmem>>
          %dma_wait3A_68 = tpu.memref_squeeze %dma_wait3A_67 : memref<1x128xi32, #tpu.memory_space<vmem>> -> memref<128xi32, #tpu.memory_space<vmem>>
          %dma_wait3A_69 = arith.constant 0 : i32
          %dma_wait3A_70 = arith.constant 0 : i32
          %dma_wait3A_71 = tpu.memref_slice %arg8[%dma_wait3A_69, %dma_wait3A_70] : memref<10112x128xf32, #tpu.memory_space<vmem_shared>> -> memref<10112x128xf32, #tpu.memory_space<vmem_shared>>
          tpu.wait_indirect_dma semaphore(%run_scoped3A : memref<!tpu.dma_semaphore, #tpu.memory_space<semaphore_mem>>) src(%arg11 : memref<128x128xf32, #tpu.memory_space<vmem>>) dst(%dma_wait3A_71 : memref<10112x128xf32, #tpu.memory_space<vmem_shared>>)
          tpu.yield
        }) : () -> ()
      }
      %scan3A_56 = arith.constant 16 : i32
    }
    %barrier3A_46 = arith.constant 0 : index
    tpu.barrier barrier_id(%barrier3A_46)
    "tpu.region"() ({
      %run_scoped3A = tpu.sem_alloc : memref<!tpu.dma_semaphore, #tpu.memory_space<semaphore_mem>>
      %dma_start3A = arith.constant 0 : i32
      %dma_start3A_47 = arith.constant 0 : i32
      %dma_start3A_48 = tpu.memref_slice %arg7[%arg0, %dma_start3A, %dma_start3A_47] : memref<2x10112x128xf32, #tpu.memory_space<hbm>> -> memref<1x10112x128xf32, #tpu.memory_space<hbm>>
      %dma_start3A_49 = tpu.memref_squeeze %dma_start3A_48 : memref<1x10112x128xf32, #tpu.memory_space<hbm>> -> memref<10112x128xf32, #tpu.memory_space<hbm>>
      %dma_start3A_50 = arith.constant 0 : i32
      %dma_start3A_51 = tpu.memref_slice %dma_start3A_49[%mul3A_0, %dma_start3A_50] : memref<10112x128xf32, #tpu.memory_space<hbm>> -> memref<632x128xf32, #tpu.memory_space<hbm>>
      %dma_start3A_52 = arith.constant 0 : i32
      %dma_start3A_53 = tpu.memref_slice %arg8[%mul3A_0, %dma_start3A_52] : memref<10112x128xf32, #tpu.memory_space<vmem_shared>> -> memref<632x128xf32, #tpu.memory_space<vmem_shared>>
      tpu.enqueue_dma source(%dma_start3A_53 : memref<632x128xf32, #tpu.memory_space<vmem_shared>>) target(%dma_start3A_51 : memref<632x128xf32, #tpu.memory_space<hbm>>) target_semaphore(%run_scoped3A : memref<!tpu.dma_semaphore, #tpu.memory_space<semaphore_mem>>)
      %dma_wait3A = arith.constant 0 : i32
      %dma_wait3A_54 = arith.constant 0 : i32
      %dma_wait3A_55 = tpu.memref_slice %arg7[%arg0, %dma_wait3A, %dma_wait3A_54] : memref<2x10112x128xf32, #tpu.memory_space<hbm>> -> memref<1x10112x128xf32, #tpu.memory_space<hbm>>
      %dma_wait3A_56 = tpu.memref_squeeze %dma_wait3A_55 : memref<1x10112x128xf32, #tpu.memory_space<hbm>> -> memref<10112x128xf32, #tpu.memory_space<hbm>>
      %dma_wait3A_57 = arith.constant 0 : i32
      %dma_wait3A_58 = tpu.memref_slice %dma_wait3A_56[%mul3A_0, %dma_wait3A_57] : memref<10112x128xf32, #tpu.memory_space<hbm>> -> memref<632x128xf32, #tpu.memory_space<hbm>>
      %dma_wait3A_59 = arith.constant 0 : i32
      %dma_wait3A_60 = tpu.memref_slice %arg8[%mul3A_0, %dma_wait3A_59] : memref<10112x128xf32, #tpu.memory_space<vmem_shared>> -> memref<632x128xf32, #tpu.memory_space<vmem_shared>>
      tpu.wait_dma2 semaphore(%run_scoped3A : memref<!tpu.dma_semaphore, #tpu.memory_space<semaphore_mem>>) src(%dma_wait3A_60 : memref<632x128xf32, #tpu.memory_space<vmem_shared>>) dst(%dma_wait3A_58 : memref<632x128xf32, #tpu.memory_space<hbm>>)
      tpu.yield
    }) : () -> ()
    return
  }
}

#map = affine_map<(d0, d1) -> (0, 0)>
#map1 = affine_map<(d0, d1) -> (0, 0, 0)>
module attributes {stable_mosaic.version = 14 : i64} {
  func.func @_agg_body(%arg0: i32, %arg1: i32, %arg2: memref<10000x128xf32, #tpu.memory_space<hbm>>, %arg3: memref<2560x128xi32, #tpu.memory_space<hbm>>, %arg4: memref<2560x128xi32, #tpu.memory_space<hbm>>, %arg5: memref<10112x128xf32, #tpu.memory_space<hbm>>, %arg6: memref<128x128xf32, #tpu.memory_space<hbm>>, %arg7: memref<2x10112x128xf32, #tpu.memory_space<hbm>>, %arg8: memref<10112x128xf32, #tpu.memory_space<vmem_shared>>, %arg9: memref<16x128xi32, #tpu.memory_space<vmem>>, %arg10: memref<16x128xi32, #tpu.memory_space<vmem>>, %arg11: memref<128x128xf32, #tpu.memory_space<vmem>>, %arg12: memref<128x128xf32, #tpu.memory_space<vmem>>, %arg13: memref<!tpu.dma_semaphore, #tpu.memory_space<semaphore_mem>>, %arg14: memref<!tpu.dma_semaphore, #tpu.memory_space<semaphore_mem>>) attributes {dimension_semantics = [#tpu.dimension_semantics<core_parallel>, #tpu.dimension_semantics<subcore_parallel>], iteration_bounds = array<i64: 2, 16>, scalar_prefetch = 0 : i64, scratch_operands = 7 : i64, tpu.core_type = #tpu.core_type<sc_vector_subcore>, window_params = [{transform_indices = #map}, {transform_indices = #map}, {transform_indices = #map}, {transform_indices = #map}, {transform_indices = #map}, {transform_indices = #map1}]} {
    %mul3A = arith.constant 632 : i32
    %mul3A_0 = arith.muli %arg1, %mul3A : i32
    "tpu.region"() ({
      %run_scoped3A = tpu.sem_alloc : memref<!tpu.dma_semaphore, #tpu.memory_space<semaphore_mem>>
      %dma_start3A = arith.constant 0 : i32
      %dma_start3A_10 = tpu.memref_slice %arg8[%mul3A_0, %dma_start3A] : memref<10112x128xf32, #tpu.memory_space<vmem_shared>> -> memref<632x128xf32, #tpu.memory_space<vmem_shared>>
      %dma_start3A_11 = arith.constant 0 : i32
      %dma_start3A_12 = tpu.memref_slice %arg5[%mul3A_0, %dma_start3A_11] : memref<10112x128xf32, #tpu.memory_space<hbm>> -> memref<632x128xf32, #tpu.memory_space<hbm>>
      tpu.enqueue_dma source(%dma_start3A_12 : memref<632x128xf32, #tpu.memory_space<hbm>>) target(%dma_start3A_10 : memref<632x128xf32, #tpu.memory_space<vmem_shared>>) target_semaphore(%run_scoped3A : memref<!tpu.dma_semaphore, #tpu.memory_space<semaphore_mem>>)
      %dma_wait3A = arith.constant 0 : i32
      %dma_wait3A_13 = tpu.memref_slice %arg8[%mul3A_0, %dma_wait3A] : memref<10112x128xf32, #tpu.memory_space<vmem_shared>> -> memref<632x128xf32, #tpu.memory_space<vmem_shared>>
      %dma_wait3A_14 = arith.constant 0 : i32
      %dma_wait3A_15 = tpu.memref_slice %arg5[%mul3A_0, %dma_wait3A_14] : memref<10112x128xf32, #tpu.memory_space<hbm>> -> memref<632x128xf32, #tpu.memory_space<hbm>>
      tpu.wait_dma2 semaphore(%run_scoped3A : memref<!tpu.dma_semaphore, #tpu.memory_space<semaphore_mem>>) src(%dma_wait3A_15 : memref<632x128xf32, #tpu.memory_space<hbm>>) dst(%dma_wait3A_13 : memref<632x128xf32, #tpu.memory_space<vmem_shared>>)
      tpu.yield
    }) : () -> ()
    %barrier3A = arith.constant 0 : index
    tpu.barrier barrier_id(%barrier3A)
    %mul3A_1 = arith.constant 160 : i32
    %mul3A_2 = arith.muli %arg1, %mul3A_1 : i32
    %eq3A = arith.constant 0 : i32
    %eq3A_3 = arith.cmpi eq, %arg0, %eq3A : i32
    %jit3A = arith.constant 0 : i32
    %jit3A_4 = arith.constant 5 : i32
    %select_n3A = arith.select %eq3A_3, %jit3A, %jit3A_4 : i32
    %scan3A = arith.constant 0 : i32
    %scan3A_5 = arith.constant 5 : i32
    %scan3A_6 = arith.addi %scan3A, %scan3A_5 : i32
    %scan3A_7 = arith.constant 1 : i32
    scf.for %scan3A_10 = %scan3A to %scan3A_6 step %scan3A_7  : i32 {
      %mul3A_11 = arith.constant 1 : i32
      %mul3A_12 = arith.muli %scan3A_10, %mul3A_11 : i32
      %add3A = arith.constant 0 : i32
      %add3A_13 = arith.addi %add3A, %mul3A_12 : i32
      %add3A_14 = arith.addi %select_n3A, %add3A_13 : i32
      %mul3A_15 = arith.constant 16 : i32
      %mul3A_16 = arith.muli %add3A_14, %mul3A_15 : i32
      %add3A_17 = arith.addi %mul3A_2, %mul3A_16 : i32
      "tpu.region"() ({
        %run_scoped3A_50 = tpu.sem_alloc : memref<!tpu.dma_semaphore, #tpu.memory_space<semaphore_mem>>
        %dma_start3A_51 = arith.constant 0 : i32
        %dma_start3A_52 = tpu.memref_slice %arg3[%add3A_17, %dma_start3A_51] : memref<2560x128xi32, #tpu.memory_space<hbm>> -> memref<16x128xi32, #tpu.memory_space<hbm>>
        %dma_start3A_53 = arith.constant 0 : i32
        %dma_start3A_54 = tpu.memref_slice %arg3[%add3A_17, %dma_start3A_53] : memref<2560x128xi32, #tpu.memory_space<hbm>> -> memref<16x128xi32, #tpu.memory_space<hbm>>
        tpu.enqueue_dma source(%dma_start3A_54 : memref<16x128xi32, #tpu.memory_space<hbm>>) target(%arg9 : memref<16x128xi32, #tpu.memory_space<vmem>>) target_semaphore(%run_scoped3A_50 : memref<!tpu.dma_semaphore, #tpu.memory_space<semaphore_mem>>)
        %dma_wait3A_55 = arith.constant 0 : i32
        %dma_wait3A_56 = tpu.memref_slice %arg3[%add3A_17, %dma_wait3A_55] : memref<2560x128xi32, #tpu.memory_space<hbm>> -> memref<16x128xi32, #tpu.memory_space<hbm>>
        %dma_wait3A_57 = arith.constant 0 : i32
        %dma_wait3A_58 = tpu.memref_slice %arg3[%add3A_17, %dma_wait3A_57] : memref<2560x128xi32, #tpu.memory_space<hbm>> -> memref<16x128xi32, #tpu.memory_space<hbm>>
        tpu.wait_dma2 semaphore(%run_scoped3A_50 : memref<!tpu.dma_semaphore, #tpu.memory_space<semaphore_mem>>) src(%dma_wait3A_58 : memref<16x128xi32, #tpu.memory_space<hbm>>) dst(%arg9 : memref<16x128xi32, #tpu.memory_space<vmem>>)
        tpu.yield
      }) : () -> ()
      "tpu.region"() ({
        %run_scoped3A_50 = tpu.sem_alloc : memref<!tpu.dma_semaphore, #tpu.memory_space<semaphore_mem>>
        %dma_start3A_51 = arith.constant 0 : i32
        %dma_start3A_52 = tpu.memref_slice %arg4[%add3A_17, %dma_start3A_51] : memref<2560x128xi32, #tpu.memory_space<hbm>> -> memref<16x128xi32, #tpu.memory_space<hbm>>
        %dma_start3A_53 = arith.constant 0 : i32
        %dma_start3A_54 = tpu.memref_slice %arg4[%add3A_17, %dma_start3A_53] : memref<2560x128xi32, #tpu.memory_space<hbm>> -> memref<16x128xi32, #tpu.memory_space<hbm>>
        tpu.enqueue_dma source(%dma_start3A_54 : memref<16x128xi32, #tpu.memory_space<hbm>>) target(%arg10 : memref<16x128xi32, #tpu.memory_space<vmem>>) target_semaphore(%run_scoped3A_50 : memref<!tpu.dma_semaphore, #tpu.memory_space<semaphore_mem>>)
        %dma_wait3A_55 = arith.constant 0 : i32
        %dma_wait3A_56 = tpu.memref_slice %arg4[%add3A_17, %dma_wait3A_55] : memref<2560x128xi32, #tpu.memory_space<hbm>> -> memref<16x128xi32, #tpu.memory_space<hbm>>
        %dma_wait3A_57 = arith.constant 0 : i32
        %dma_wait3A_58 = tpu.memref_slice %arg4[%add3A_17, %dma_wait3A_57] : memref<2560x128xi32, #tpu.memory_space<hbm>> -> memref<16x128xi32, #tpu.memory_space<hbm>>
        tpu.wait_dma2 semaphore(%run_scoped3A_50 : memref<!tpu.dma_semaphore, #tpu.memory_space<semaphore_mem>>) src(%dma_wait3A_58 : memref<16x128xi32, #tpu.memory_space<hbm>>) dst(%arg10 : memref<16x128xi32, #tpu.memory_space<vmem>>)
        tpu.yield
      }) : () -> ()
      %dma_start3A = arith.constant 0 : i32
      %dma_start3A_18 = arith.constant 0 : i32
      %dma_start3A_19 = tpu.memref_slice %arg9[%dma_start3A, %dma_start3A_18] : memref<16x128xi32, #tpu.memory_space<vmem>> -> memref<1x128xi32, #tpu.memory_space<vmem>>
      %dma_start3A_20 = tpu.memref_squeeze %dma_start3A_19 : memref<1x128xi32, #tpu.memory_space<vmem>> -> memref<128xi32, #tpu.memory_space<vmem>>
      %dma_start3A_21 = arith.constant 0 : i32
      %dma_start3A_22 = arith.constant 0 : i32
      %dma_start3A_23 = tpu.memref_slice %arg2[%dma_start3A_21, %dma_start3A_22] : memref<10000x128xf32, #tpu.memory_space<hbm>> -> memref<10000x128xf32, #tpu.memory_space<hbm>>
      tpu.enqueue_indirect_dma source(%dma_start3A_23 : memref<10000x128xf32, #tpu.memory_space<hbm>>) target(%arg11 : memref<128x128xf32, #tpu.memory_space<vmem>>) offsets(%dma_start3A_20 : memref<128xi32, #tpu.memory_space<vmem>>) semaphore(%arg13 : memref<!tpu.dma_semaphore, #tpu.memory_space<semaphore_mem>>)
      %scan3A_24 = arith.constant 0 : i32
      %scan3A_25 = arith.constant 7 : i32
      %scan3A_26 = arith.addi %scan3A_24, %scan3A_25 : i32
      %scan3A_27 = arith.constant 1 : i32
      scf.for %scan3A_50 = %scan3A_24 to %scan3A_26 step %scan3A_27  : i32 {
        %mul3A_51 = arith.constant 1 : i32
        %mul3A_52 = arith.muli %scan3A_50, %mul3A_51 : i32
        %add3A_53 = arith.constant 0 : i32
        %add3A_54 = arith.addi %add3A_53, %mul3A_52 : i32
        %mul3A_55 = arith.constant 2 : i32
        %mul3A_56 = arith.muli %mul3A_55, %add3A_54 : i32
        %add3A_57 = arith.constant 1 : i32
        %add3A_58 = arith.addi %mul3A_56, %add3A_57 : i32
        %dma_start3A_59 = arith.constant 0 : i32
        %dma_start3A_60 = tpu.memref_slice %arg9[%add3A_58, %dma_start3A_59] : memref<16x128xi32, #tpu.memory_space<vmem>> -> memref<1x128xi32, #tpu.memory_space<vmem>>
        %dma_start3A_61 = tpu.memref_squeeze %dma_start3A_60 : memref<1x128xi32, #tpu.memory_space<vmem>> -> memref<128xi32, #tpu.memory_space<vmem>>
        %dma_start3A_62 = arith.constant 0 : i32
        %dma_start3A_63 = arith.constant 0 : i32
        %dma_start3A_64 = tpu.memref_slice %arg2[%dma_start3A_62, %dma_start3A_63] : memref<10000x128xf32, #tpu.memory_space<hbm>> -> memref<10000x128xf32, #tpu.memory_space<hbm>>
        tpu.enqueue_indirect_dma source(%dma_start3A_64 : memref<10000x128xf32, #tpu.memory_space<hbm>>) target(%arg12 : memref<128x128xf32, #tpu.memory_space<vmem>>) offsets(%dma_start3A_61 : memref<128xi32, #tpu.memory_space<vmem>>) semaphore(%arg14 : memref<!tpu.dma_semaphore, #tpu.memory_space<semaphore_mem>>)
        %dma_wait3A_65 = arith.constant 0 : i32
        %dma_wait3A_66 = tpu.memref_slice %arg9[%mul3A_56, %dma_wait3A_65] : memref<16x128xi32, #tpu.memory_space<vmem>> -> memref<1x128xi32, #tpu.memory_space<vmem>>
        %dma_wait3A_67 = tpu.memref_squeeze %dma_wait3A_66 : memref<1x128xi32, #tpu.memory_space<vmem>> -> memref<128xi32, #tpu.memory_space<vmem>>
        %dma_wait3A_68 = arith.constant 0 : i32
        %dma_wait3A_69 = arith.constant 0 : i32
        %dma_wait3A_70 = tpu.memref_slice %arg2[%dma_wait3A_68, %dma_wait3A_69] : memref<10000x128xf32, #tpu.memory_space<hbm>> -> memref<10000x128xf32, #tpu.memory_space<hbm>>
        tpu.wait_indirect_dma semaphore(%arg13 : memref<!tpu.dma_semaphore, #tpu.memory_space<semaphore_mem>>) src(%dma_wait3A_70 : memref<10000x128xf32, #tpu.memory_space<hbm>>) dst(%arg11 : memref<128x128xf32, #tpu.memory_space<vmem>>)
        "tpu.region"() ({
          %run_scoped3A_87 = tpu.sem_alloc : memref<!tpu.dma_semaphore, #tpu.memory_space<semaphore_mem>>
          %dma_start3A_88 = arith.constant 0 : i32
          %dma_start3A_89 = tpu.memref_slice %arg10[%mul3A_56, %dma_start3A_88] : memref<16x128xi32, #tpu.memory_space<vmem>> -> memref<1x128xi32, #tpu.memory_space<vmem>>
          %dma_start3A_90 = tpu.memref_squeeze %dma_start3A_89 : memref<1x128xi32, #tpu.memory_space<vmem>> -> memref<128xi32, #tpu.memory_space<vmem>>
          %dma_start3A_91 = arith.constant 0 : i32
          %dma_start3A_92 = arith.constant 0 : i32
          %dma_start3A_93 = tpu.memref_slice %arg8[%dma_start3A_91, %dma_start3A_92] : memref<10112x128xf32, #tpu.memory_space<vmem_shared>> -> memref<10112x128xf32, #tpu.memory_space<vmem_shared>>
          tpu.enqueue_indirect_dma source(%arg11 : memref<128x128xf32, #tpu.memory_space<vmem>>) target(%dma_start3A_93 : memref<10112x128xf32, #tpu.memory_space<vmem_shared>>) offsets(%dma_start3A_90 : memref<128xi32, #tpu.memory_space<vmem>>) semaphore(%run_scoped3A_87 : memref<!tpu.dma_semaphore, #tpu.memory_space<semaphore_mem>>) {add = true}
          %dma_wait3A_94 = arith.constant 0 : i32
          %dma_wait3A_95 = tpu.memref_slice %arg10[%mul3A_56, %dma_wait3A_94] : memref<16x128xi32, #tpu.memory_space<vmem>> -> memref<1x128xi32, #tpu.memory_space<vmem>>
          %dma_wait3A_96 = tpu.memref_squeeze %dma_wait3A_95 : memref<1x128xi32, #tpu.memory_space<vmem>> -> memref<128xi32, #tpu.memory_space<vmem>>
          %dma_wait3A_97 = arith.constant 0 : i32
          %dma_wait3A_98 = arith.constant 0 : i32
          %dma_wait3A_99 = tpu.memref_slice %arg8[%dma_wait3A_97, %dma_wait3A_98] : memref<10112x128xf32, #tpu.memory_space<vmem_shared>> -> memref<10112x128xf32, #tpu.memory_space<vmem_shared>>
          tpu.wait_indirect_dma semaphore(%run_scoped3A_87 : memref<!tpu.dma_semaphore, #tpu.memory_space<semaphore_mem>>) src(%arg11 : memref<128x128xf32, #tpu.memory_space<vmem>>) dst(%dma_wait3A_99 : memref<10112x128xf32, #tpu.memory_space<vmem_shared>>)
          tpu.yield
        }) : () -> ()
        %add3A_71 = arith.constant 2 : i32
        %add3A_72 = arith.addi %mul3A_56, %add3A_71 : i32
        %dma_start3A_73 = arith.constant 0 : i32
        %dma_start3A_74 = tpu.memref_slice %arg9[%add3A_72, %dma_start3A_73] : memref<16x128xi32, #tpu.memory_space<vmem>> -> memref<1x128xi32, #tpu.memory_space<vmem>>
        %dma_start3A_75 = tpu.memref_squeeze %dma_start3A_74 : memref<1x128xi32, #tpu.memory_space<vmem>> -> memref<128xi32, #tpu.memory_space<vmem>>
        %dma_start3A_76 = arith.constant 0 : i32
        %dma_start3A_77 = arith.constant 0 : i32
        %dma_start3A_78 = tpu.memref_slice %arg2[%dma_start3A_76, %dma_start3A_77] : memref<10000x128xf32, #tpu.memory_space<hbm>> -> memref<10000x128xf32, #tpu.memory_space<hbm>>
        tpu.enqueue_indirect_dma source(%dma_start3A_78 : memref<10000x128xf32, #tpu.memory_space<hbm>>) target(%arg11 : memref<128x128xf32, #tpu.memory_space<vmem>>) offsets(%dma_start3A_75 : memref<128xi32, #tpu.memory_space<vmem>>) semaphore(%arg13 : memref<!tpu.dma_semaphore, #tpu.memory_space<semaphore_mem>>)
        %add3A_79 = arith.constant 1 : i32
        %add3A_80 = arith.addi %mul3A_56, %add3A_79 : i32
        %dma_wait3A_81 = arith.constant 0 : i32
        %dma_wait3A_82 = tpu.memref_slice %arg9[%add3A_80, %dma_wait3A_81] : memref<16x128xi32, #tpu.memory_space<vmem>> -> memref<1x128xi32, #tpu.memory_space<vmem>>
        %dma_wait3A_83 = tpu.memref_squeeze %dma_wait3A_82 : memref<1x128xi32, #tpu.memory_space<vmem>> -> memref<128xi32, #tpu.memory_space<vmem>>
        %dma_wait3A_84 = arith.constant 0 : i32
        %dma_wait3A_85 = arith.constant 0 : i32
        %dma_wait3A_86 = tpu.memref_slice %arg2[%dma_wait3A_84, %dma_wait3A_85] : memref<10000x128xf32, #tpu.memory_space<hbm>> -> memref<10000x128xf32, #tpu.memory_space<hbm>>
        tpu.wait_indirect_dma semaphore(%arg14 : memref<!tpu.dma_semaphore, #tpu.memory_space<semaphore_mem>>) src(%dma_wait3A_86 : memref<10000x128xf32, #tpu.memory_space<hbm>>) dst(%arg12 : memref<128x128xf32, #tpu.memory_space<vmem>>)
        "tpu.region"() ({
          %run_scoped3A_87 = tpu.sem_alloc : memref<!tpu.dma_semaphore, #tpu.memory_space<semaphore_mem>>
          %dma_start3A_88 = arith.constant 0 : i32
          %dma_start3A_89 = tpu.memref_slice %arg10[%add3A_80, %dma_start3A_88] : memref<16x128xi32, #tpu.memory_space<vmem>> -> memref<1x128xi32, #tpu.memory_space<vmem>>
          %dma_start3A_90 = tpu.memref_squeeze %dma_start3A_89 : memref<1x128xi32, #tpu.memory_space<vmem>> -> memref<128xi32, #tpu.memory_space<vmem>>
          %dma_start3A_91 = arith.constant 0 : i32
          %dma_start3A_92 = arith.constant 0 : i32
          %dma_start3A_93 = tpu.memref_slice %arg8[%dma_start3A_91, %dma_start3A_92] : memref<10112x128xf32, #tpu.memory_space<vmem_shared>> -> memref<10112x128xf32, #tpu.memory_space<vmem_shared>>
          tpu.enqueue_indirect_dma source(%arg12 : memref<128x128xf32, #tpu.memory_space<vmem>>) target(%dma_start3A_93 : memref<10112x128xf32, #tpu.memory_space<vmem_shared>>) offsets(%dma_start3A_90 : memref<128xi32, #tpu.memory_space<vmem>>) semaphore(%run_scoped3A_87 : memref<!tpu.dma_semaphore, #tpu.memory_space<semaphore_mem>>) {add = true}
          %dma_wait3A_94 = arith.constant 0 : i32
          %dma_wait3A_95 = tpu.memref_slice %arg10[%add3A_80, %dma_wait3A_94] : memref<16x128xi32, #tpu.memory_space<vmem>> -> memref<1x128xi32, #tpu.memory_space<vmem>>
          %dma_wait3A_96 = tpu.memref_squeeze %dma_wait3A_95 : memref<1x128xi32, #tpu.memory_space<vmem>> -> memref<128xi32, #tpu.memory_space<vmem>>
          %dma_wait3A_97 = arith.constant 0 : i32
          %dma_wait3A_98 = arith.constant 0 : i32
          %dma_wait3A_99 = tpu.memref_slice %arg8[%dma_wait3A_97, %dma_wait3A_98] : memref<10112x128xf32, #tpu.memory_space<vmem_shared>> -> memref<10112x128xf32, #tpu.memory_space<vmem_shared>>
          tpu.wait_indirect_dma semaphore(%run_scoped3A_87 : memref<!tpu.dma_semaphore, #tpu.memory_space<semaphore_mem>>) src(%arg12 : memref<128x128xf32, #tpu.memory_space<vmem>>) dst(%dma_wait3A_99 : memref<10112x128xf32, #tpu.memory_space<vmem_shared>>)
          tpu.yield
        }) : () -> ()
      }
      %scan3A_28 = arith.constant 7 : i32
      %dma_start3A_29 = arith.constant 15 : i32
      %dma_start3A_30 = arith.constant 0 : i32
      %dma_start3A_31 = tpu.memref_slice %arg9[%dma_start3A_29, %dma_start3A_30] : memref<16x128xi32, #tpu.memory_space<vmem>> -> memref<1x128xi32, #tpu.memory_space<vmem>>
      %dma_start3A_32 = tpu.memref_squeeze %dma_start3A_31 : memref<1x128xi32, #tpu.memory_space<vmem>> -> memref<128xi32, #tpu.memory_space<vmem>>
      %dma_start3A_33 = arith.constant 0 : i32
      %dma_start3A_34 = arith.constant 0 : i32
      %dma_start3A_35 = tpu.memref_slice %arg2[%dma_start3A_33, %dma_start3A_34] : memref<10000x128xf32, #tpu.memory_space<hbm>> -> memref<10000x128xf32, #tpu.memory_space<hbm>>
      tpu.enqueue_indirect_dma source(%dma_start3A_35 : memref<10000x128xf32, #tpu.memory_space<hbm>>) target(%arg12 : memref<128x128xf32, #tpu.memory_space<vmem>>) offsets(%dma_start3A_32 : memref<128xi32, #tpu.memory_space<vmem>>) semaphore(%arg14 : memref<!tpu.dma_semaphore, #tpu.memory_space<semaphore_mem>>)
      %dma_wait3A = arith.constant 14 : i32
      %dma_wait3A_36 = arith.constant 0 : i32
      %dma_wait3A_37 = tpu.memref_slice %arg9[%dma_wait3A, %dma_wait3A_36] : memref<16x128xi32, #tpu.memory_space<vmem>> -> memref<1x128xi32, #tpu.memory_space<vmem>>
      %dma_wait3A_38 = tpu.memref_squeeze %dma_wait3A_37 : memref<1x128xi32, #tpu.memory_space<vmem>> -> memref<128xi32, #tpu.memory_space<vmem>>
      %dma_wait3A_39 = arith.constant 0 : i32
      %dma_wait3A_40 = arith.constant 0 : i32
      %dma_wait3A_41 = tpu.memref_slice %arg2[%dma_wait3A_39, %dma_wait3A_40] : memref<10000x128xf32, #tpu.memory_space<hbm>> -> memref<10000x128xf32, #tpu.memory_space<hbm>>
      tpu.wait_indirect_dma semaphore(%arg13 : memref<!tpu.dma_semaphore, #tpu.memory_space<semaphore_mem>>) src(%dma_wait3A_41 : memref<10000x128xf32, #tpu.memory_space<hbm>>) dst(%arg11 : memref<128x128xf32, #tpu.memory_space<vmem>>)
      %run_scoped3A = arith.constant 14 : i32
      "tpu.region"() ({
        %run_scoped3A_50 = tpu.sem_alloc : memref<!tpu.dma_semaphore, #tpu.memory_space<semaphore_mem>>
        %dma_start3A_51 = arith.constant 0 : i32
        %dma_start3A_52 = tpu.memref_slice %arg10[%run_scoped3A, %dma_start3A_51] : memref<16x128xi32, #tpu.memory_space<vmem>> -> memref<1x128xi32, #tpu.memory_space<vmem>>
        %dma_start3A_53 = tpu.memref_squeeze %dma_start3A_52 : memref<1x128xi32, #tpu.memory_space<vmem>> -> memref<128xi32, #tpu.memory_space<vmem>>
        %dma_start3A_54 = arith.constant 0 : i32
        %dma_start3A_55 = arith.constant 0 : i32
        %dma_start3A_56 = tpu.memref_slice %arg8[%dma_start3A_54, %dma_start3A_55] : memref<10112x128xf32, #tpu.memory_space<vmem_shared>> -> memref<10112x128xf32, #tpu.memory_space<vmem_shared>>
        tpu.enqueue_indirect_dma source(%arg11 : memref<128x128xf32, #tpu.memory_space<vmem>>) target(%dma_start3A_56 : memref<10112x128xf32, #tpu.memory_space<vmem_shared>>) offsets(%dma_start3A_53 : memref<128xi32, #tpu.memory_space<vmem>>) semaphore(%run_scoped3A_50 : memref<!tpu.dma_semaphore, #tpu.memory_space<semaphore_mem>>) {add = true}
        %dma_wait3A_57 = arith.constant 0 : i32
        %dma_wait3A_58 = tpu.memref_slice %arg10[%run_scoped3A, %dma_wait3A_57] : memref<16x128xi32, #tpu.memory_space<vmem>> -> memref<1x128xi32, #tpu.memory_space<vmem>>
        %dma_wait3A_59 = tpu.memref_squeeze %dma_wait3A_58 : memref<1x128xi32, #tpu.memory_space<vmem>> -> memref<128xi32, #tpu.memory_space<vmem>>
        %dma_wait3A_60 = arith.constant 0 : i32
        %dma_wait3A_61 = arith.constant 0 : i32
        %dma_wait3A_62 = tpu.memref_slice %arg8[%dma_wait3A_60, %dma_wait3A_61] : memref<10112x128xf32, #tpu.memory_space<vmem_shared>> -> memref<10112x128xf32, #tpu.memory_space<vmem_shared>>
        tpu.wait_indirect_dma semaphore(%run_scoped3A_50 : memref<!tpu.dma_semaphore, #tpu.memory_space<semaphore_mem>>) src(%arg11 : memref<128x128xf32, #tpu.memory_space<vmem>>) dst(%dma_wait3A_62 : memref<10112x128xf32, #tpu.memory_space<vmem_shared>>)
        tpu.yield
      }) : () -> ()
      %dma_wait3A_42 = arith.constant 15 : i32
      %dma_wait3A_43 = arith.constant 0 : i32
      %dma_wait3A_44 = tpu.memref_slice %arg9[%dma_wait3A_42, %dma_wait3A_43] : memref<16x128xi32, #tpu.memory_space<vmem>> -> memref<1x128xi32, #tpu.memory_space<vmem>>
      %dma_wait3A_45 = tpu.memref_squeeze %dma_wait3A_44 : memref<1x128xi32, #tpu.memory_space<vmem>> -> memref<128xi32, #tpu.memory_space<vmem>>
      %dma_wait3A_46 = arith.constant 0 : i32
      %dma_wait3A_47 = arith.constant 0 : i32
      %dma_wait3A_48 = tpu.memref_slice %arg2[%dma_wait3A_46, %dma_wait3A_47] : memref<10000x128xf32, #tpu.memory_space<hbm>> -> memref<10000x128xf32, #tpu.memory_space<hbm>>
      tpu.wait_indirect_dma semaphore(%arg14 : memref<!tpu.dma_semaphore, #tpu.memory_space<semaphore_mem>>) src(%dma_wait3A_48 : memref<10000x128xf32, #tpu.memory_space<hbm>>) dst(%arg12 : memref<128x128xf32, #tpu.memory_space<vmem>>)
      %run_scoped3A_49 = arith.constant 15 : i32
      "tpu.region"() ({
        %run_scoped3A_50 = tpu.sem_alloc : memref<!tpu.dma_semaphore, #tpu.memory_space<semaphore_mem>>
        %dma_start3A_51 = arith.constant 0 : i32
        %dma_start3A_52 = tpu.memref_slice %arg10[%run_scoped3A_49, %dma_start3A_51] : memref<16x128xi32, #tpu.memory_space<vmem>> -> memref<1x128xi32, #tpu.memory_space<vmem>>
        %dma_start3A_53 = tpu.memref_squeeze %dma_start3A_52 : memref<1x128xi32, #tpu.memory_space<vmem>> -> memref<128xi32, #tpu.memory_space<vmem>>
        %dma_start3A_54 = arith.constant 0 : i32
        %dma_start3A_55 = arith.constant 0 : i32
        %dma_start3A_56 = tpu.memref_slice %arg8[%dma_start3A_54, %dma_start3A_55] : memref<10112x128xf32, #tpu.memory_space<vmem_shared>> -> memref<10112x128xf32, #tpu.memory_space<vmem_shared>>
        tpu.enqueue_indirect_dma source(%arg12 : memref<128x128xf32, #tpu.memory_space<vmem>>) target(%dma_start3A_56 : memref<10112x128xf32, #tpu.memory_space<vmem_shared>>) offsets(%dma_start3A_53 : memref<128xi32, #tpu.memory_space<vmem>>) semaphore(%run_scoped3A_50 : memref<!tpu.dma_semaphore, #tpu.memory_space<semaphore_mem>>) {add = true}
        %dma_wait3A_57 = arith.constant 0 : i32
        %dma_wait3A_58 = tpu.memref_slice %arg10[%run_scoped3A_49, %dma_wait3A_57] : memref<16x128xi32, #tpu.memory_space<vmem>> -> memref<1x128xi32, #tpu.memory_space<vmem>>
        %dma_wait3A_59 = tpu.memref_squeeze %dma_wait3A_58 : memref<1x128xi32, #tpu.memory_space<vmem>> -> memref<128xi32, #tpu.memory_space<vmem>>
        %dma_wait3A_60 = arith.constant 0 : i32
        %dma_wait3A_61 = arith.constant 0 : i32
        %dma_wait3A_62 = tpu.memref_slice %arg8[%dma_wait3A_60, %dma_wait3A_61] : memref<10112x128xf32, #tpu.memory_space<vmem_shared>> -> memref<10112x128xf32, #tpu.memory_space<vmem_shared>>
        tpu.wait_indirect_dma semaphore(%run_scoped3A_50 : memref<!tpu.dma_semaphore, #tpu.memory_space<semaphore_mem>>) src(%arg12 : memref<128x128xf32, #tpu.memory_space<vmem>>) dst(%dma_wait3A_62 : memref<10112x128xf32, #tpu.memory_space<vmem_shared>>)
        tpu.yield
      }) : () -> ()
    }
    %scan3A_8 = arith.constant 5 : i32
    %barrier3A_9 = arith.constant 0 : index
    tpu.barrier barrier_id(%barrier3A_9)
    "tpu.region"() ({
      %run_scoped3A = tpu.sem_alloc : memref<!tpu.dma_semaphore, #tpu.memory_space<semaphore_mem>>
      %dma_start3A = arith.constant 0 : i32
      %dma_start3A_10 = arith.constant 0 : i32
      %dma_start3A_11 = tpu.memref_slice %arg7[%arg0, %dma_start3A, %dma_start3A_10] : memref<2x10112x128xf32, #tpu.memory_space<hbm>> -> memref<1x10112x128xf32, #tpu.memory_space<hbm>>
      %dma_start3A_12 = tpu.memref_squeeze %dma_start3A_11 : memref<1x10112x128xf32, #tpu.memory_space<hbm>> -> memref<10112x128xf32, #tpu.memory_space<hbm>>
      %dma_start3A_13 = arith.constant 0 : i32
      %dma_start3A_14 = tpu.memref_slice %dma_start3A_12[%mul3A_0, %dma_start3A_13] : memref<10112x128xf32, #tpu.memory_space<hbm>> -> memref<632x128xf32, #tpu.memory_space<hbm>>
      %dma_start3A_15 = arith.constant 0 : i32
      %dma_start3A_16 = tpu.memref_slice %arg8[%mul3A_0, %dma_start3A_15] : memref<10112x128xf32, #tpu.memory_space<vmem_shared>> -> memref<632x128xf32, #tpu.memory_space<vmem_shared>>
      tpu.enqueue_dma source(%dma_start3A_16 : memref<632x128xf32, #tpu.memory_space<vmem_shared>>) target(%dma_start3A_14 : memref<632x128xf32, #tpu.memory_space<hbm>>) target_semaphore(%run_scoped3A : memref<!tpu.dma_semaphore, #tpu.memory_space<semaphore_mem>>)
      %dma_wait3A = arith.constant 0 : i32
      %dma_wait3A_17 = arith.constant 0 : i32
      %dma_wait3A_18 = tpu.memref_slice %arg7[%arg0, %dma_wait3A, %dma_wait3A_17] : memref<2x10112x128xf32, #tpu.memory_space<hbm>> -> memref<1x10112x128xf32, #tpu.memory_space<hbm>>
      %dma_wait3A_19 = tpu.memref_squeeze %dma_wait3A_18 : memref<1x10112x128xf32, #tpu.memory_space<hbm>> -> memref<10112x128xf32, #tpu.memory_space<hbm>>
      %dma_wait3A_20 = arith.constant 0 : i32
      %dma_wait3A_21 = tpu.memref_slice %dma_wait3A_19[%mul3A_0, %dma_wait3A_20] : memref<10112x128xf32, #tpu.memory_space<hbm>> -> memref<632x128xf32, #tpu.memory_space<hbm>>
      %dma_wait3A_22 = arith.constant 0 : i32
      %dma_wait3A_23 = tpu.memref_slice %arg8[%mul3A_0, %dma_wait3A_22] : memref<10112x128xf32, #tpu.memory_space<vmem_shared>> -> memref<632x128xf32, #tpu.memory_space<vmem_shared>>
      tpu.wait_dma2 semaphore(%run_scoped3A : memref<!tpu.dma_semaphore, #tpu.memory_space<semaphore_mem>>) src(%dma_wait3A_23 : memref<632x128xf32, #tpu.memory_space<vmem_shared>>) dst(%dma_wait3A_21 : memref<632x128xf32, #tpu.memory_space<hbm>>)
      tpu.yield
    }) : () -> ()
    return
  }
}

module attributes {stable_mosaic.version = 14 : i64} {
  func.func @_lin_body(%arg0: i32, %arg1: memref<1000x128xf32, #tpu.memory_space<vmem>>, %arg2: memref<128x128xf32, #tpu.memory_space<vmem>>, %arg3: memref<1x128xf32, #tpu.memory_space<vmem>>, %arg4: memref<1000x128xf32, #tpu.memory_space<vmem>>) attributes {dimension_semantics = [#tpu.dimension_semantics<arbitrary>], iteration_bounds = array<i64: 10>, scalar_prefetch = 0 : i64, scratch_operands = 0 : i64, tpu.core_type = #tpu.core_type<tc>, window_params = [{transform_indices = @transform_0, window_bounds = array<i64: 1000, 128>}, {pipeline_mode = #tpu.pipeline_mode<synchronous>, transform_indices = @transform_1, window_bounds = array<i64: 128, 128>}, {pipeline_mode = #tpu.pipeline_mode<synchronous>, transform_indices = @transform_2, window_bounds = array<i64: 1, 128>}, {transform_indices = @transform_3, window_bounds = array<i64: 1000, 128>}]} {
    %get3A = arith.constant 0 : index
    %get3A_0 = arith.constant 0 : index
    %get3A_1 = vector.load %arg1[%get3A, %get3A_0] : memref<1000x128xf32, #tpu.memory_space<vmem>>, vector<1000x128xf32>
    %get3A_2 = arith.constant 0 : index
    %get3A_3 = arith.constant 0 : index
    %get3A_4 = vector.load %arg2[%get3A_2, %get3A_3] : memref<128x128xf32, #tpu.memory_space<vmem>>, vector<128x128xf32>
    %dot_general3A = arith.constant dense<0.000000e+00> : vector<1000x128xf32>
    %dot_general3A_5 = tpu.matmul %get3A_1, %get3A_4, %dot_general3A {dimension_numbers = #tpu.dot_dimension_numbers<[1], [0], [0], [1], [0, 0, 1, 1], [], []>, precision = #tpu.contract_precision<fp32>, transpose_lhs_hint = false} : vector<1000x128xf32>, vector<128x128xf32>, vector<1000x128xf32> -> vector<1000x128xf32>
    %get3A_6 = arith.constant 0 : index
    %get3A_7 = arith.constant 0 : index
    %get3A_8 = vector.load %arg3[%get3A_6, %get3A_7] : memref<1x128xf32, #tpu.memory_space<vmem>>, vector<1x128xf32>
    %add3A = vector.broadcast %get3A_8 : vector<1x128xf32> to vector<1000x128xf32>
    %add3A_9 = arith.addf %dot_general3A_5, %add3A : vector<1000x128xf32>
    %swap3A = arith.constant 0 : index
    %swap3A_10 = arith.constant 0 : index
    %swap3A_11 = vector.load %arg4[%swap3A, %swap3A_10] : memref<1000x128xf32, #tpu.memory_space<vmem>>, vector<1000x128xf32>
    tpu.vector_store %arg4[%swap3A, %swap3A_10], %add3A_9 {strides = array<i32>} : memref<1000x128xf32, #tpu.memory_space<vmem>>, vector<1000x128xf32>,
    return
  }
  func.func @transform_0(%arg0: i32) -> (i32, i32) {
    %c0_i32 = arith.constant 0 : i32
    %c0_i32_0 = arith.constant 0 : i32
    return %arg0, %c0_i32 : i32, i32
  }
  func.func @transform_1(%arg0: i32) -> (i32, i32) {
    %c0_i32 = arith.constant 0 : i32
    %c0_i32_0 = arith.constant 0 : i32
    %c0_i32_1 = arith.constant 0 : i32
    return %c0_i32, %c0_i32_0 : i32, i32
  }
  func.func @transform_2(%arg0: i32) -> (i32, i32) {
    %c0_i32 = arith.constant 0 : i32
    %c0_i32_0 = arith.constant 0 : i32
    %c0_i32_1 = arith.constant 0 : i32
    return %c0_i32, %c0_i32_0 : i32, i32
  }
  func.func @transform_3(%arg0: i32) -> (i32, i32) {
    %c0_i32 = arith.constant 0 : i32
    %c0_i32_0 = arith.constant 0 : i32
    return %arg0, %c0_i32 : i32, i32
  }
}

module attributes {stable_mosaic.version = 14 : i64} {
  func.func @body(%arg0: i32, %arg1: memref<1000x128xf32, #tpu.memory_space<vmem>>, %arg2: memref<1000x128xf32, #tpu.memory_space<vmem>>, %arg3: memref<1000x128xf32, #tpu.memory_space<vmem>>, %arg4: memref<128x128xf32, #tpu.memory_space<vmem>>, %arg5: memref<1000x128xf32, #tpu.memory_space<vmem>>) attributes {dimension_semantics = [#tpu.dimension_semantics<arbitrary>], iteration_bounds = array<i64: 10>, scalar_prefetch = 0 : i64, scratch_operands = 0 : i64, tpu.core_type = #tpu.core_type<tc>, window_params = [{transform_indices = @transform_0, window_bounds = array<i64: 1000, 128>}, {transform_indices = @transform_1, window_bounds = array<i64: 1000, 128>}, {transform_indices = @transform_2, window_bounds = array<i64: 1000, 128>}, {pipeline_mode = #tpu.pipeline_mode<synchronous>, transform_indices = @transform_3, window_bounds = array<i64: 128, 128>}, {transform_indices = @transform_4, window_bounds = array<i64: 1000, 128>}]} {
    %get3A = arith.constant 0 : index
    %get3A_0 = arith.constant 0 : index
    %get3A_1 = vector.load %arg1[%get3A, %get3A_0] : memref<1000x128xf32, #tpu.memory_space<vmem>>, vector<1000x128xf32>
    %get3A_2 = arith.constant 0 : index
    %get3A_3 = arith.constant 0 : index
    %get3A_4 = vector.load %arg2[%get3A_2, %get3A_3] : memref<1000x128xf32, #tpu.memory_space<vmem>>, vector<1000x128xf32>
    %slice3A = vector.extract_strided_slice %get3A_4 {offsets = [0, 0], sizes = [1000, 1], strides = [1, 1]} : vector<1000x128xf32> to vector<1000x1xf32>
    %max3A = arith.constant 1.000000e+00 : f32
    %max3A_5 = vector.broadcast %max3A : f32 to vector<1000x1xf32>
    %max3A_6 = arith.maximumf %slice3A, %max3A_5 : vector<1000x1xf32>
    %div3A = vector.broadcast %max3A_6 : vector<1000x1xf32> to vector<1000x128xf32>
    %div3A_7 = arith.divf %get3A_1, %div3A : vector<1000x128xf32>
    %get3A_8 = arith.constant 0 : index
    %get3A_9 = arith.constant 0 : index
    %get3A_10 = vector.load %arg4[%get3A_8, %get3A_9] : memref<128x128xf32, #tpu.memory_space<vmem>>, vector<128x128xf32>
    %dot_general3A = arith.constant dense<0.000000e+00> : vector<1000x128xf32>
    %dot_general3A_11 = tpu.matmul %div3A_7, %get3A_10, %dot_general3A {dimension_numbers = #tpu.dot_dimension_numbers<[1], [0], [0], [1], [0, 0, 1, 1], [], []>, precision = #tpu.contract_precision<fp32>, transpose_lhs_hint = false} : vector<1000x128xf32>, vector<128x128xf32>, vector<1000x128xf32> -> vector<1000x128xf32>
    %get3A_12 = arith.constant 0 : index
    %get3A_13 = arith.constant 0 : index
    %get3A_14 = vector.load %arg3[%get3A_12, %get3A_13] : memref<1000x128xf32, #tpu.memory_space<vmem>>, vector<1000x128xf32>
    %add3A = arith.addf %dot_general3A_11, %get3A_14 : vector<1000x128xf32>
    %max3A_15 = arith.constant 0.000000e+00 : f32
    %max3A_16 = vector.broadcast %max3A_15 : f32 to vector<1000x128xf32>
    %max3A_17 = arith.maximumf %add3A, %max3A_16 : vector<1000x128xf32>
    %swap3A = arith.constant 0 : index
    %swap3A_18 = arith.constant 0 : index
    %swap3A_19 = vector.load %arg5[%swap3A, %swap3A_18] : memref<1000x128xf32, #tpu.memory_space<vmem>>, vector<1000x128xf32>
    tpu.vector_store %arg5[%swap3A, %swap3A_18], %max3A_17 {strides = array<i32>} : memref<1000x128xf32, #tpu.memory_space<vmem>>, vector<1000x128xf32>,
    return
  }
  func.func @transform_0(%arg0: i32) -> (i32, i32) {
    %c0_i32 = arith.constant 0 : i32
    %c0_i32_0 = arith.constant 0 : i32
    return %arg0, %c0_i32 : i32, i32
  }
  func.func @transform_1(%arg0: i32) -> (i32, i32) {
    %c0_i32 = arith.constant 0 : i32
    %c0_i32_0 = arith.constant 0 : i32
    return %arg0, %c0_i32 : i32, i32
  }
  func.func @transform_2(%arg0: i32) -> (i32, i32) {
    %c0_i32 = arith.constant 0 : i32
    %c0_i32_0 = arith.constant 0 : i32
    return %arg0, %c0_i32 : i32, i32
  }
  func.func @transform_3(%arg0: i32) -> (i32, i32) {
    %c0_i32 = arith.constant 0 : i32
    %c0_i32_0 = arith.constant 0 : i32
    %c0_i32_1 = arith.constant 0 : i32
    return %c0_i32, %c0_i32_0 : i32, i32
  }
  func.func @transform_4(%arg0: i32) -> (i32, i32) {
    %c0_i32 = arith.constant 0 : i32
    %c0_i32_0 = arith.constant 0 : i32
    return %arg0, %c0_i32 : i32, i32
  }
}

module attributes {stable_mosaic.version = 14 : i64} {
  func.func @body(%arg0: i32, %arg1: memref<1000x128xf32, #tpu.memory_space<vmem>>, %arg2: memref<1000x128xf32, #tpu.memory_space<vmem>>, %arg3: memref<1000x128xf32, #tpu.memory_space<vmem>>, %arg4: memref<1000x128xf32, #tpu.memory_space<vmem>>, %arg5: memref<128x128xf32, #tpu.memory_space<vmem>>, %arg6: memref<1000x128xf32, #tpu.memory_space<vmem>>) attributes {dimension_semantics = [#tpu.dimension_semantics<arbitrary>], iteration_bounds = array<i64: 10>, scalar_prefetch = 0 : i64, scratch_operands = 0 : i64, tpu.core_type = #tpu.core_type<tc>, window_params = [{transform_indices = @transform_0, window_bounds = array<i64: 1000, 128>}, {transform_indices = @transform_1, window_bounds = array<i64: 1000, 128>}, {transform_indices = @transform_2, window_bounds = array<i64: 1000, 128>}, {transform_indices = @transform_3, window_bounds = array<i64: 1000, 128>}, {pipeline_mode = #tpu.pipeline_mode<synchronous>, transform_indices = @transform_4, window_bounds = array<i64: 128, 128>}, {transform_indices = @transform_5, window_bounds = array<i64: 1000, 128>}]} {
    %get3A = arith.constant 0 : index
    %get3A_0 = arith.constant 0 : index
    %get3A_1 = vector.load %arg1[%get3A, %get3A_0] : memref<1000x128xf32, #tpu.memory_space<vmem>>, vector<1000x128xf32>
    %get3A_2 = arith.constant 0 : index
    %get3A_3 = arith.constant 0 : index
    %get3A_4 = vector.load %arg2[%get3A_2, %get3A_3] : memref<1000x128xf32, #tpu.memory_space<vmem>>, vector<1000x128xf32>
    %add3A = arith.addf %get3A_1, %get3A_4 : vector<1000x128xf32>
    %get3A_5 = arith.constant 0 : index
    %get3A_6 = arith.constant 0 : index
    %get3A_7 = vector.load %arg3[%get3A_5, %get3A_6] : memref<1000x128xf32, #tpu.memory_space<vmem>>, vector<1000x128xf32>
    %slice3A = vector.extract_strided_slice %get3A_7 {offsets = [0, 0], sizes = [1000, 1], strides = [1, 1]} : vector<1000x128xf32> to vector<1000x1xf32>
    %max3A = arith.constant 1.000000e+00 : f32
    %max3A_8 = vector.broadcast %max3A : f32 to vector<1000x1xf32>
    %max3A_9 = arith.maximumf %slice3A, %max3A_8 : vector<1000x1xf32>
    %div3A = vector.broadcast %max3A_9 : vector<1000x1xf32> to vector<1000x128xf32>
    %div3A_10 = arith.divf %add3A, %div3A : vector<1000x128xf32>
    %get3A_11 = arith.constant 0 : index
    %get3A_12 = arith.constant 0 : index
    %get3A_13 = vector.load %arg5[%get3A_11, %get3A_12] : memref<128x128xf32, #tpu.memory_space<vmem>>, vector<128x128xf32>
    %dot_general3A = arith.constant dense<0.000000e+00> : vector<1000x128xf32>
    %dot_general3A_14 = tpu.matmul %div3A_10, %get3A_13, %dot_general3A {dimension_numbers = #tpu.dot_dimension_numbers<[1], [0], [0], [1], [0, 0, 1, 1], [], []>, precision = #tpu.contract_precision<fp32>, transpose_lhs_hint = false} : vector<1000x128xf32>, vector<128x128xf32>, vector<1000x128xf32> -> vector<1000x128xf32>
    %get3A_15 = arith.constant 0 : index
    %get3A_16 = arith.constant 0 : index
    %get3A_17 = vector.load %arg4[%get3A_15, %get3A_16] : memref<1000x128xf32, #tpu.memory_space<vmem>>, vector<1000x128xf32>
    %add3A_18 = arith.addf %dot_general3A_14, %get3A_17 : vector<1000x128xf32>
    %swap3A = arith.constant 0 : index
    %swap3A_19 = arith.constant 0 : index
    %swap3A_20 = vector.load %arg6[%swap3A, %swap3A_19] : memref<1000x128xf32, #tpu.memory_space<vmem>>, vector<1000x128xf32>
    tpu.vector_store %arg6[%swap3A, %swap3A_19], %add3A_18 {strides = array<i32>} : memref<1000x128xf32, #tpu.memory_space<vmem>>, vector<1000x128xf32>,
    return
  }
  func.func @transform_0(%arg0: i32) -> (i32, i32) {
    %c0_i32 = arith.constant 0 : i32
    %c0_i32_0 = arith.constant 0 : i32
    return %arg0, %c0_i32 : i32, i32
  }
  func.func @transform_1(%arg0: i32) -> (i32, i32) {
    %c0_i32 = arith.constant 0 : i32
    %c0_i32_0 = arith.constant 0 : i32
    return %arg0, %c0_i32 : i32, i32
  }
  func.func @transform_2(%arg0: i32) -> (i32, i32) {
    %c0_i32 = arith.constant 0 : i32
    %c0_i32_0 = arith.constant 0 : i32
    return %arg0, %c0_i32 : i32, i32
  }
  func.func @transform_3(%arg0: i32) -> (i32, i32) {
    %c0_i32 = arith.constant 0 : i32
    %c0_i32_0 = arith.constant 0 : i32
    return %arg0, %c0_i32 : i32, i32
  }
  func.func @transform_4(%arg0: i32) -> (i32, i32) {
    %c0_i32 = arith.constant 0 : i32
    %c0_i32_0 = arith.constant 0 : i32
    %c0_i32_1 = arith.constant 0 : i32
    return %c0_i32, %c0_i32_0 : i32, i32
  }
  func.func @transform_5(%arg0: i32) -> (i32, i32) {
    %c0_i32 = arith.constant 0 : i32
    %c0_i32_0 = arith.constant 0 : i32
    return %arg0, %c0_i32 : i32, i32
  }
}

</mosaic_0001>

<sc_bundles>
// kernel: kernel.11.cloned.1.call-start
scs
__scs_entry_jumppad:
0x0: {  	(pc) =	sbr.rel $0x88, $3  }
0x1: {  	(tag) =	ssettag $0x0;
	lr =	simm.s32 $0x1  }
0x2: {  	[smem:$0x3F99] =	sst lr;
	_ =	strace $0xD0000000  }
0x3: {  	_ = 	snop  }
0x4: {  	_ = 	snop  }
0x5: {  	_ = 	snop  }
0x6: {  	_ = 	snop  }
0x7: {  	_ = 	snop  }
__scs_overlays_trampoline_lowered:
0x8: {  	[smem:$0x3FA8] =	sst s0  }
0x9: {  	[smem:$0x3FA9] =	sst s1  }
0xa: {  	[smem:$0x3FAA] =	sst s2  }
0xb: {  	[smem:$0x3FAB] =	sst s3  }
0xc: {  	[smem:$0x3FAC] =	sst s4  }
0xd: {  	[smem:$0x3FAD] =	sst s5  }
0xe: {  	[smem:$0x3FAE] =	sst s6  }
0xf: {  	[smem:$0x3FAF] =	sst s7  }
0x10: {  	[smem:$0x3FB0] =	sst s8  }
0x11: {  	[smem:$0x3FB1] =	sst s9;
	s0 =	simm.s32 @!p0 $0x0  }
0x12: {  	s1 =	sld [smem:$0x3F97];
	s0 =	simm.s32 @p0 $0x1  }
0x13: {  	[smem:$0x3FB2] =	sst s0;
	s0 =	simm.s32 @!p1 $0x0  }
0x14: {  	s2 =	sld [smem:$0x3F96];
	s0 =	simm.s32 @p1 $0x1  }
0x15: {  	[smem:$0x3FB3] =	sst s0;
	s0 =	simm.s32 @!p2 $0x0  }
0x16: {  	s3 =	sld [smem:$0x3FDB];
	s0 =	simm.s32 @p2 $0x1  }
0x17: {  	s4 =	simm.s32 $0x1BF5;
	[smem:$0x3FB5] =	sst s0  }
0x18: {  	s0 =	sld [smem:$0x3F98];
	_ =	swait.ge [sflag:s4], $0x0  }
0x19: {  	s7 =	sld [smem:$0x3F99]  }
0x1a: {  	s8 =	sadd.s32 $0xFFFFE003, lr  }
0x1b: {  	s9 =	sadd.s32 $0xFFFFFEF7, lr;
	s5 =	simm.s32 $0xFFFFFFFF;
	p2 =	slt.u32 s8, $0xFFFFF086  }
0x1c: {  	p1 =	slt.u32 s9, $0xF7A;
	s5 =	simm.s32 @!p2 $0x0  }
0x1d: {  	s5 =	simm.s32 @p1 $0x1;
	p0 =	seq.s32 s7, s2  }
0x1e: {  	s7 =	smul.u32 @!p0 $0xF7A, s2;
	p2 =	seq.s32 @!p0 s5, $0x0  }
0x1f: {  	s9 =	smul.u32 $0xF7A, s1;
	s8 =	simm.s32 @!p0 $0x1BF5;
	p2 =	por !p2, p0  }
0x20: {  	[sflag:s8] =	ssyncset.s32 @!p0 $0xFFFFF086;
	s6 =	sadd.s32 @!p0 s3, s7;
	s7 =	simm.s32 @!p0 $0x108  }
0x21: {  	s3 =	sadd.s32 s3, s9;
	s6 =	sadd.s32 @!p0 $0x88, s6;
	s7 =	simm.s32 @p2 $0x1082  }
0x22: {  	[simem:s7], [sflag:s8] =	dma.local @!p0 [hbm:s6], $0xF7A  }
0x23: {  	s9 =	sor.u32 $0xD0000000, s2;
	s6 =	simm.s32 $0x108;
	_ =	swait.ge @!p0 [sflag:s8], $0x0  }
0x24: {  	s3 =	sadd.s32 $0x88, s3;
	s6 =	simm.s32 @!p1 $0x1082;
	[sflag:s4] =	ssyncset.s32 $0xFFFFF086  }
0x25: {  	[simem:s6], [sflag:s4] =	dma.local [hbm:s3], $0xF7A  }
0x26: {  	[smem:$0x3F99] =	sst s1;
	(tag) =	ssettag s2;
	_ =	strace s9  }
0x27: {  	s1 =	sld [smem:$0x3FA9]  }
0x28: {  	s2 =	sld [smem:$0x3FAA]  }
0x29: {  	s4 =	sld [smem:$0x3FAC]  }
0x2a: {  	p0 =	seq.s32 s5, $0x0;
	s5 =	sld [smem:$0x3FAD]  }
0x2b: {  	s6 =	sld [smem:$0x3FAE]  }
0x2c: {  	s7 =	sld [smem:$0x3FAF]  }
0x2d: {  	s3 =	simm.s32 $0x108;
	s8 =	sld [smem:$0x3FB0]  }
0x2e: {  	s3 =	simm.s32 @!p0 $0x1082;
	s9 =	sld [smem:$0x3FB1]  }
0x2f: {  	lr =	sadd.s32 s0, s3;
	s0 =	sld [smem:$0x3FA8]  }
0x30: {  	s3 =	sld [smem:$0x3FAB]  }
0x31: {  	[smem:$0x3FB4] =	sst s10  }
0x32: {  	s10 =	sld [smem:$0x3FB2];
	_ =	sdelay $0x3  }
0x33: {  	p0 =	seq.s32 s10, $0x1;
	s10 =	sld [smem:$0x3FB4];
	_ =	sdelay $0x3  }
0x34: {  	[smem:$0x3FB4] =	sst s10  }
0x35: {  	s10 =	sld [smem:$0x3FB3];
	_ =	sdelay $0x3  }
0x36: {  	p1 =	seq.s32 s10, $0x1;
	s10 =	sld [smem:$0x3FB4];
	_ =	sdelay $0x3  }
0x37: {  	[smem:$0x3FB4] =	sst s10  }
0x38: {  	s10 =	sld [smem:$0x3FB5]  }
0x39: {  	_ = 	snop;
	(pc) =	sbr.ind lr, $3  }
0x3a: {  	_ = 	snop  }
0x3b: {  	_ = 	snop  }
0x3c: {  	p2 =	seq.s32 s10, $0x1;
	s10 =	sld [smem:$0x3FB4]  }
0x3d: {  	_ =	shalt  }
0x3e: {  	_ =	shalt  }
0x3f: {  	_ =	shalt  }
0x40: {  	_ =	shalt  }
0x41: {  	_ =	shalt  }
0x42: {  	_ =	shalt  }
0x43: {  	_ =	shalt  }
0x44: {  	_ =	shalt  }
0x45: {  	_ =	shalt  }
0x46: {  	_ =	shalt  }
0x47: {  	_ =	shalt  }
0x48: {  	_ =	shalt  }
0x49: {  	_ =	shalt  }
0x4a: {  	_ =	shalt  }
0x4b: {  	_ =	shalt  }
0x4c: {  	_ =	shalt  }
0x4d: {  	_ =	shalt  }
0x4e: {  	_ =	shalt  }
0x4f: {  	_ =	shalt  }
0x50: {  	_ =	shalt  }
0x51: {  	_ =	shalt  }
0x52: {  	_ =	shalt  }
0x53: {  	_ =	shalt  }
0x54: {  	_ =	shalt  }
0x55: {  	_ =	shalt  }
0x56: {  	_ =	shalt  }
0x57: {  	_ =	shalt  }
0x58: {  	_ =	shalt  }
0x59: {  	_ =	shalt  }
0x5a: {  	_ =	shalt  }
0x5b: {  	_ =	shalt  }
0x5c: {  	_ =	shalt  }
0x5d: {  	_ =	shalt  }
0x5e: {  	_ =	shalt  }
0x5f: {  	_ =	shalt  }
0x60: {  	_ =	shalt  }
0x61: {  	_ =	shalt  }
0x62: {  	_ =	shalt  }
0x63: {  	_ =	shalt  }
0x64: {  	_ =	shalt  }
0x65: {  	_ =	shalt  }
0x66: {  	_ =	shalt  }
0x67: {  	_ =	shalt  }
0x68: {  	_ =	shalt  }
0x69: {  	_ =	shalt  }
0x6a: {  	_ =	shalt  }
0x6b: {  	_ =	shalt  }
0x6c: {  	_ =	shalt  }
0x6d: {  	_ =	shalt  }
0x6e: {  	_ =	shalt  }
0x6f: {  	_ =	shalt  }
0x70: {  	_ =	shalt  }
0x71: {  	_ =	shalt  }
0x72: {  	_ =	shalt  }
0x73: {  	_ =	shalt  }
0x74: {  	_ =	shalt  }
0x75: {  	_ =	shalt  }
0x76: {  	_ =	shalt  }
0x77: {  	_ =	shalt  }
0x78: {  	_ =	shalt  }
0x79: {  	_ =	shalt  }
0x7a: {  	_ =	shalt  }
0x7b: {  	_ =	shalt  }
0x7c: {  	_ =	shalt  }
0x7d: {  	_ =	shalt  }
0x7e: {  	_ =	shalt  }
0x7f: {  	_ =	shalt  }
0x80: {  	_ =	shalt  }
0x81: {  	_ =	shalt  }
0x82: {  	_ =	shalt  }
0x83: {  	_ =	shalt  }
0x84: {  	_ =	shalt  }
0x85: {  	_ =	shalt  }
0x86: {  	_ =	shalt  }
0x87: {  	_ =	shalt  }
.Lfunc_end0:
.L_simem_size_0:
called_computation.1_lowered:
.L_overlay_start_0:
0x88: {  	s2 =	sld [smem:$0x3FD9]  }
0x89: {  	s3 =	sld [smem:$0x3FFE];
	_ =	sdelay $0x1  }
0x8a: {  	s1 =	srdreg.scid  }
0x8b: {  	s0 =	sand.u32 $0x1, s1  }
0x8c: {  	s17 =	sshll.u32 s0, $0xA;
	s2 =	sadd.s32 s3, s2  }
0x8d: {  	s2 =	sadd.s32 s2, s17  }
0x8e: {  	[smem:$0x3FC0] =	sst s2  }
0x8f: {  	_ = 	snop  }
0x90: {  	s2 =	sld [smem:$0x3FD0];
	(tm) =	ssettm $0x1  }
0x91: {  	s18 =	sld [smem:$0x3FFB];
	_ =	sdelay $0x3  }
0x92: {  	_ =	strace s18  }
0x93: {  	s3 =	sld [smem:$0x3FFC];
	_ =	sdelay $0x3  }
0x94: {  	_ =	strace s3  }
0x95: {  	s3 =	sld [smem:$0x3FFD];
	_ =	sdelay $0x3  }
0x96: {  	_ =	strace s3  }
0x97: {  	_ =	strace $0x8FFFFFFF  }
0x98: {  	s19 =	sld [smem:$0x3FDB];
	_ =	sdelay $0x1  }
0x99: {  	s4 =	simm.s32 $_scs_section_size  }
0x9a: {  	s5 =	simm.s32 $_size__tile_overlayer_lowered;
	s6 =	simm.s32 $_tile_overlayer_lowered  }
0x9b: {  	s22 =	simm.s32 $0x1BFF;
	s21 =	sshll.u32 s6, $0x1;
	s3 =	sadd.s32 s4, s19  }
0x9c: {  	s7 =	simm.s32 $0x0;
	s20 =	sshll.u32 s5, $0x1;
	s5 =	sadd.s32 s21, s3  }
0x9d: {  	[timem:s7], [sflag:s22] =	dma.local [hbm:s5], s20  }
0x9e: {  	_ =	swait.ge [sflag:s22], s20  }
0x9f: {  	s4 =	ssub.s32 $0x0, s20;
	[sflag:s22] =	ssyncset.done $0x0  }
0xa0: {  	[sflag:s22] =	ssyncadd.s32 s4;
	_ =	sdelay $0x1  }
0xa1: {  	s23 =	simm.s32 $0x1B8B  }
0xa2: {  	_ =	swait.ge [sflag:s23], $0x1  }
0xa3: {  	[sflag:s23] =	ssyncset.done $0x0  }
0xa4: {  	s25 =	simm.s32 $0x1B8E;
	s24 =	sld [smem:$0x3FFE];
	[sflag:s23] =	ssyncadd.s32 $0xFFFFFFFF  }
0xa5: {  	s26 =	simm.s32 $execute0_lowered;
	[smem:$0x3FD2] =	sst s25  }
0xa6: {  	s5 =	sshll.u32 s26, $0x1;
	_ =	strace $0x80000049;
	[dreg:$0x1] =	wrdreg $0xFFFFFFFF  }
0xa7: {  	s28 =	simm.s32 $_size_execute0_lowered;
	s3 =	sadd.s32 s3, s5;
	[dreg:$0x0] =	wrdreg $0x0  }
0xa8: {  	s5 =	sshll.u32 s28, $0x1;
	[dreg:$0x2] =	wrdreg s3  }
0xa9: {  	[dreg:$0x3] =	wrdreg s5  }
0xaa: {  	[dreg:$0x4] =	wrdreg $0xC0  }
0xab: {  	_ =	task [dreg:s7], $0x5FFFF  }
0xac: {  	[dreg:$0x1] =	wrdreg $0xFFFFFFFF  }
0xad: {  	[dreg:$0x0] =	wrdreg $0x60  }
0xae: {  	[dreg:$0x2] =	wrdreg s2  }
0xaf: {  	[dreg:$0x3] =	wrdreg s24  }
0xb0: {  	[dreg:$0x4] =	wrdreg $0x0  }
0xb1: {  	[dreg:$0x5] =	wrdreg $0x9  }
0xb2: {  	_ =	task.clear_ibuf [dreg:s7], $0x6FFFF;
	_ =	strace $0x90000049  }
0xb3: {  	s29 =	simm.s32 $0x9;
	_ =	strace $0x8000004B  }
0xb4: {  	_ =	swait.ge [sflag:s29], $0x1  }
0xb5: {  	[sflag:s29] =	ssyncadd.s32 $0xFFFFFFFF  }
0xb6: {  	_ =	strace $0x9000004B  }
0xb7: {  	_ =	sfence  }
0xb8: {  	s30 =	sld [smem:$0x0];
	_ =	sdelay $0x2  }
0xb9: {  	s31 =	sshll.u32 s1, $0xD;
	s1 =	sshrl.u32 s1, $0x2  }
0xba: {  	s3 =	sand.u32 $0x4000, s31;
	s1 =	sadd.s32 s1, s30  }
0xbb: {  	s0 =	sor.u32 s3, s0;
	s1 =	sshll.u32 s1, $0x11  }
0xbc: {  	s0 =	sor.u32 s1, s0  }
0xbd: {  	s0 =	sadd.s32 $0x8F2B, s0  }
0xbe: {  	[sflag:s0] =	ssyncadd.remote.s32 $0x1  }
0xbf: {  	_ =	sfence.sel $0xFFFF  }
0xc0: {  	[dreg:$0x0] =	wrdreg $0xFFFFFFFF;
	(pc) =	sbr.abs _section_cstart, $3  }
0xc1: {  	[dreg:$0x1] =	wrdreg $0xFFFFFFFF  }
0xc2: {  	_ =	task.clear_ibuf [dreg:s7], $0x2FFFF;
	_ =	strace $0x9FFFFFFF  }
0xc3: {  	(tm) =	ssettm $0x7FFFFFFF  }
tec
execute0_lowered:
.L_overlay_start_1:
0x0: {  	(tag) =	ssettag $0x1  }
0x1: {  	s1 =	rddreg [dreg:$0x0];
	s0 =	srdreg.scid  }
0x2: {  	s2 =	rddreg [dreg:$0x1];
	s11 =	stileid.u32  }
0x3: {  	s3 =	rddreg [dreg:$0x2];
	s4 =	simm.s32 $0x0;
	s12 =	simm.s32 $0x13C80  }
0x4: {  	s13 =	simm.s32 $0x13D00;
	s14 =	simm.s32 $0x14480;
	[smem:$0x7FF] =	sst s4  }
0x5: {  	s16 =	simm.s32 $0x13D80;
	_ =	strace $0x8000004A;
	[dreg:$0x6] =	wrdreg s12  }
0x6: {  	s17 =	simm.s32 $0x14500;
	s18 =	simm.s32 $0x13E00;
	[dreg:$0x7] =	wrdreg s13  }
0x7: {  	s19 =	simm.s32 $0x14580;
	s20 =	simm.s32 $0x13E80;
	[dreg:$0x8] =	wrdreg s14  }
0x8: {  	s21 =	simm.s32 $0x14600;
	s22 =	simm.s32 $0x13F00;
	[dreg:$0x9] =	wrdreg s16  }
0x9: {  	s23 =	simm.s32 $0x14680;
	s24 =	simm.s32 $0x13F80;
	[dreg:$0xa] =	wrdreg s17  }
0xa: {  	s25 =	simm.s32 $0x14700;
	s28 =	simm.s32 $0x14280;
	[dreg:$0xb] =	wrdreg s18  }
0xb: {  	s29 =	simm.s32 $0x14A00;
	s30 =	simm.s32 $0x14300;
	[dreg:$0xc] =	wrdreg s19  }
0xc: {  	s31 =	simm.s32 $0x14A80;
	s6 =	smul.u32 $0x5000, s11;
	[dreg:$0xd] =	wrdreg s20  }
0xd: {  	s5 =	sand.u32 $0x1, s0;
	s9 =	smul.u32 $0x4F000, s11;
	[dreg:$0xe] =	wrdreg s21  }
0xe: {  	s15 =	sshll.u32 s11, $0x6;
	s0 =	ssub.s32 $0x0, s5;
	[dreg:$0xf] =	wrdreg s22  }
0xf: {  	s7 =	smul.u32 $0x27800, s5;
	s5 =	ssub.s32 $0x2, s5;
	[dreg:$0x10] =	wrdreg s23  }
0x10: {  	s12 =	simm.s32 $0x80;
	s13 =	simm.s32 $0x14C00;
	[dreg:$0x11] =	wrdreg s24  }
0x11: {  	s14 =	simm.s32 $0x18C00;
	[dreg:$0x12] =	wrdreg s25;
	s16 =	simm.s32 $0x2  }
0x12: {  	s17 =	simm.s32 $0x14780;
	s18 =	simm.s32 $0x14080;
	s19 =	simm.s32 $0x14800  }
0x13: {  	s20 =	simm.s32 $0x14100;
	s21 =	simm.s32 $0x14880;
	s22 =	simm.s32 $0x14180  }
0x14: {  	s23 =	simm.s32 $0x14900;
	s25 =	simm.s32 $0x14200;
	s0 =	sand.u32 $0x2800, s0  }
0x15: {  	s24 =	simm.s32 $0x0;
	s26 =	sshrl.u32 s5, $0x1;
	s6 =	sadd.s32 s0, s6  }
0x16: {  	s0 =	smul.u32 $0x2780, s11;
	s5 =	ssub.s32 s5, s26;
	s11 =	simm.s32 $0x14400  }
0x17: {  	s26 =	simm.s32 $0x14000;
	s6 =	sshrl.u32 s6, $0x3;
	s5 =	smax.u32 s5, $0x1  }
0x18: {  	[dreg:$0x13] =	wrdreg s26;
	s26 =	simm.s32 $0x14980;
	s6 =	sadd.s32 s6, s2  }
0x19: {  	s8 =	sadd.s32 s0, s2;
	[dreg:$0x16] =	wrdreg s5;
	s10 =	sadd.s32 $0xBE00, s6  }
0x1a: {  	s2 =	sadd.s32 s7, s2;
	s6 =	sadd.s32 $0x1E00, s6;
	[dreg:$0x4] =	wrdreg s10  }
0x1b: {  	s5 =	simm.s32 $0x14B80;
	s8 =	sadd.s32 $0x15E00, s8;
	[dreg:$0x5] =	wrdreg s6  }
0x1c: {  	s2 =	sadd.s32 $0x3DE00, s2;
	s10 =	sshrl.u32 s9, $0x2;
	[dreg:$0x14] =	wrdreg s8  }
0x1d: {  	s8 =	sor.u32 $0x1C03, s15;
	s9 =	simm.s32 $0x3;
	s0 =	sadd.s32 s0, s2  }
0x1e: {  	s15 =	simm.s32 $0x1;
	s7 =	sadd.s32 s10, s3;
	[dreg:$0x18] =	wrdreg s0  }
0x1f: {  	s2 =	simm.s32 $0x14380;
	[dreg:$0x15] =	wrdreg s8;
	s7 =	sshrl.u32 s7, $0x3  }
0x20: {  	s10 =	simm.s32 $0x13C00;
	s0 =	simm.s32 $0x14B00;
	[dreg:$0x17] =	wrdreg s7  }
.LBB2_1:
0x21: {  	[dreg:$0x19] =	wrdreg s24  }
0x22: {  	s6 =	rddreg [dreg:$0x14]  }
0x23: {  	[spmem:s7], [sflag:s8] =	dma.local [hbm:s6], $0x2780  }
0x24: {  	_ =	swait.ge [sflag:s9], $0x2780  }
0x25: {  	[sflag:s9] =	ssyncset.done $0x0  }
0x26: {  	[sflag:s9] =	ssyncadd.s32 $0xFFFFD880  }
0x27: {  	[bflag:$0x0] =	sbarrier.arrive $0xFFFF  }
0x28: {  	s24 =	rddreg [dreg:$0x5]  }
0x29: {  	s6 =	sadd.s32 $0x0, s24  }
0x2a: {  	[tilespmem:s10], [sflag:$0x3] =	stream.linear.gather [hbm4b:s6+s4], $0x800, $0x38;
	[tilespmem:$0x1CC00] =	vst v63  }
0x2b: {  	_ =	swait.ge [sflag:s9], $0x800  }
0x2c: {  	s7 =	rddreg [dreg:$0x4];
	[sflag:s9] =	ssyncset.done $0x0  }
0x2d: {  	[sflag:s9] =	ssyncadd.s32 $0xFFFFF800;
	s6 =	sadd.s32 $0x0, s7  }
0x2e: {  	[tilespmem:s11], [sflag:$0x3] =	stream.linear.gather [hbm4b:s6+s4], $0x800, $0x38;
	[tilespmem:$0x1CC00] =	vst v63  }
0x2f: {  	_ =	swait.ge [sflag:s9], $0x800  }
0x30: {  	[sflag:s9] =	ssyncset.done $0x0  }
0x31: {  	[sflag:s9] =	ssyncadd.s32 $0xFFFFF800  }
0x32: {  	[tilespmem:s13], [sflag:$0x1] =	stream.indirect.gather [hbm4b:s1+s12], $0x80, s10, s12, $0xb8;
	[tilespmem:$0x1CC00] =	vst v63  }
0x33: {  	s8 =	rddreg [dreg:$0x6]  }
0x34: {  	[tilespmem:s14], [sflag:$0x2] =	stream.indirect.gather [hbm4b:s1+s12], $0x80, s8, s12, $0xb8;
	[tilespmem:$0x1CC00] =	vst v63  }
0x35: {  	_ =	swait.ge [sflag:s15], $0x4000  }
0x36: {  	[sflag:s15] =	ssyncset.done $0x0  }
0x37: {  	[sflag:s15] =	ssyncadd.s32 $0xFFFFC000  }
0x38: {  	[spmem:s3] =	stream.indirect.scatter.add.f32 [tilespmem:s13], [sflag:$0x3], $0x80, s11, s12, $0xb8;
	[tilespmem:$0x1CC00] =	vst v63  }
0x39: {  	_ =	swait.ge [sflag:s9], $0x4000  }
0x3a: {  	[sflag:s9] =	ssyncset.done $0x0  }
0x3b: {  	s24 =	rddreg [dreg:$0x7];
	[sflag:s9] =	ssyncadd.s32 $0xFFFFC000  }
0x3c: {  	[tilespmem:s13], [sflag:$0x1] =	stream.indirect.gather [hbm4b:s1+s12], $0x80, s24, s12, $0xb8;
	[tilespmem:$0x1CC00] =	vst v63  }
0x3d: {  	_ =	swait.ge [sflag:s16], $0x4000  }
0x3e: {  	[sflag:s16] =	ssyncset.done $0x0  }
0x3f: {  	s7 =	rddreg [dreg:$0x8];
	[sflag:s16] =	ssyncadd.s32 $0xFFFFC000  }
0x40: {  	[spmem:s3] =	stream.indirect.scatter.add.f32 [tilespmem:s14], [sflag:$0x3], $0x80, s7, s12, $0xb8;
	[tilespmem:$0x1CC00] =	vst v63  }
0x41: {  	_ =	swait.ge [sflag:s9], $0x4000  }
0x42: {  	[sflag:s9] =	ssyncset.done $0x0  }
0x43: {  	s8 =	rddreg [dreg:$0x9];
	[sflag:s9] =	ssyncadd.s32 $0xFFFFC000  }
0x44: {  	[tilespmem:s14], [sflag:$0x2] =	stream.indirect.gather [hbm4b:s1+s12], $0x80, s8, s12, $0xb8;
	[tilespmem:$0x1CC00] =	vst v63  }
0x45: {  	_ =	swait.ge [sflag:s15], $0x4000  }
0x46: {  	[sflag:s15] =	ssyncset.done $0x0  }
0x47: {  	s24 =	rddreg [dreg:$0xa];
	[sflag:s15] =	ssyncadd.s32 $0xFFFFC000  }
0x48: {  	[spmem:s3] =	stream.indirect.scatter.add.f32 [tilespmem:s13], [sflag:$0x3], $0x80, s24, s12, $0xb8;
	[tilespmem:$0x1CC00] =	vst v63  }
0x49: {  	_ =	swait.ge [sflag:s9], $0x4000  }
0x4a: {  	[sflag:s9] =	ssyncset.done $0x0  }
0x4b: {  	s7 =	rddreg [dreg:$0xb];
	[sflag:s9] =	ssyncadd.s32 $0xFFFFC000  }
0x4c: {  	[tilespmem:s13], [sflag:$0x1] =	stream.indirect.gather [hbm4b:s1+s12], $0x80, s7, s12, $0xb8;
	[tilespmem:$0x1CC00] =	vst v63  }
0x4d: {  	_ =	swait.ge [sflag:s16], $0x4000  }
0x4e: {  	[sflag:s16] =	ssyncset.done $0x0  }
0x4f: {  	s8 =	rddreg [dreg:$0xc];
	[sflag:s16] =	ssyncadd.s32 $0xFFFFC000  }
0x50: {  	[spmem:s3] =	stream.indirect.scatter.add.f32 [tilespmem:s14], [sflag:$0x3], $0x80, s8, s12, $0xb8;
	[tilespmem:$0x1CC00] =	vst v63  }
0x51: {  	_ =	swait.ge [sflag:s9], $0x4000  }
0x52: {  	[sflag:s9] =	ssyncset.done $0x0  }
0x53: {  	s24 =	rddreg [dreg:$0xd];
	[sflag:s9] =	ssyncadd.s32 $0xFFFFC000  }
0x54: {  	[tilespmem:s14], [sflag:$0x2] =	stream.indirect.gather [hbm4b:s1+s12], $0x80, s24, s12, $0xb8;
	[tilespmem:$0x1CC00] =	vst v63  }
0x55: {  	_ =	swait.ge [sflag:s15], $0x4000  }
0x56: {  	[sflag:s15] =	ssyncset.done $0x0  }
0x57: {  	s7 =	rddreg [dreg:$0xe];
	[sflag:s15] =	ssyncadd.s32 $0xFFFFC000  }
0x58: {  	[spmem:s3] =	stream.indirect.scatter.add.f32 [tilespmem:s13], [sflag:$0x3], $0x80, s7, s12, $0xb8;
	[tilespmem:$0x1CC00] =	vst v63  }
0x59: {  	_ =	swait.ge [sflag:s9], $0x4000  }
0x5a: {  	[sflag:s9] =	ssyncset.done $0x0  }
0x5b: {  	s8 =	rddreg [dreg:$0xf];
	[sflag:s9] =	ssyncadd.s32 $0xFFFFC000  }
0x5c: {  	[tilespmem:s13], [sflag:$0x1] =	stream.indirect.gather [hbm4b:s1+s12], $0x80, s8, s12, $0xb8;
	[tilespmem:$0x1CC00] =	vst v63  }
0x5d: {  	_ =	swait.ge [sflag:s16], $0x4000  }
0x5e: {  	[sflag:s16] =	ssyncset.done $0x0  }
0x5f: {  	s24 =	rddreg [dreg:$0x10];
	[sflag:s16] =	ssyncadd.s32 $0xFFFFC000  }
0x60: {  	[spmem:s3] =	stream.indirect.scatter.add.f32 [tilespmem:s14], [sflag:$0x3], $0x80, s24, s12, $0xb8;
	[tilespmem:$0x1CC00] =	vst v63  }
0x61: {  	_ =	swait.ge [sflag:s9], $0x4000  }
0x62: {  	[sflag:s9] =	ssyncset.done $0x0  }
0x63: {  	s7 =	rddreg [dreg:$0x11];
	[sflag:s9] =	ssyncadd.s32 $0xFFFFC000  }
0x64: {  	[tilespmem:s14], [sflag:$0x2] =	stream.indirect.gather [hbm4b:s1+s12], $0x80, s7, s12, $0xb8;
	[tilespmem:$0x1CC00] =	vst v63  }
0x65: {  	_ =	swait.ge [sflag:s15], $0x4000  }
0x66: {  	[sflag:s15] =	ssyncset.done $0x0  }
0x67: {  	s8 =	rddreg [dreg:$0x12];
	[sflag:s15] =	ssyncadd.s32 $0xFFFFC000  }
0x68: {  	[spmem:s3] =	stream.indirect.scatter.add.f32 [tilespmem:s13], [sflag:$0x3], $0x80, s8, s12, $0xb8;
	[tilespmem:$0x1CC00] =	vst v63  }
0x69: {  	_ =	swait.ge [sflag:s9], $0x4000  }
0x6a: {  	[sflag:s9] =	ssyncset.done $0x0  }
0x6b: {  	s24 =	rddreg [dreg:$0x13];
	[sflag:s9] =	ssyncadd.s32 $0xFFFFC000  }
0x6c: {  	[tilespmem:s13], [sflag:$0x1] =	stream.indirect.gather [hbm4b:s1+s12], $0x80, s24, s12, $0xb8;
	[tilespmem:$0x1CC00] =	vst v63  }
0x6d: {  	_ =	swait.ge [sflag:s16], $0x4000  }
0x6e: {  	[sflag:s16] =	ssyncset.done $0x0  }
0x6f: {  	[sflag:s16] =	ssyncadd.s32 $0xFFFFC000  }
0x70: {  	[spmem:s3] =	stream.indirect.scatter.add.f32 [tilespmem:s14], [sflag:$0x3], $0x80, s17, s12, $0xb8;
	[tilespmem:$0x1CC00] =	vst v63  }
0x71: {  	_ =	swait.ge [sflag:s9], $0x4000  }
0x72: {  	[sflag:s9] =	ssyncset.done $0x0  }
0x73: {  	[sflag:s9] =	ssyncadd.s32 $0xFFFFC000  }
0x74: {  	[tilespmem:s14], [sflag:$0x2] =	stream.indirect.gather [hbm4b:s1+s12], $0x80, s18, s12, $0xb8;
	[tilespmem:$0x1CC00] =	vst v63  }
0x75: {  	_ =	swait.ge [sflag:s15], $0x4000  }
0x76: {  	[sflag:s15] =	ssyncset.done $0x0  }
0x77: {  	[sflag:s15] =	ssyncadd.s32 $0xFFFFC000  }
0x78: {  	[spmem:s3] =	stream.indirect.scatter.add.f32 [tilespmem:s13], [sflag:$0x3], $0x80, s19, s12, $0xb8;
	[tilespmem:$0x1CC00] =	vst v63  }
0x79: {  	_ =	swait.ge [sflag:s9], $0x4000  }
0x7a: {  	[sflag:s9] =	ssyncset.done $0x0  }
0x7b: {  	[sflag:s9] =	ssyncadd.s32 $0xFFFFC000  }
0x7c: {  	[tilespmem:s13], [sflag:$0x1] =	stream.indirect.gather [hbm4b:s1+s12], $0x80, s20, s12, $0xb8;
	[tilespmem:$0x1CC00] =	vst v63  }
0x7d: {  	_ =	swait.ge [sflag:s16], $0x4000  }
0x7e: {  	[sflag:s16] =	ssyncset.done $0x0  }
0x7f: {  	[sflag:s16] =	ssyncadd.s32 $0xFFFFC000  }
0x80: {  	[spmem:s3] =	stream.indirect.scatter.add.f32 [tilespmem:s14], [sflag:$0x3], $0x80, s21, s12, $0xb8;
	[tilespmem:$0x1CC00] =	vst v63  }
0x81: {  	_ =	swait.ge [sflag:s9], $0x4000  }
0x82: {  	[sflag:s9] =	ssyncset.done $0x0  }
0x83: {  	[sflag:s9] =	ssyncadd.s32 $0xFFFFC000  }
0x84: {  	[tilespmem:s14], [sflag:$0x2] =	stream.indirect.gather [hbm4b:s1+s12], $0x80, s22, s12, $0xb8;
	[tilespmem:$0x1CC00] =	vst v63  }
0x85: {  	_ =	swait.ge [sflag:s15], $0x4000  }
0x86: {  	[sflag:s15] =	ssyncset.done $0x0  }
0x87: {  	[sflag:s15] =	ssyncadd.s32 $0xFFFFC000  }
0x88: {  	[spmem:s3] =	stream.indirect.scatter.add.f32 [tilespmem:s13], [sflag:$0x3], $0x80, s23, s12, $0xb8;
	[tilespmem:$0x1CC00] =	vst v63  }
0x89: {  	_ =	swait.ge [sflag:s9], $0x4000  }
0x8a: {  	[sflag:s9] =	ssyncset.done $0x0  }
0x8b: {  	[sflag:s9] =	ssyncadd.s32 $0xFFFFC000  }
0x8c: {  	[tilespmem:s13], [sflag:$0x1] =	stream.indirect.gather [hbm4b:s1+s12], $0x80, s25, s12, $0xb8;
	[tilespmem:$0x1CC00] =	vst v63  }
0x8d: {  	_ =	swait.ge [sflag:s16], $0x4000  }
0x8e: {  	[sflag:s16] =	ssyncset.done $0x0  }
0x8f: {  	[sflag:s16] =	ssyncadd.s32 $0xFFFFC000  }
0x90: {  	[spmem:s3] =	stream.indirect.scatter.add.f32 [tilespmem:s14], [sflag:$0x3], $0x80, s26, s12, $0xb8;
	[tilespmem:$0x1CC00] =	vst v63  }
0x91: {  	_ =	swait.ge [sflag:s9], $0x4000  }
0x92: {  	[sflag:s9] =	ssyncset.done $0x0  }
0x93: {  	[sflag:s9] =	ssyncadd.s32 $0xFFFFC000  }
0x94: {  	[tilespmem:s14], [sflag:$0x2] =	stream.indirect.gather [hbm4b:s1+s12], $0x80, s28, s12, $0xb8;
	[tilespmem:$0x1CC00] =	vst v63  }
0x95: {  	_ =	swait.ge [sflag:s15], $0x4000  }
0x96: {  	[sflag:s15] =	ssyncset.done $0x0  }
0x97: {  	[sflag:s15] =	ssyncadd.s32 $0xFFFFC000  }
0x98: {  	[spmem:s3] =	stream.indirect.scatter.add.f32 [tilespmem:s13], [sflag:$0x3], $0x80, s29, s12, $0xb8;
	[tilespmem:$0x1CC00] =	vst v63  }
0x99: {  	_ =	swait.ge [sflag:s9], $0x4000  }
0x9a: {  	[sflag:s9] =	ssyncset.done $0x0  }
0x9b: {  	[sflag:s9] =	ssyncadd.s32 $0xFFFFC000  }
0x9c: {  	[tilespmem:s13], [sflag:$0x1] =	stream.indirect.gather [hbm4b:s1+s12], $0x80, s30, s12, $0xb8;
	[tilespmem:$0x1CC00] =	vst v63  }
0x9d: {  	_ =	swait.ge [sflag:s16], $0x4000  }
0x9e: {  	[sflag:s16] =	ssyncset.done $0x0  }
0x9f: {  	[sflag:s16] =	ssyncadd.s32 $0xFFFFC000  }
0xa0: {  	[spmem:s3] =	stream.indirect.scatter.add.f32 [tilespmem:s14], [sflag:$0x3], $0x80, s31, s12, $0xb8;
	[tilespmem:$0x1CC00] =	vst v63  }
0xa1: {  	_ =	swait.ge [sflag:s9], $0x4000  }
0xa2: {  	[sflag:s9] =	ssyncset.done $0x0  }
0xa3: {  	[sflag:s9] =	ssyncadd.s32 $0xFFFFC000  }
0xa4: {  	[tilespmem:s14], [sflag:$0x2] =	stream.indirect.gather [hbm4b:s1+s12], $0x80, s2, s12, $0xb8;
	[tilespmem:$0x1CC00] =	vst v63  }
0xa5: {  	_ =	swait.ge [sflag:s15], $0x4000  }
0xa6: {  	[sflag:s15] =	ssyncset.done $0x0  }
0xa7: {  	[sflag:s15] =	ssyncadd.s32 $0xFFFFC000  }
0xa8: {  	[spmem:s3] =	stream.indirect.scatter.add.f32 [tilespmem:s13], [sflag:$0x3], $0x80, s0, s12, $0xb8;
	[tilespmem:$0x1CC00] =	vst v63  }
0xa9: {  	_ =	swait.ge [sflag:s9], $0x4000  }
0xaa: {  	[sflag:s9] =	ssyncset.done $0x0  }
0xab: {  	[sflag:s9] =	ssyncadd.s32 $0xFFFFC000  }
0xac: {  	_ =	swait.ge [sflag:s16], $0x4000  }
0xad: {  	[sflag:s16] =	ssyncset.done $0x0  }
0xae: {  	[sflag:s16] =	ssyncadd.s32 $0xFFFFC000  }
0xaf: {  	[spmem:s3] =	stream.indirect.scatter.add.f32 [tilespmem:s14], [sflag:$0x3], $0x80, s5, s12, $0xb8;
	[tilespmem:$0x1CC00] =	vst v63  }
0xb0: {  	s6 =	simm.s32 $0x200;
	_ =	swait.ge [sflag:s9], $0x4000  }
0xb1: {  	s24 =	simm.s32 $0x100;
	s8 =	rddreg [dreg:$0x5];
	[sflag:s9] =	ssyncset.done $0x0  }
.LBB2_2:
0xb2: {  	[sflag:s9] =	ssyncadd.s32 $0xFFFFC000;
	s8 =	sadd.s32 s24, s8  }
0xb3: {  	[tilespmem:s10], [sflag:$0x3] =	stream.linear.gather [hbm4b:s8+s4], $0x800, $0x38;
	[tilespmem:$0x1CC00] =	vst v63  }
0xb4: {  	_ =	swait.ge [sflag:s9], $0x800  }
0xb5: {  	s8 =	rddreg [dreg:$0x4];
	[sflag:s9] =	ssyncset.done $0x0  }
0xb6: {  	[sflag:s9] =	ssyncadd.s32 $0xFFFFF800;
	s8 =	sadd.s32 s24, s8  }
0xb7: {  	[tilespmem:s11], [sflag:$0x3] =	stream.linear.gather [hbm4b:s8+s4], $0x800, $0x38;
	[tilespmem:$0x1CC00] =	vst v63  }
0xb8: {  	_ =	swait.ge [sflag:s9], $0x800  }
0xb9: {  	[sflag:s9] =	ssyncset.done $0x0  }
0xba: {  	[sflag:s9] =	ssyncadd.s32 $0xFFFFF800  }
0xbb: {  	[tilespmem:s13], [sflag:$0x1] =	stream.indirect.gather [hbm4b:s1+s12], $0x80, s10, s12, $0xb8;
	[tilespmem:$0x1CC00] =	vst v63  }
0xbc: {  	s8 =	rddreg [dreg:$0x6]  }
0xbd: {  	[tilespmem:s14], [sflag:$0x2] =	stream.indirect.gather [hbm4b:s1+s12], $0x80, s8, s12, $0xb8;
	[tilespmem:$0x1CC00] =	vst v63  }
0xbe: {  	_ =	swait.ge [sflag:s15], $0x4000  }
0xbf: {  	[sflag:s15] =	ssyncset.done $0x0  }
0xc0: {  	[sflag:s15] =	ssyncadd.s32 $0xFFFFC000  }
0xc1: {  	[spmem:s3] =	stream.indirect.scatter.add.f32 [tilespmem:s13], [sflag:$0x3], $0x80, s11, s12, $0xb8;
	[tilespmem:$0x1CC00] =	vst v63  }
0xc2: {  	_ =	swait.ge [sflag:s9], $0x4000  }
0xc3: {  	[sflag:s9] =	ssyncset.done $0x0  }
0xc4: {  	s8 =	rddreg [dreg:$0x7];
	[sflag:s9] =	ssyncadd.s32 $0xFFFFC000  }
0xc5: {  	[tilespmem:s13], [sflag:$0x1] =	stream.indirect.gather [hbm4b:s1+s12], $0x80, s8, s12, $0xb8;
	[tilespmem:$0x1CC00] =	vst v63  }
0xc6: {  	_ =	swait.ge [sflag:s16], $0x4000  }
0xc7: {  	[sflag:s16] =	ssyncset.done $0x0  }
0xc8: {  	s8 =	rddreg [dreg:$0x8];
	[sflag:s16] =	ssyncadd.s32 $0xFFFFC000  }
0xc9: {  	[spmem:s3] =	stream.indirect.scatter.add.f32 [tilespmem:s14], [sflag:$0x3], $0x80, s8, s12, $0xb8;
	[tilespmem:$0x1CC00] =	vst v63  }
0xca: {  	_ =	swait.ge [sflag:s9], $0x4000  }
0xcb: {  	[sflag:s9] =	ssyncset.done $0x0  }
0xcc: {  	s8 =	rddreg [dreg:$0x9];
	[sflag:s9] =	ssyncadd.s32 $0xFFFFC000  }
0xcd: {  	[tilespmem:s14], [sflag:$0x2] =	stream.indirect.gather [hbm4b:s1+s12], $0x80, s8, s12, $0xb8;
	[tilespmem:$0x1CC00] =	vst v63  }
0xce: {  	_ =	swait.ge [sflag:s15], $0x4000  }
0xcf: {  	[sflag:s15] =	ssyncset.done $0x0  }
0xd0: {  	s8 =	rddreg [dreg:$0xa];
	[sflag:s15] =	ssyncadd.s32 $0xFFFFC000  }
0xd1: {  	[spmem:s3] =	stream.indirect.scatter.add.f32 [tilespmem:s13], [sflag:$0x3], $0x80, s8, s12, $0xb8;
	[tilespmem:$0x1CC00] =	vst v63  }
0xd2: {  	_ =	swait.ge [sflag:s9], $0x4000  }
0xd3: {  	[sflag:s9] =	ssyncset.done $0x0  }
0xd4: {  	s8 =	rddreg [dreg:$0xb];
	[sflag:s9] =	ssyncadd.s32 $0xFFFFC000  }
0xd5: {  	[tilespmem:s13], [sflag:$0x1] =	stream.indirect.gather [hbm4b:s1+s12], $0x80, s8, s12, $0xb8;
	[tilespmem:$0x1CC00] =	vst v63  }
0xd6: {  	_ =	swait.ge [sflag:s16], $0x4000  }
0xd7: {  	[sflag:s16] =	ssyncset.done $0x0  }
0xd8: {  	s8 =	rddreg [dreg:$0xc];
	[sflag:s16] =	ssyncadd.s32 $0xFFFFC000  }
0xd9: {  	[spmem:s3] =	stream.indirect.scatter.add.f32 [tilespmem:s14], [sflag:$0x3], $0x80, s8, s12, $0xb8;
	[tilespmem:$0x1CC00] =	vst v63  }
0xda: {  	_ =	swait.ge [sflag:s9], $0x4000  }
0xdb: {  	[sflag:s9] =	ssyncset.done $0x0  }
0xdc: {  	s8 =	rddreg [dreg:$0xd];
	[sflag:s9] =	ssyncadd.s32 $0xFFFFC000  }
0xdd: {  	[tilespmem:s14], [sflag:$0x2] =	stream.indirect.gather [hbm4b:s1+s12], $0x80, s8, s12, $0xb8;
	[tilespmem:$0x1CC00] =	vst v63  }
0xde: {  	_ =	swait.ge [sflag:s15], $0x4000  }
0xdf: {  	[sflag:s15] =	ssyncset.done $0x0  }
0xe0: {  	s8 =	rddreg [dreg:$0xe];
	[sflag:s15] =	ssyncadd.s32 $0xFFFFC000  }
0xe1: {  	[spmem:s3] =	stream.indirect.scatter.add.f32 [tilespmem:s13], [sflag:$0x3], $0x80, s8, s12, $0xb8;
	[tilespmem:$0x1CC00] =	vst v63  }
0xe2: {  	_ =	swait.ge [sflag:s9], $0x4000  }
0xe3: {  	[sflag:s9] =	ssyncset.done $0x0  }
0xe4: {  	s8 =	rddreg [dreg:$0xf];
	[sflag:s9] =	ssyncadd.s32 $0xFFFFC000  }
0xe5: {  	[tilespmem:s13], [sflag:$0x1] =	stream.indirect.gather [hbm4b:s1+s12], $0x80, s8, s12, $0xb8;
	[tilespmem:$0x1CC00] =	vst v63  }
0xe6: {  	_ =	swait.ge [sflag:s16], $0x4000  }
0xe7: {  	[sflag:s16] =	ssyncset.done $0x0  }
0xe8: {  	s8 =	rddreg [dreg:$0x10];
	[sflag:s16] =	ssyncadd.s32 $0xFFFFC000  }
0xe9: {  	[spmem:s3] =	stream.indirect.scatter.add.f32 [tilespmem:s14], [sflag:$0x3], $0x80, s8, s12, $0xb8;
	[tilespmem:$0x1CC00] =	vst v63  }
0xea: {  	_ =	swait.ge [sflag:s9], $0x4000  }
0xeb: {  	[sflag:s9] =	ssyncset.done $0x0  }
0xec: {  	s8 =	rddreg [dreg:$0x11];
	[sflag:s9] =	ssyncadd.s32 $0xFFFFC000  }
0xed: {  	[tilespmem:s14], [sflag:$0x2] =	stream.indirect.gather [hbm4b:s1+s12], $0x80, s8, s12, $0xb8;
	[tilespmem:$0x1CC00] =	vst v63  }
0xee: {  	_ =	swait.ge [sflag:s15], $0x4000  }
0xef: {  	[sflag:s15] =	ssyncset.done $0x0  }
0xf0: {  	s8 =	rddreg [dreg:$0x12];
	[sflag:s15] =	ssyncadd.s32 $0xFFFFC000  }
0xf1: {  	[spmem:s3] =	stream.indirect.scatter.add.f32 [tilespmem:s13], [sflag:$0x3], $0x80, s8, s12, $0xb8;
	[tilespmem:$0x1CC00] =	vst v63  }
0xf2: {  	_ =	swait.ge [sflag:s9], $0x4000  }
0xf3: {  	[sflag:s9] =	ssyncset.done $0x0  }
0xf4: {  	s8 =	rddreg [dreg:$0x13];
	[sflag:s9] =	ssyncadd.s32 $0xFFFFC000  }
0xf5: {  	[tilespmem:s13], [sflag:$0x1] =	stream.indirect.gather [hbm4b:s1+s12], $0x80, s8, s12, $0xb8;
	[tilespmem:$0x1CC00] =	vst v63  }
0xf6: {  	_ =	swait.ge [sflag:s16], $0x4000  }
0xf7: {  	[sflag:s16] =	ssyncset.done $0x0  }
0xf8: {  	[sflag:s16] =	ssyncadd.s32 $0xFFFFC000  }
0xf9: {  	[spmem:s3] =	stream.indirect.scatter.add.f32 [tilespmem:s14], [sflag:$0x3], $0x80, s17, s12, $0xb8;
	[tilespmem:$0x1CC00] =	vst v63  }
0xfa: {  	_ =	swait.ge [sflag:s9], $0x4000  }
0xfb: {  	[sflag:s9] =	ssyncset.done $0x0  }
0xfc: {  	[sflag:s9] =	ssyncadd.s32 $0xFFFFC000  }
0xfd: {  	[tilespmem:s14], [sflag:$0x2] =	stream.indirect.gather [hbm4b:s1+s12], $0x80, s18, s12, $0xb8;
	[tilespmem:$0x1CC00] =	vst v63  }
0xfe: {  	_ =	swait.ge [sflag:s15], $0x4000  }
0xff: {  	[sflag:s15] =	ssyncset.done $0x0  }
0x100: {  	[sflag:s15] =	ssyncadd.s32 $0xFFFFC000  }
0x101: {  	[spmem:s3] =	stream.indirect.scatter.add.f32 [tilespmem:s13], [sflag:$0x3], $0x80, s19, s12, $0xb8;
	[tilespmem:$0x1CC00] =	vst v63  }
0x102: {  	_ =	swait.ge [sflag:s9], $0x4000  }
0x103: {  	[sflag:s9] =	ssyncset.done $0x0  }
0x104: {  	[sflag:s9] =	ssyncadd.s32 $0xFFFFC000  }
0x105: {  	[tilespmem:s13], [sflag:$0x1] =	stream.indirect.gather [hbm4b:s1+s12], $0x80, s20, s12, $0xb8;
	[tilespmem:$0x1CC00] =	vst v63  }
0x106: {  	_ =	swait.ge [sflag:s16], $0x4000  }
0x107: {  	[sflag:s16] =	ssyncset.done $0x0  }
0x108: {  	[sflag:s16] =	ssyncadd.s32 $0xFFFFC000  }
0x109: {  	[spmem:s3] =	stream.indirect.scatter.add.f32 [tilespmem:s14], [sflag:$0x3], $0x80, s21, s12, $0xb8;
	[tilespmem:$0x1CC00] =	vst v63  }
0x10a: {  	_ =	swait.ge [sflag:s9], $0x4000  }
0x10b: {  	[sflag:s9] =	ssyncset.done $0x0  }
0x10c: {  	[sflag:s9] =	ssyncadd.s32 $0xFFFFC000  }
0x10d: {  	[tilespmem:s14], [sflag:$0x2] =	stream.indirect.gather [hbm4b:s1+s12], $0x80, s22, s12, $0xb8;
	[tilespmem:$0x1CC00] =	vst v63  }
0x10e: {  	_ =	swait.ge [sflag:s15], $0x4000  }
0x10f: {  	[sflag:s15] =	ssyncset.done $0x0  }
0x110: {  	[sflag:s15] =	ssyncadd.s32 $0xFFFFC000  }
0x111: {  	[spmem:s3] =	stream.indirect.scatter.add.f32 [tilespmem:s13], [sflag:$0x3], $0x80, s23, s12, $0xb8;
	[tilespmem:$0x1CC00] =	vst v63  }
0x112: {  	_ =	swait.ge [sflag:s9], $0x4000  }
0x113: {  	[sflag:s9] =	ssyncset.done $0x0  }
0x114: {  	[sflag:s9] =	ssyncadd.s32 $0xFFFFC000  }
0x115: {  	[tilespmem:s13], [sflag:$0x1] =	stream.indirect.gather [hbm4b:s1+s12], $0x80, s25, s12, $0xb8;
	[tilespmem:$0x1CC00] =	vst v63  }
0x116: {  	_ =	swait.ge [sflag:s16], $0x4000  }
0x117: {  	[sflag:s16] =	ssyncset.done $0x0  }
0x118: {  	[sflag:s16] =	ssyncadd.s32 $0xFFFFC000  }
0x119: {  	[spmem:s3] =	stream.indirect.scatter.add.f32 [tilespmem:s14], [sflag:$0x3], $0x80, s26, s12, $0xb8;
	[tilespmem:$0x1CC00] =	vst v63  }
0x11a: {  	_ =	swait.ge [sflag:s9], $0x4000  }
0x11b: {  	[sflag:s9] =	ssyncset.done $0x0  }
0x11c: {  	[sflag:s9] =	ssyncadd.s32 $0xFFFFC000  }
0x11d: {  	[tilespmem:s14], [sflag:$0x2] =	stream.indirect.gather [hbm4b:s1+s12], $0x80, s28, s12, $0xb8;
	[tilespmem:$0x1CC00] =	vst v63  }
0x11e: {  	_ =	swait.ge [sflag:s15], $0x4000  }
0x11f: {  	[sflag:s15] =	ssyncset.done $0x0  }
0x120: {  	[sflag:s15] =	ssyncadd.s32 $0xFFFFC000  }
0x121: {  	[spmem:s3] =	stream.indirect.scatter.add.f32 [tilespmem:s13], [sflag:$0x3], $0x80, s29, s12, $0xb8;
	[tilespmem:$0x1CC00] =	vst v63  }
0x122: {  	_ =	swait.ge [sflag:s9], $0x4000  }
0x123: {  	[sflag:s9] =	ssyncset.done $0x0  }
0x124: {  	[sflag:s9] =	ssyncadd.s32 $0xFFFFC000  }
0x125: {  	[tilespmem:s13], [sflag:$0x1] =	stream.indirect.gather [hbm4b:s1+s12], $0x80, s30, s12, $0xb8;
	[tilespmem:$0x1CC00] =	vst v63  }
0x126: {  	_ =	swait.ge [sflag:s16], $0x4000  }
0x127: {  	[sflag:s16] =	ssyncset.done $0x0  }
0x128: {  	[sflag:s16] =	ssyncadd.s32 $0xFFFFC000  }
0x129: {  	[spmem:s3] =	stream.indirect.scatter.add.f32 [tilespmem:s14], [sflag:$0x3], $0x80, s31, s12, $0xb8;
	[tilespmem:$0x1CC00] =	vst v63  }
0x12a: {  	_ =	swait.ge [sflag:s9], $0x4000  }
0x12b: {  	[sflag:s9] =	ssyncset.done $0x0  }
0x12c: {  	[sflag:s9] =	ssyncadd.s32 $0xFFFFC000  }
0x12d: {  	[tilespmem:s14], [sflag:$0x2] =	stream.indirect.gather [hbm4b:s1+s12], $0x80, s2, s12, $0xb8;
	[tilespmem:$0x1CC00] =	vst v63  }
0x12e: {  	_ =	swait.ge [sflag:s15], $0x4000  }
0x12f: {  	[sflag:s15] =	ssyncset.done $0x0  }
0x130: {  	[sflag:s15] =	ssyncadd.s32 $0xFFFFC000  }
0x131: {  	[spmem:s3] =	stream.indirect.scatter.add.f32 [tilespmem:s13], [sflag:$0x3], $0x80, s0, s12, $0xb8;
	[tilespmem:$0x1CC00] =	vst v63  }
0x132: {  	_ =	swait.ge [sflag:s9], $0x4000  }
0x133: {  	[sflag:s9] =	ssyncset.done $0x0  }
0x134: {  	[sflag:s9] =	ssyncadd.s32 $0xFFFFC000  }
0x135: {  	p0 =	sne.s32 s6, $0x400;
	_ =	swait.ge [sflag:s16], $0x4000  }
.Ltmp0:
0x136: {  	[sflag:s16] =	ssyncset.done $0x0;
	(pc) =	sbr.rel @p0 .LBB2_2-.Ltmp0, $4  }
0x137: {  	[sflag:s16] =	ssyncadd.s32 $0xFFFFC000  }
0x138: {  	[spmem:s3] =	stream.indirect.scatter.add.f32 [tilespmem:s14], [sflag:$0x3], $0x80, s5, s12, $0xb8;
	[tilespmem:$0x1CC00] =	vst v63  }
0x139: {  	s7 =	smov.u32 s6;
	s6 =	sadd.s32 $0x100, s6;
	_ =	swait.ge [sflag:s9], $0x4000  }
0x13a: {  	s24 =	smov.u32 s7;
	s8 =	rddreg [dreg:$0x5];
	[sflag:s9] =	ssyncset.done $0x0  }
0x13b: {  	[sflag:s9] =	ssyncadd.s32 $0xFFFFC000;
	s6 =	sadd.s32 s24, s8  }
0x13c: {  	[tilespmem:s10], [sflag:$0x3] =	stream.linear.gather [hbm4b:s6+s4], $0x800, $0x38;
	[tilespmem:$0x1CC00] =	vst v63  }
0x13d: {  	_ =	swait.ge [sflag:s9], $0x800  }
0x13e: {  	s8 =	rddreg [dreg:$0x4];
	[sflag:s9] =	ssyncset.done $0x0  }
0x13f: {  	s6 =	sadd.s32 s24, s8;
	[sflag:s9] =	ssyncadd.s32 $0xFFFFF800  }
0x140: {  	[tilespmem:s11], [sflag:$0x3] =	stream.linear.gather [hbm4b:s6+s4], $0x800, $0x38;
	[tilespmem:$0x1CC00] =	vst v63  }
0x141: {  	_ =	swait.ge [sflag:s9], $0x800  }
0x142: {  	[sflag:s9] =	ssyncset.done $0x0  }
0x143: {  	[sflag:s9] =	ssyncadd.s32 $0xFFFFF800  }
0x144: {  	[tilespmem:s13], [sflag:$0x1] =	stream.indirect.gather [hbm4b:s1+s12], $0x80, s10, s12, $0xb8;
	[tilespmem:$0x1CC00] =	vst v63  }
0x145: {  	s7 =	rddreg [dreg:$0x6]  }
0x146: {  	[tilespmem:s14], [sflag:$0x2] =	stream.indirect.gather [hbm4b:s1+s12], $0x80, s7, s12, $0xb8;
	[tilespmem:$0x1CC00] =	vst v63  }
0x147: {  	_ =	swait.ge [sflag:s15], $0x4000  }
0x148: {  	[sflag:s15] =	ssyncset.done $0x0  }
0x149: {  	[sflag:s15] =	ssyncadd.s32 $0xFFFFC000  }
0x14a: {  	[spmem:s3] =	stream.indirect.scatter.add.f32 [tilespmem:s13], [sflag:$0x3], $0x80, s11, s12, $0xb8;
	[tilespmem:$0x1CC00] =	vst v63  }
0x14b: {  	_ =	swait.ge [sflag:s9], $0x4000  }
0x14c: {  	[sflag:s9] =	ssyncset.done $0x0  }
0x14d: {  	s8 =	rddreg [dreg:$0x7];
	[sflag:s9] =	ssyncadd.s32 $0xFFFFC000  }
0x14e: {  	[tilespmem:s13], [sflag:$0x1] =	stream.indirect.gather [hbm4b:s1+s12], $0x80, s8, s12, $0xb8;
	[tilespmem:$0x1CC00] =	vst v63  }
0x14f: {  	_ =	swait.ge [sflag:s16], $0x4000  }
0x150: {  	[sflag:s16] =	ssyncset.done $0x0  }
0x151: {  	s24 =	rddreg [dreg:$0x8];
	[sflag:s16] =	ssyncadd.s32 $0xFFFFC000  }
0x152: {  	[spmem:s3] =	stream.indirect.scatter.add.f32 [tilespmem:s14], [sflag:$0x3], $0x80, s24, s12, $0xb8;
	[tilespmem:$0x1CC00] =	vst v63  }
0x153: {  	_ =	swait.ge [sflag:s9], $0x4000  }
0x154: {  	[sflag:s9] =	ssyncset.done $0x0  }
0x155: {  	s7 =	rddreg [dreg:$0x9];
	[sflag:s9] =	ssyncadd.s32 $0xFFFFC000  }
0x156: {  	[tilespmem:s14], [sflag:$0x2] =	stream.indirect.gather [hbm4b:s1+s12], $0x80, s7, s12, $0xb8;
	[tilespmem:$0x1CC00] =	vst v63  }
0x157: {  	_ =	swait.ge [sflag:s15], $0x4000  }
0x158: {  	[sflag:s15] =	ssyncset.done $0x0  }
0x159: {  	s8 =	rddreg [dreg:$0xa];
	[sflag:s15] =	ssyncadd.s32 $0xFFFFC000  }
0x15a: {  	[spmem:s3] =	stream.indirect.scatter.add.f32 [tilespmem:s13], [sflag:$0x3], $0x80, s8, s12, $0xb8;
	[tilespmem:$0x1CC00] =	vst v63  }
0x15b: {  	_ =	swait.ge [sflag:s9], $0x4000  }
0x15c: {  	[sflag:s9] =	ssyncset.done $0x0  }
0x15d: {  	s24 =	rddreg [dreg:$0xb];
	[sflag:s9] =	ssyncadd.s32 $0xFFFFC000  }
0x15e: {  	[tilespmem:s13], [sflag:$0x1] =	stream.indirect.gather [hbm4b:s1+s12], $0x80, s24, s12, $0xb8;
	[tilespmem:$0x1CC00] =	vst v63  }
0x15f: {  	_ =	swait.ge [sflag:s16], $0x4000  }
0x160: {  	[sflag:s16] =	ssyncset.done $0x0  }
0x161: {  	s7 =	rddreg [dreg:$0xc];
	[sflag:s16] =	ssyncadd.s32 $0xFFFFC000  }
0x162: {  	[spmem:s3] =	stream.indirect.scatter.add.f32 [tilespmem:s14], [sflag:$0x3], $0x80, s7, s12, $0xb8;
	[tilespmem:$0x1CC00] =	vst v63  }
0x163: {  	_ =	swait.ge [sflag:s9], $0x4000  }
0x164: {  	[sflag:s9] =	ssyncset.done $0x0  }
0x165: {  	s8 =	rddreg [dreg:$0xd];
	[sflag:s9] =	ssyncadd.s32 $0xFFFFC000  }
0x166: {  	[tilespmem:s14], [sflag:$0x2] =	stream.indirect.gather [hbm4b:s1+s12], $0x80, s8, s12, $0xb8;
	[tilespmem:$0x1CC00] =	vst v63  }
0x167: {  	_ =	swait.ge [sflag:s15], $0x4000  }
0x168: {  	[sflag:s15] =	ssyncset.done $0x0  }
0x169: {  	s24 =	rddreg [dreg:$0xe];
	[sflag:s15] =	ssyncadd.s32 $0xFFFFC000  }
0x16a: {  	[spmem:s3] =	stream.indirect.scatter.add.f32 [tilespmem:s13], [sflag:$0x3], $0x80, s24, s12, $0xb8;
	[tilespmem:$0x1CC00] =	vst v63  }
0x16b: {  	_ =	swait.ge [sflag:s9], $0x4000  }
0x16c: {  	[sflag:s9] =	ssyncset.done $0x0  }
0x16d: {  	s7 =	rddreg [dreg:$0xf];
	[sflag:s9] =	ssyncadd.s32 $0xFFFFC000  }
0x16e: {  	[tilespmem:s13], [sflag:$0x1] =	stream.indirect.gather [hbm4b:s1+s12], $0x80, s7, s12, $0xb8;
	[tilespmem:$0x1CC00] =	vst v63  }
0x16f: {  	_ =	swait.ge [sflag:s16], $0x4000  }
0x170: {  	[sflag:s16] =	ssyncset.done $0x0  }
0x171: {  	s8 =	rddreg [dreg:$0x10];
	[sflag:s16] =	ssyncadd.s32 $0xFFFFC000  }
0x172: {  	[spmem:s3] =	stream.indirect.scatter.add.f32 [tilespmem:s14], [sflag:$0x3], $0x80, s8, s12, $0xb8;
	[tilespmem:$0x1CC00] =	vst v63  }
0x173: {  	_ =	swait.ge [sflag:s9], $0x4000  }
0x174: {  	[sflag:s9] =	ssyncset.done $0x0  }
0x175: {  	s24 =	rddreg [dreg:$0x11];
	[sflag:s9] =	ssyncadd.s32 $0xFFFFC000  }
0x176: {  	[tilespmem:s14], [sflag:$0x2] =	stream.indirect.gather [hbm4b:s1+s12], $0x80, s24, s12, $0xb8;
	[tilespmem:$0x1CC00] =	vst v63  }
0x177: {  	_ =	swait.ge [sflag:s15], $0x4000  }
0x178: {  	[sflag:s15] =	ssyncset.done $0x0  }
0x179: {  	s7 =	rddreg [dreg:$0x12];
	[sflag:s15] =	ssyncadd.s32 $0xFFFFC000  }
0x17a: {  	[spmem:s3] =	stream.indirect.scatter.add.f32 [tilespmem:s13], [sflag:$0x3], $0x80, s7, s12, $0xb8;
	[tilespmem:$0x1CC00] =	vst v63  }
0x17b: {  	_ =	swait.ge [sflag:s9], $0x4000  }
0x17c: {  	[sflag:s9] =	ssyncset.done $0x0  }
0x17d: {  	s8 =	rddreg [dreg:$0x13];
	[sflag:s9] =	ssyncadd.s32 $0xFFFFC000  }
0x17e: {  	[tilespmem:s13], [sflag:$0x1] =	stream.indirect.gather [hbm4b:s1+s12], $0x80, s8, s12, $0xb8;
	[tilespmem:$0x1CC00] =	vst v63  }
0x17f: {  	_ =	swait.ge [sflag:s16], $0x4000  }
0x180: {  	[sflag:s16] =	ssyncset.done $0x0  }
0x181: {  	[sflag:s16] =	ssyncadd.s32 $0xFFFFC000  }
0x182: {  	[spmem:s3] =	stream.indirect.scatter.add.f32 [tilespmem:s14], [sflag:$0x3], $0x80, s17, s12, $0xb8;
	[tilespmem:$0x1CC00] =	vst v63  }
0x183: {  	_ =	swait.ge [sflag:s9], $0x4000  }
0x184: {  	[sflag:s9] =	ssyncset.done $0x0  }
0x185: {  	[sflag:s9] =	ssyncadd.s32 $0xFFFFC000  }
0x186: {  	[tilespmem:s14], [sflag:$0x2] =	stream.indirect.gather [hbm4b:s1+s12], $0x80, s18, s12, $0xb8;
	[tilespmem:$0x1CC00] =	vst v63  }
0x187: {  	_ =	swait.ge [sflag:s15], $0x4000  }
0x188: {  	[sflag:s15] =	ssyncset.done $0x0  }
0x189: {  	[sflag:s15] =	ssyncadd.s32 $0xFFFFC000  }
0x18a: {  	[spmem:s3] =	stream.indirect.scatter.add.f32 [tilespmem:s13], [sflag:$0x3], $0x80, s19, s12, $0xb8;
	[tilespmem:$0x1CC00] =	vst v63  }
0x18b: {  	_ =	swait.ge [sflag:s9], $0x4000  }
0x18c: {  	[sflag:s9] =	ssyncset.done $0x0  }
0x18d: {  	[sflag:s9] =	ssyncadd.s32 $0xFFFFC000  }
0x18e: {  	[tilespmem:s13], [sflag:$0x1] =	stream.indirect.gather [hbm4b:s1+s12], $0x80, s20, s12, $0xb8;
	[tilespmem:$0x1CC00] =	vst v63  }
0x18f: {  	_ =	swait.ge [sflag:s16], $0x4000  }
0x190: {  	[sflag:s16] =	ssyncset.done $0x0  }
0x191: {  	[sflag:s16] =	ssyncadd.s32 $0xFFFFC000  }
0x192: {  	[spmem:s3] =	stream.indirect.scatter.add.f32 [tilespmem:s14], [sflag:$0x3], $0x80, s21, s12, $0xb8;
	[tilespmem:$0x1CC00] =	vst v63  }
0x193: {  	_ =	swait.ge [sflag:s9], $0x4000  }
0x194: {  	[sflag:s9] =	ssyncset.done $0x0  }
0x195: {  	[sflag:s9] =	ssyncadd.s32 $0xFFFFC000  }
0x196: {  	[tilespmem:s14], [sflag:$0x2] =	stream.indirect.gather [hbm4b:s1+s12], $0x80, s22, s12, $0xb8;
	[tilespmem:$0x1CC00] =	vst v63  }
0x197: {  	_ =	swait.ge [sflag:s15], $0x4000  }
0x198: {  	[sflag:s15] =	ssyncset.done $0x0  }
0x199: {  	[sflag:s15] =	ssyncadd.s32 $0xFFFFC000  }
0x19a: {  	[spmem:s3] =	stream.indirect.scatter.add.f32 [tilespmem:s13], [sflag:$0x3], $0x80, s23, s12, $0xb8;
	[tilespmem:$0x1CC00] =	vst v63  }
0x19b: {  	_ =	swait.ge [sflag:s9], $0x4000  }
0x19c: {  	[sflag:s9] =	ssyncset.done $0x0  }
0x19d: {  	[sflag:s9] =	ssyncadd.s32 $0xFFFFC000  }
0x19e: {  	[tilespmem:s13], [sflag:$0x1] =	stream.indirect.gather [hbm4b:s1+s12], $0x80, s25, s12, $0xb8;
	[tilespmem:$0x1CC00] =	vst v63  }
0x19f: {  	_ =	swait.ge [sflag:s16], $0x4000  }
0x1a0: {  	[sflag:s16] =	ssyncset.done $0x0  }
0x1a1: {  	[sflag:s16] =	ssyncadd.s32 $0xFFFFC000  }
0x1a2: {  	[spmem:s3] =	stream.indirect.scatter.add.f32 [tilespmem:s14], [sflag:$0x3], $0x80, s26, s12, $0xb8;
	[tilespmem:$0x1CC00] =	vst v63  }
0x1a3: {  	_ =	swait.ge [sflag:s9], $0x4000  }
0x1a4: {  	[sflag:s9] =	ssyncset.done $0x0  }
0x1a5: {  	[sflag:s9] =	ssyncadd.s32 $0xFFFFC000  }
0x1a6: {  	[tilespmem:s14], [sflag:$0x2] =	stream.indirect.gather [hbm4b:s1+s12], $0x80, s28, s12, $0xb8;
	[tilespmem:$0x1CC00] =	vst v63  }
0x1a7: {  	_ =	swait.ge [sflag:s15], $0x4000  }
0x1a8: {  	[sflag:s15] =	ssyncset.done $0x0  }
0x1a9: {  	[sflag:s15] =	ssyncadd.s32 $0xFFFFC000  }
0x1aa: {  	[spmem:s3] =	stream.indirect.scatter.add.f32 [tilespmem:s13], [sflag:$0x3], $0x80, s29, s12, $0xb8;
	[tilespmem:$0x1CC00] =	vst v63  }
0x1ab: {  	_ =	swait.ge [sflag:s9], $0x4000  }
0x1ac: {  	[sflag:s9] =	ssyncset.done $0x0  }
0x1ad: {  	[sflag:s9] =	ssyncadd.s32 $0xFFFFC000  }
0x1ae: {  	[tilespmem:s13], [sflag:$0x1] =	stream.indirect.gather [hbm4b:s1+s12], $0x80, s30, s12, $0xb8;
	[tilespmem:$0x1CC00] =	vst v63  }
0x1af: {  	_ =	swait.ge [sflag:s16], $0x4000  }
0x1b0: {  	[sflag:s16] =	ssyncset.done $0x0  }
0x1b1: {  	[sflag:s16] =	ssyncadd.s32 $0xFFFFC000  }
0x1b2: {  	[spmem:s3] =	stream.indirect.scatter.add.f32 [tilespmem:s14], [sflag:$0x3], $0x80, s31, s12, $0xb8;
	[tilespmem:$0x1CC00] =	vst v63  }
0x1b3: {  	_ =	swait.ge [sflag:s9], $0x4000  }
0x1b4: {  	[sflag:s9] =	ssyncset.done $0x0  }
0x1b5: {  	[sflag:s9] =	ssyncadd.s32 $0xFFFFC000  }
0x1b6: {  	[tilespmem:s14], [sflag:$0x2] =	stream.indirect.gather [hbm4b:s1+s12], $0x80, s2, s12, $0xb8;
	[tilespmem:$0x1CC00] =	vst v63  }
0x1b7: {  	_ =	swait.ge [sflag:s15], $0x4000  }
0x1b8: {  	[sflag:s15] =	ssyncset.done $0x0  }
0x1b9: {  	[sflag:s15] =	ssyncadd.s32 $0xFFFFC000  }
0x1ba: {  	[spmem:s3] =	stream.indirect.scatter.add.f32 [tilespmem:s13], [sflag:$0x3], $0x80, s0, s12, $0xb8;
	[tilespmem:$0x1CC00] =	vst v63  }
0x1bb: {  	_ =	swait.ge [sflag:s9], $0x4000  }
0x1bc: {  	[sflag:s9] =	ssyncset.done $0x0  }
0x1bd: {  	[sflag:s9] =	ssyncadd.s32 $0xFFFFC000  }
0x1be: {  	_ =	swait.ge [sflag:s16], $0x4000  }
0x1bf: {  	[sflag:s16] =	ssyncset.done $0x0  }
0x1c0: {  	[sflag:s16] =	ssyncadd.s32 $0xFFFFC000  }
0x1c1: {  	[spmem:s3] =	stream.indirect.scatter.add.f32 [tilespmem:s14], [sflag:$0x3], $0x80, s5, s12, $0xb8;
	[tilespmem:$0x1CC00] =	vst v63  }
0x1c2: {  	_ =	swait.ge [sflag:s9], $0x4000  }
0x1c3: {  	[sflag:s9] =	ssyncset.done $0x0  }
0x1c4: {  	[sflag:s9] =	ssyncadd.s32 $0xFFFFC000  }
0x1c5: {  	[bflag:$0x0] =	sbarrier.arrive $0xFFFF  }
0x1c6: {  	s8 =	rddreg [dreg:$0x15]  }
0x1c7: {  	s7 =	rddreg [dreg:$0x17]  }
0x1c8: {  	s24 =	rddreg [dreg:$0x18]  }
0x1c9: {  	[hbm:s24], [sflag:s8] =	dma.local [spmem:s7], $0x2780  }
0x1ca: {  	_ =	swait.ge [sflag:s9], $0x2780  }
0x1cb: {  	s6 =	rddreg [dreg:$0x19]  }
0x1cc: {  	s24 =	sadd.s32 $0x1, s6;
	s6 =	rddreg [dreg:$0x16]  }
0x1cd: {  	p0 =	sne.s32 s24, s6  }
.Ltmp1:
0x1ce: {  	_ = 	snop;
	(pc) =	sbr.rel @p0 .LBB2_1-.Ltmp1, $3  }
0x1cf: {  	_ =	sdelay $0x1  }
0x1d0: {  	[sflag:s9] =	ssyncset.done $0x0  }
0x1d1: {  	[sflag:s9] =	ssyncadd.s32 $0xFFFFD880  }
0x1d2: {  	_ =	sfence.sel $0x180000  }
0x1d3: {  	[bflag:$0x0] =	sbarrier.arrive $0xFFFF  }
0x1d4: {  	_ =	strace $0x9000004A  }
0x1d5: {  	s0 =	stileid.u32;
	[bflag:$0x2] =	sbarrier.arrive $0xFFFF  }
0x1d6: {  	p0 =	sne.s32 s0, $0x0;
	s0 =	rddreg [dreg:$0x3]  }
0x1d7: {  	s0 =	sadd.s32 @!p0 $0x100000, s0  }
0x1d8: {  	[sflag:s0] =	ssyncadd.tile.s32 @!p0 $0x1;
	_ =	shalt  }
.Lfunc_end2:
_tile_overlayer_lowered:
.L_overlay_start_2:
0x1d9: {  	(tag) =	ssettag $0x2  }
0x1da: {  	s0 =	rddreg [dreg:$0x0];
	s2 =	stileid.u32  }
0x1db: {  	s1 =	rddreg [dreg:$0x1];
	p0 =	sne.s32 s2, $0x0  }
0x1dc: {  	s3 =	rddreg [dreg:$0x2];
	[bflag:$0x3] =	sbarrier.arrive $0xFFFF;
	s2 =	simm.s32 @!p0 $0x1C03  }
0x1dd: {  	[timem:s3], [sflag:s2] =	dma.local @!p0 [hbm:s0], s1  }
0x1de: {  	s0 =	simm.s32 @!p0 $0x3  }
0x1df: {  	_ =	swait.ge @!p0 [sflag:s0], s1  }
0x1e0: {  	s1 =	ssub.s32 @!p0 $0x0, s1;
	[sflag:s0] =	ssyncset.done @!p0 $0x0  }
0x1e1: {  	[sflag:s0] =	ssyncadd.s32 @!p0 s1  }
0x1e2: {  	[bflag:$0x3] =	sbarrier.arrive $0xFFFF  }
0x1e3: {  	_ =	shalt  }

// kernel: kernel.8.cloned.1.call-start
scs
__scs_entry_jumppad:
0x0: {  	(pc) =	sbr.rel $0x88, $3  }
0x1: {  	(tag) =	ssettag $0x0;
	lr =	simm.s32 $0x1  }
0x2: {  	[smem:$0x3F99] =	sst lr;
	_ =	strace $0xD0000000  }
0x3: {  	_ = 	snop  }
0x4: {  	_ = 	snop  }
0x5: {  	_ = 	snop  }
0x6: {  	_ = 	snop  }
0x7: {  	_ = 	snop  }
__scs_overlays_trampoline_lowered:
0x8: {  	[smem:$0x3FA8] =	sst s0  }
0x9: {  	[smem:$0x3FA9] =	sst s1  }
0xa: {  	[smem:$0x3FAA] =	sst s2  }
0xb: {  	[smem:$0x3FAB] =	sst s3  }
0xc: {  	[smem:$0x3FAC] =	sst s4  }
0xd: {  	[smem:$0x3FAD] =	sst s5  }
0xe: {  	[smem:$0x3FAE] =	sst s6  }
0xf: {  	[smem:$0x3FAF] =	sst s7  }
0x10: {  	[smem:$0x3FB0] =	sst s8  }
0x11: {  	[smem:$0x3FB1] =	sst s9;
	s0 =	simm.s32 @!p0 $0x0  }
0x12: {  	s1 =	sld [smem:$0x3F97];
	s0 =	simm.s32 @p0 $0x1  }
0x13: {  	[smem:$0x3FB2] =	sst s0;
	s0 =	simm.s32 @!p1 $0x0  }
0x14: {  	s2 =	sld [smem:$0x3F96];
	s0 =	simm.s32 @p1 $0x1  }
0x15: {  	[smem:$0x3FB3] =	sst s0;
	s0 =	simm.s32 @!p2 $0x0  }
0x16: {  	s3 =	sld [smem:$0x3FDB];
	s0 =	simm.s32 @p2 $0x1  }
0x17: {  	s4 =	simm.s32 $0x1BF5;
	[smem:$0x3FB5] =	sst s0  }
0x18: {  	s0 =	sld [smem:$0x3F98];
	_ =	swait.ge [sflag:s4], $0x0  }
0x19: {  	s7 =	sld [smem:$0x3F99]  }
0x1a: {  	s8 =	sadd.s32 $0xFFFFE003, lr  }
0x1b: {  	s9 =	sadd.s32 $0xFFFFFEF7, lr;
	s5 =	simm.s32 $0xFFFFFFFF;
	p2 =	slt.u32 s8, $0xFFFFF086  }
0x1c: {  	p1 =	slt.u32 s9, $0xF7A;
	s5 =	simm.s32 @!p2 $0x0  }
0x1d: {  	s5 =	simm.s32 @p1 $0x1;
	p0 =	seq.s32 s7, s2  }
0x1e: {  	s7 =	smul.u32 @!p0 $0xF7A, s2;
	p2 =	seq.s32 @!p0 s5, $0x0  }
0x1f: {  	s9 =	smul.u32 $0xF7A, s1;
	s8 =	simm.s32 @!p0 $0x1BF5;
	p2 =	por !p2, p0  }
0x20: {  	[sflag:s8] =	ssyncset.s32 @!p0 $0xFFFFF086;
	s6 =	sadd.s32 @!p0 s3, s7;
	s7 =	simm.s32 @!p0 $0x108  }
0x21: {  	s3 =	sadd.s32 s3, s9;
	s6 =	sadd.s32 @!p0 $0x88, s6;
	s7 =	simm.s32 @p2 $0x1082  }
0x22: {  	[simem:s7], [sflag:s8] =	dma.local @!p0 [hbm:s6], $0xF7A  }
0x23: {  	s9 =	sor.u32 $0xD0000000, s2;
	s6 =	simm.s32 $0x108;
	_ =	swait.ge @!p0 [sflag:s8], $0x0  }
0x24: {  	s3 =	sadd.s32 $0x88, s3;
	s6 =	simm.s32 @!p1 $0x1082;
	[sflag:s4] =	ssyncset.s32 $0xFFFFF086  }
0x25: {  	[simem:s6], [sflag:s4] =	dma.local [hbm:s3], $0xF7A  }
0x26: {  	[smem:$0x3F99] =	sst s1;
	(tag) =	ssettag s2;
	_ =	strace s9  }
0x27: {  	s1 =	sld [smem:$0x3FA9]  }
0x28: {  	s2 =	sld [smem:$0x3FAA]  }
0x29: {  	s4 =	sld [smem:$0x3FAC]  }
0x2a: {  	p0 =	seq.s32 s5, $0x0;
	s5 =	sld [smem:$0x3FAD]  }
0x2b: {  	s6 =	sld [smem:$0x3FAE]  }
0x2c: {  	s7 =	sld [smem:$0x3FAF]  }
0x2d: {  	s3 =	simm.s32 $0x108;
	s8 =	sld [smem:$0x3FB0]  }
0x2e: {  	s3 =	simm.s32 @!p0 $0x1082;
	s9 =	sld [smem:$0x3FB1]  }
0x2f: {  	lr =	sadd.s32 s0, s3;
	s0 =	sld [smem:$0x3FA8]  }
0x30: {  	s3 =	sld [smem:$0x3FAB]  }
0x31: {  	[smem:$0x3FB4] =	sst s10  }
0x32: {  	s10 =	sld [smem:$0x3FB2];
	_ =	sdelay $0x3  }
0x33: {  	p0 =	seq.s32 s10, $0x1;
	s10 =	sld [smem:$0x3FB4];
	_ =	sdelay $0x3  }
0x34: {  	[smem:$0x3FB4] =	sst s10  }
0x35: {  	s10 =	sld [smem:$0x3FB3];
	_ =	sdelay $0x3  }
0x36: {  	p1 =	seq.s32 s10, $0x1;
	s10 =	sld [smem:$0x3FB4];
	_ =	sdelay $0x3  }
0x37: {  	[smem:$0x3FB4] =	sst s10  }
0x38: {  	s10 =	sld [smem:$0x3FB5]  }
0x39: {  	_ = 	snop;
	(pc) =	sbr.ind lr, $3  }
0x3a: {  	_ = 	snop  }
0x3b: {  	_ = 	snop  }
0x3c: {  	p2 =	seq.s32 s10, $0x1;
	s10 =	sld [smem:$0x3FB4]  }
0x3d: {  	_ =	shalt  }
0x3e: {  	_ =	shalt  }
0x3f: {  	_ =	shalt  }
0x40: {  	_ =	shalt  }
0x41: {  	_ =	shalt  }
0x42: {  	_ =	shalt  }
0x43: {  	_ =	shalt  }
0x44: {  	_ =	shalt  }
0x45: {  	_ =	shalt  }
0x46: {  	_ =	shalt  }
0x47: {  	_ =	shalt  }
0x48: {  	_ =	shalt  }
0x49: {  	_ =	shalt  }
0x4a: {  	_ =	shalt  }
0x4b: {  	_ =	shalt  }
0x4c: {  	_ =	shalt  }
0x4d: {  	_ =	shalt  }
0x4e: {  	_ =	shalt  }
0x4f: {  	_ =	shalt  }
0x50: {  	_ =	shalt  }
0x51: {  	_ =	shalt  }
0x52: {  	_ =	shalt  }
0x53: {  	_ =	shalt  }
0x54: {  	_ =	shalt  }
0x55: {  	_ =	shalt  }
0x56: {  	_ =	shalt  }
0x57: {  	_ =	shalt  }
0x58: {  	_ =	shalt  }
0x59: {  	_ =	shalt  }
0x5a: {  	_ =	shalt  }
0x5b: {  	_ =	shalt  }
0x5c: {  	_ =	shalt  }
0x5d: {  	_ =	shalt  }
0x5e: {  	_ =	shalt  }
0x5f: {  	_ =	shalt  }
0x60: {  	_ =	shalt  }
0x61: {  	_ =	shalt  }
0x62: {  	_ =	shalt  }
0x63: {  	_ =	shalt  }
0x64: {  	_ =	shalt  }
0x65: {  	_ =	shalt  }
0x66: {  	_ =	shalt  }
0x67: {  	_ =	shalt  }
0x68: {  	_ =	shalt  }
0x69: {  	_ =	shalt  }
0x6a: {  	_ =	shalt  }
0x6b: {  	_ =	shalt  }
0x6c: {  	_ =	shalt  }
0x6d: {  	_ =	shalt  }
0x6e: {  	_ =	shalt  }
0x6f: {  	_ =	shalt  }
0x70: {  	_ =	shalt  }
0x71: {  	_ =	shalt  }
0x72: {  	_ =	shalt  }
0x73: {  	_ =	shalt  }
0x74: {  	_ =	shalt  }
0x75: {  	_ =	shalt  }
0x76: {  	_ =	shalt  }
0x77: {  	_ =	shalt  }
0x78: {  	_ =	shalt  }
0x79: {  	_ =	shalt  }
0x7a: {  	_ =	shalt  }
0x7b: {  	_ =	shalt  }
0x7c: {  	_ =	shalt  }
0x7d: {  	_ =	shalt  }
0x7e: {  	_ =	shalt  }
0x7f: {  	_ =	shalt  }
0x80: {  	_ =	shalt  }
0x81: {  	_ =	shalt  }
0x82: {  	_ =	shalt  }
0x83: {  	_ =	shalt  }
0x84: {  	_ =	shalt  }
0x85: {  	_ =	shalt  }
0x86: {  	_ =	shalt  }
0x87: {  	_ =	shalt  }
.Lfunc_end0:
.L_simem_size_0:
called_computation_lowered:
.L_overlay_start_0:
0x88: {  	s2 =	sld [smem:$0x3FD9]  }
0x89: {  	s3 =	sld [smem:$0x3FFE];
	_ =	sdelay $0x1  }
0x8a: {  	s1 =	srdreg.scid  }
0x8b: {  	s0 =	sand.u32 $0x1, s1  }
0x8c: {  	s17 =	sshll.u32 s0, $0xA;
	s2 =	sadd.s32 s3, s2  }
0x8d: {  	s2 =	sadd.s32 s2, s17  }
0x8e: {  	[smem:$0x3FC0] =	sst s2  }
0x8f: {  	_ = 	snop  }
0x90: {  	s2 =	sld [smem:$0x3FC9];
	(tm) =	ssettm $0x1  }
0x91: {  	s18 =	sld [smem:$0x3FFB];
	_ =	sdelay $0x3  }
0x92: {  	_ =	strace s18  }
0x93: {  	s3 =	sld [smem:$0x3FFC];
	_ =	sdelay $0x3  }
0x94: {  	_ =	strace s3  }
0x95: {  	s3 =	sld [smem:$0x3FFD];
	_ =	sdelay $0x3  }
0x96: {  	_ =	strace s3  }
0x97: {  	_ =	strace $0x8FFFFFFF  }
0x98: {  	s19 =	sld [smem:$0x3FDB];
	_ =	sdelay $0x1  }
0x99: {  	s4 =	simm.s32 $_scs_section_size  }
0x9a: {  	s5 =	simm.s32 $_size__tile_overlayer_lowered;
	s6 =	simm.s32 $_tile_overlayer_lowered  }
0x9b: {  	s22 =	simm.s32 $0x1BFF;
	s21 =	sshll.u32 s6, $0x1;
	s3 =	sadd.s32 s4, s19  }
0x9c: {  	s7 =	simm.s32 $0x0;
	s20 =	sshll.u32 s5, $0x1;
	s5 =	sadd.s32 s21, s3  }
0x9d: {  	[timem:s7], [sflag:s22] =	dma.local [hbm:s5], s20  }
0x9e: {  	_ =	swait.ge [sflag:s22], s20  }
0x9f: {  	s4 =	ssub.s32 $0x0, s20;
	[sflag:s22] =	ssyncset.done $0x0  }
0xa0: {  	[sflag:s22] =	ssyncadd.s32 s4;
	_ =	sdelay $0x1  }
0xa1: {  	s23 =	simm.s32 $0x1B8B  }
0xa2: {  	_ =	swait.ge [sflag:s23], $0x1  }
0xa3: {  	[sflag:s23] =	ssyncset.done $0x0  }
0xa4: {  	s25 =	simm.s32 $0x1B8E;
	s24 =	sld [smem:$0x3FFE];
	[sflag:s23] =	ssyncadd.s32 $0xFFFFFFFF  }
0xa5: {  	s26 =	simm.s32 $execute0_lowered;
	[smem:$0x3FD2] =	sst s25  }
0xa6: {  	s5 =	sshll.u32 s26, $0x1;
	_ =	strace $0x80000046;
	[dreg:$0x1] =	wrdreg $0xFFFFFFFF  }
0xa7: {  	s28 =	simm.s32 $_size_execute0_lowered;
	s3 =	sadd.s32 s3, s5;
	[dreg:$0x0] =	wrdreg $0x0  }
0xa8: {  	s5 =	sshll.u32 s28, $0x1;
	[dreg:$0x2] =	wrdreg s3  }
0xa9: {  	[dreg:$0x3] =	wrdreg s5  }
0xaa: {  	[dreg:$0x4] =	wrdreg $0xC0  }
0xab: {  	_ =	task [dreg:s7], $0x5FFFF  }
0xac: {  	[dreg:$0x1] =	wrdreg $0xFFFFFFFF  }
0xad: {  	[dreg:$0x0] =	wrdreg $0x60  }
0xae: {  	[dreg:$0x2] =	wrdreg s2  }
0xaf: {  	[dreg:$0x3] =	wrdreg s24  }
0xb0: {  	[dreg:$0x4] =	wrdreg $0x0  }
0xb1: {  	[dreg:$0x5] =	wrdreg $0x9  }
0xb2: {  	_ =	task.clear_ibuf [dreg:s7], $0x6FFFF;
	_ =	strace $0x90000046  }
0xb3: {  	s29 =	simm.s32 $0x9;
	_ =	strace $0x80000048  }
0xb4: {  	_ =	swait.ge [sflag:s29], $0x1  }
0xb5: {  	[sflag:s29] =	ssyncadd.s32 $0xFFFFFFFF  }
0xb6: {  	_ =	strace $0x90000048  }
0xb7: {  	_ =	sfence  }
0xb8: {  	s30 =	sld [smem:$0x0];
	_ =	sdelay $0x2  }
0xb9: {  	s31 =	sshll.u32 s1, $0xD;
	s1 =	sshrl.u32 s1, $0x2  }
0xba: {  	s3 =	sand.u32 $0x4000, s31;
	s1 =	sadd.s32 s1, s30  }
0xbb: {  	s0 =	sor.u32 s3, s0;
	s1 =	sshll.u32 s1, $0x11  }
0xbc: {  	s0 =	sor.u32 s1, s0  }
0xbd: {  	s0 =	sadd.s32 $0x8F2B, s0  }
0xbe: {  	[sflag:s0] =	ssyncadd.remote.s32 $0x1  }
0xbf: {  	_ =	sfence.sel $0xFFFF  }
0xc0: {  	[dreg:$0x0] =	wrdreg $0xFFFFFFFF;
	(pc) =	sbr.abs _section_cstart, $3  }
0xc1: {  	[dreg:$0x1] =	wrdreg $0xFFFFFFFF  }
0xc2: {  	_ =	task.clear_ibuf [dreg:s7], $0x2FFFF;
	_ =	strace $0x9FFFFFFF  }
0xc3: {  	(tm) =	ssettm $0x7FFFFFFF  }
tec
execute0_lowered:
.L_overlay_start_1:
0x0: {  	(tag) =	ssettag $0x1  }
0x1: {  	s2 =	rddreg [dreg:$0x0]  }
0x2: {  	s1 =	rddreg [dreg:$0x1]  }
0x3: {  	s3 =	rddreg [dreg:$0x2];
	s11 =	stileid.u32;
	s4 =	simm.s32 $0x0  }
0x4: {  	s6 =	srdreg.scid;
	s13 =	simm.s32 $0x13D00;
	s14 =	simm.s32 $0x13D80  }
0x5: {  	s15 =	simm.s32 $0x13E00;
	s16 =	simm.s32 $0x13E80;
	s17 =	simm.s32 $0x13F00  }
0x6: {  	s18 =	simm.s32 $0x13F80;
	s19 =	simm.s32 $0x14000;
	s20 =	simm.s32 $0x14080  }
0x7: {  	s21 =	simm.s32 $0x14100;
	s22 =	simm.s32 $0x14180;
	s28 =	simm.s32 $0x14800  }
0x8: {  	s29 =	simm.s32 $0x14880;
	[smem:$0x7FF] =	sst s4;
	s12 =	sadd.s32 $0x3D600, s1  }
0x9: {  	s30 =	simm.s32 $0x14900;
	_ =	strace $0x80000047;
	[dreg:$0x14] =	wrdreg s12  }
0xa: {  	s31 =	simm.s32 $0x14980;
	s5 =	smul.u32 $0xA00, s11;
	[dreg:$0x6] =	wrdreg s13  }
0xb: {  	s0 =	smul.u32 $0x2780, s11;
	s6 =	sand.u32 $0x1, s6;
	[dreg:$0x7] =	wrdreg s14  }
0xc: {  	s10 =	smul.u32 $0x4F000, s11;
	s25 =	sshll.u32 s11, $0x6;
	[dreg:$0x8] =	wrdreg s15  }
0xd: {  	s11 =	simm.s32 $0x3;
	s7 =	smul.u32 $0x27800, s6;
	[dreg:$0x9] =	wrdreg s16  }
0xe: {  	s9 =	ssub.s32 $0x2, s6;
	p0 =	seq.s32 s6, $0x1;
	[dreg:$0xa] =	wrdreg s17  }
0xf: {  	s12 =	simm.s32 $0x13C80;
	p1 =	sne.s32 s6, $0x0;
	[dreg:$0xb] =	wrdreg s18  }
0x10: {  	s13 =	simm.s32 $0x13C00;
	s14 =	simm.s32 $0x14400;
	[dreg:$0xc] =	wrdreg s19  }
0x11: {  	s15 =	simm.s32 $0x80;
	s16 =	simm.s32 $0x18C00;
	[dreg:$0xd] =	wrdreg s20  }
0x12: {  	s17 =	simm.s32 $0x1;
	[dreg:$0xe] =	wrdreg s21;
	s18 =	simm.s32 $0x2  }
0x13: {  	[dreg:$0xf] =	wrdreg s22;
	s19 =	simm.s32 $0x14480;
	s20 =	simm.s32 $0x14500  }
0x14: {  	s21 =	simm.s32 $0x14580;
	s22 =	simm.s32 $0x14600;
	s6 =	simm.s32 $0x14B80  }
0x15: {  	s5 =	sadd.s32 s5, s1;
	s8 =	sadd.s32 s0, s1;
	s23 =	sshrl.u32 s9, $0x1  }
0x16: {  	s24 =	sshrl.u32 s10, $0x2;
	s10 =	sor.u32 $0x1C03, s25;
	[dreg:$0x5] =	wrdreg s12  }
0x17: {  	s12 =	simm.s32 $0x14C00;
	s25 =	simm.s32 $0x14300;
	s1 =	sadd.s32 s7, s1  }
0x18: {  	s7 =	ssub.s32 s9, s23;
	s26 =	sadd.s32 s24, s3;
	[dreg:$0x12] =	wrdreg s25  }
0x19: {  	s8 =	sadd.s32 $0x15E00, s8;
	s9 =	sadd.s32 $0x1E00, s5;
	[dreg:$0x16] =	wrdreg s10  }
0x1a: {  	s23 =	simm.s32 $0x14200;
	s24 =	simm.s32 $0x14280;
	[dreg:$0x15] =	wrdreg s8  }
0x1b: {  	s25 =	simm.s32 $0x14700;
	s1 =	sadd.s32 $0x3DE00, s1;
	[dreg:$0x4] =	wrdreg s9  }
0x1c: {  	s7 =	smax.u32 s7, $0x1;
	s9 =	sadd.s32 $0xBE00, s5;
	[dreg:$0x10] =	wrdreg s23  }
.Ltmp0:
0x1d: {  	s8 =	sshrl.u32 s26, $0x3;
	[dreg:$0x11] =	wrdreg s24;
	(pc) =	sbr.rel .LBB2_1-.Ltmp0, $4  }
0x1e: {  	s26 =	simm.s32 $0x14380;
	s23 =	simm.s32 $0x14680;
	[dreg:$0x17] =	wrdreg s7  }
0x1f: {  	s5 =	simm.s32 $0x14B00;
	s24 =	simm.s32 $0x0;
	[dreg:$0x13] =	wrdreg s26  }
0x20: {  	s0 =	sadd.s32 s0, s1;
	s26 =	simm.s32 $0x14780;
	[dreg:$0x18] =	wrdreg s8  }
0x21: {  	s1 =	simm.s32 $0x14A80;
	[dreg:$0x19] =	wrdreg s0;
	s0 =	simm.s32 $0x14A00  }
.LBB2_8:
0x22: {  	s7 =	sadd.s32 s7, s9;
	[sflag:s11] =	ssyncadd.s32 $0xFFFFC000  }
0x23: {  	[tilespmem:s14], [sflag:$0x3] =	stream.linear.gather [hbm4b:s7+s4], $0x800, $0x38;
	[tilespmem:$0x1CC00] =	vst v63  }
0x24: {  	_ =	swait.ge [sflag:s11], $0x800  }
0x25: {  	[sflag:s11] =	ssyncset.done $0x0  }
0x26: {  	[sflag:s11] =	ssyncadd.s32 $0xFFFFF800  }
0x27: {  	[spmem:s3] =	stream.indirect.scatter.add.f32 [tilespmem:s12], [sflag:$0x3], $0x80, s14, s15, $0xb8;
	[tilespmem:$0x1CC00] =	vst v63  }
0x28: {  	_ =	swait.ge [sflag:s11], $0x4000  }
0x29: {  	[sflag:s11] =	ssyncset.done $0x0  }
0x2a: {  	[sflag:s11] =	ssyncadd.s32 $0xFFFFC000  }
0x2b: {  	[spmem:s3] =	stream.indirect.scatter.add.f32 [tilespmem:s12], [sflag:$0x3], $0x80, s19, s15, $0xb8;
	[tilespmem:$0x1CC00] =	vst v63  }
0x2c: {  	_ =	swait.ge [sflag:s11], $0x4000  }
0x2d: {  	[sflag:s11] =	ssyncset.done $0x0  }
0x2e: {  	[sflag:s11] =	ssyncadd.s32 $0xFFFFC000  }
0x2f: {  	[spmem:s3] =	stream.indirect.scatter.add.f32 [tilespmem:s12], [sflag:$0x3], $0x80, s20, s15, $0xb8;
	[tilespmem:$0x1CC00] =	vst v63  }
0x30: {  	_ =	swait.ge [sflag:s11], $0x4000  }
0x31: {  	[sflag:s11] =	ssyncset.done $0x0  }
0x32: {  	[sflag:s11] =	ssyncadd.s32 $0xFFFFC000  }
0x33: {  	[spmem:s3] =	stream.indirect.scatter.add.f32 [tilespmem:s12], [sflag:$0x3], $0x80, s21, s15, $0xb8;
	[tilespmem:$0x1CC00] =	vst v63  }
0x34: {  	_ =	swait.ge [sflag:s11], $0x4000  }
0x35: {  	[sflag:s11] =	ssyncset.done $0x0  }
0x36: {  	[sflag:s11] =	ssyncadd.s32 $0xFFFFC000  }
0x37: {  	[spmem:s3] =	stream.indirect.scatter.add.f32 [tilespmem:s12], [sflag:$0x3], $0x80, s22, s15, $0xb8;
	[tilespmem:$0x1CC00] =	vst v63  }
0x38: {  	_ =	swait.ge [sflag:s11], $0x4000  }
0x39: {  	[sflag:s11] =	ssyncset.done $0x0  }
0x3a: {  	[sflag:s11] =	ssyncadd.s32 $0xFFFFC000  }
0x3b: {  	[spmem:s3] =	stream.indirect.scatter.add.f32 [tilespmem:s12], [sflag:$0x3], $0x80, s23, s15, $0xb8;
	[tilespmem:$0x1CC00] =	vst v63  }
0x3c: {  	_ =	swait.ge [sflag:s11], $0x4000  }
0x3d: {  	[sflag:s11] =	ssyncset.done $0x0  }
0x3e: {  	[sflag:s11] =	ssyncadd.s32 $0xFFFFC000  }
0x3f: {  	[spmem:s3] =	stream.indirect.scatter.add.f32 [tilespmem:s12], [sflag:$0x3], $0x80, s25, s15, $0xb8;
	[tilespmem:$0x1CC00] =	vst v63  }
0x40: {  	_ =	swait.ge [sflag:s11], $0x4000  }
0x41: {  	[sflag:s11] =	ssyncset.done $0x0  }
0x42: {  	[sflag:s11] =	ssyncadd.s32 $0xFFFFC000  }
0x43: {  	[spmem:s3] =	stream.indirect.scatter.add.f32 [tilespmem:s12], [sflag:$0x3], $0x80, s26, s15, $0xb8;
	[tilespmem:$0x1CC00] =	vst v63  }
0x44: {  	_ =	swait.ge [sflag:s11], $0x4000  }
0x45: {  	[sflag:s11] =	ssyncset.done $0x0  }
0x46: {  	[sflag:s11] =	ssyncadd.s32 $0xFFFFC000  }
0x47: {  	[spmem:s3] =	stream.indirect.scatter.add.f32 [tilespmem:s12], [sflag:$0x3], $0x80, s28, s15, $0xb8;
	[tilespmem:$0x1CC00] =	vst v63  }
0x48: {  	_ =	swait.ge [sflag:s11], $0x4000  }
0x49: {  	[sflag:s11] =	ssyncset.done $0x0  }
0x4a: {  	[sflag:s11] =	ssyncadd.s32 $0xFFFFC000  }
0x4b: {  	[spmem:s3] =	stream.indirect.scatter.add.f32 [tilespmem:s12], [sflag:$0x3], $0x80, s29, s15, $0xb8;
	[tilespmem:$0x1CC00] =	vst v63  }
0x4c: {  	_ =	swait.ge [sflag:s11], $0x4000  }
0x4d: {  	[sflag:s11] =	ssyncset.done $0x0  }
0x4e: {  	[sflag:s11] =	ssyncadd.s32 $0xFFFFC000  }
0x4f: {  	[spmem:s3] =	stream.indirect.scatter.add.f32 [tilespmem:s12], [sflag:$0x3], $0x80, s30, s15, $0xb8;
	[tilespmem:$0x1CC00] =	vst v63  }
0x50: {  	_ =	swait.ge [sflag:s11], $0x4000  }
0x51: {  	[sflag:s11] =	ssyncset.done $0x0  }
0x52: {  	[sflag:s11] =	ssyncadd.s32 $0xFFFFC000  }
0x53: {  	[spmem:s3] =	stream.indirect.scatter.add.f32 [tilespmem:s12], [sflag:$0x3], $0x80, s31, s15, $0xb8;
	[tilespmem:$0x1CC00] =	vst v63  }
0x54: {  	_ =	swait.ge [sflag:s11], $0x4000  }
0x55: {  	[sflag:s11] =	ssyncset.done $0x0  }
0x56: {  	[sflag:s11] =	ssyncadd.s32 $0xFFFFC000  }
0x57: {  	[spmem:s3] =	stream.indirect.scatter.add.f32 [tilespmem:s12], [sflag:$0x3], $0x80, s0, s15, $0xb8;
	[tilespmem:$0x1CC00] =	vst v63  }
0x58: {  	_ =	swait.ge [sflag:s11], $0x4000  }
0x59: {  	[sflag:s11] =	ssyncset.done $0x0  }
0x5a: {  	[sflag:s11] =	ssyncadd.s32 $0xFFFFC000  }
0x5b: {  	[spmem:s3] =	stream.indirect.scatter.add.f32 [tilespmem:s12], [sflag:$0x3], $0x80, s1, s15, $0xb8;
	[tilespmem:$0x1CC00] =	vst v63  }
0x5c: {  	_ =	swait.ge [sflag:s11], $0x4000  }
0x5d: {  	[sflag:s11] =	ssyncset.done $0x0  }
0x5e: {  	[sflag:s11] =	ssyncadd.s32 $0xFFFFC000  }
0x5f: {  	[spmem:s3] =	stream.indirect.scatter.add.f32 [tilespmem:s12], [sflag:$0x3], $0x80, s5, s15, $0xb8;
	[tilespmem:$0x1CC00] =	vst v63  }
0x60: {  	_ =	swait.ge [sflag:s11], $0x4000  }
0x61: {  	[sflag:s11] =	ssyncset.done $0x0  }
0x62: {  	[sflag:s11] =	ssyncadd.s32 $0xFFFFC000  }
0x63: {  	[spmem:s3] =	stream.indirect.scatter.add.f32 [tilespmem:s12], [sflag:$0x3], $0x80, s6, s15, $0xb8;
	[tilespmem:$0x1CC00] =	vst v63  }
0x64: {  	_ =	swait.ge [sflag:s11], $0x4000  }
0x65: {  	s10 =	rddreg [dreg:$0x16]  }
0x66: {  	[sflag:s11] =	ssyncset.done $0x0;
	s8 =	rddreg [dreg:$0x18]  }
0x67: {  	s24 =	rddreg [dreg:$0x1a];
	[sflag:s11] =	ssyncadd.s32 $0xFFFFC000  }
.LBB2_9:
0x68: {  	[bflag:$0x0] =	sbarrier.arrive $0xFFFF  }
0x69: {  	s7 =	rddreg [dreg:$0x19]  }
0x6a: {  	[hbm:s7], [sflag:s10] =	dma.local [spmem:s8], $0x2780  }
0x6b: {  	_ =	swait.ge [sflag:s11], $0x2780  }
0x6c: {  	s24 =	sadd.s32 $0x1, s24;
	s7 =	rddreg [dreg:$0x17]  }
0x6d: {  	p2 =	sne.s32 s24, s7  }
.Ltmp1:
0x6e: {  	_ = 	snop;
	(pc) =	sbr.rel @!p2 .LBB2_10-.Ltmp1, $3  }
0x6f: {  	_ =	sdelay $0x1  }
0x70: {  	[sflag:s11] =	ssyncset.done $0x0  }
0x71: {  	[sflag:s11] =	ssyncadd.s32 $0xFFFFD880  }
.LBB2_1:
0x72: {  	s7 =	rddreg [dreg:$0x15]  }
0x73: {  	[spmem:s8], [sflag:s10] =	dma.local [hbm:s7], $0x2780  }
0x74: {  	_ =	swait.ge [sflag:s11], $0x2780  }
0x75: {  	[sflag:s11] =	ssyncset.done $0x0  }
0x76: {  	s7 =	rddreg [dreg:$0x14];
	[sflag:s11] =	ssyncadd.s32 $0xFFFFD880  }
0x77: {  	[tilespmem:s12], [sflag:$0x3] =	stream.linear.gather [hbm4b:s7+s4], $0x4000, $0x38;
	[tilespmem:$0x1CC00] =	vst v63  }
.Ltmp2:
0x78: {  	_ =	swait.ge [sflag:s11], $0x4000;
	(pc) =	sbr.rel @p1 .LBB2_5-.Ltmp2, $4  }
0x79: {  	[sflag:s11] =	ssyncset.done $0x0  }
0x7a: {  	[sflag:s11] =	ssyncadd.s32 $0xFFFFC000  }
0x7b: {  	[bflag:$0x0] =	sbarrier.arrive $0xFFFF  }
0x7c: {  	[dreg:$0x1a] =	wrdreg s24  }
0x7d: {  	s7 =	rddreg [dreg:$0x4]  }
0x7e: {  	s7 =	sadd.s32 $0x0, s7  }
0x7f: {  	[tilespmem:s13], [sflag:$0x3] =	stream.linear.gather [hbm4b:s7+s4], $0x800, $0x38;
	[tilespmem:$0x1CC00] =	vst v63  }
0x80: {  	_ =	swait.ge [sflag:s11], $0x800  }
0x81: {  	[sflag:s11] =	ssyncset.done $0x0  }
0x82: {  	s24 =	sadd.s32 $0x0, s9;
	[sflag:s11] =	ssyncadd.s32 $0xFFFFF800  }
0x83: {  	[tilespmem:s14], [sflag:$0x3] =	stream.linear.gather [hbm4b:s24+s4], $0x800, $0x38;
	[tilespmem:$0x1CC00] =	vst v63  }
0x84: {  	_ =	swait.ge [sflag:s11], $0x800  }
0x85: {  	[sflag:s11] =	ssyncset.done $0x0  }
0x86: {  	[sflag:s11] =	ssyncadd.s32 $0xFFFFF800  }
0x87: {  	[tilespmem:s12], [sflag:$0x1] =	stream.indirect.gather [hbm4b:s2+s15], $0x80, s13, s15, $0xb8;
	[tilespmem:$0x1CC00] =	vst v63  }
0x88: {  	s8 =	rddreg [dreg:$0x5]  }
0x89: {  	[tilespmem:s16], [sflag:$0x2] =	stream.indirect.gather [hbm4b:s2+s15], $0x80, s8, s15, $0xb8;
	[tilespmem:$0x1CC00] =	vst v63  }
0x8a: {  	_ =	swait.ge [sflag:s17], $0x4000  }
0x8b: {  	[sflag:s17] =	ssyncset.done $0x0  }
0x8c: {  	[sflag:s17] =	ssyncadd.s32 $0xFFFFC000  }
0x8d: {  	[spmem:s3] =	stream.indirect.scatter.add.f32 [tilespmem:s12], [sflag:$0x3], $0x80, s14, s15, $0xb8;
	[tilespmem:$0x1CC00] =	vst v63  }
0x8e: {  	_ =	swait.ge [sflag:s11], $0x4000  }
0x8f: {  	[sflag:s11] =	ssyncset.done $0x0  }
0x90: {  	s10 =	rddreg [dreg:$0x6];
	[sflag:s11] =	ssyncadd.s32 $0xFFFFC000  }
0x91: {  	[tilespmem:s12], [sflag:$0x1] =	stream.indirect.gather [hbm4b:s2+s15], $0x80, s10, s15, $0xb8;
	[tilespmem:$0x1CC00] =	vst v63  }
0x92: {  	_ =	swait.ge [sflag:s18], $0x4000  }
0x93: {  	[sflag:s18] =	ssyncset.done $0x0  }
0x94: {  	[sflag:s18] =	ssyncadd.s32 $0xFFFFC000  }
0x95: {  	[spmem:s3] =	stream.indirect.scatter.add.f32 [tilespmem:s16], [sflag:$0x3], $0x80, s19, s15, $0xb8;
	[tilespmem:$0x1CC00] =	vst v63  }
0x96: {  	_ =	swait.ge [sflag:s11], $0x4000  }
0x97: {  	[sflag:s11] =	ssyncset.done $0x0  }
0x98: {  	s24 =	rddreg [dreg:$0x7];
	[sflag:s11] =	ssyncadd.s32 $0xFFFFC000  }
0x99: {  	[tilespmem:s16], [sflag:$0x2] =	stream.indirect.gather [hbm4b:s2+s15], $0x80, s24, s15, $0xb8;
	[tilespmem:$0x1CC00] =	vst v63  }
0x9a: {  	_ =	swait.ge [sflag:s17], $0x4000  }
0x9b: {  	[sflag:s17] =	ssyncset.done $0x0  }
0x9c: {  	[sflag:s17] =	ssyncadd.s32 $0xFFFFC000  }
0x9d: {  	[spmem:s3] =	stream.indirect.scatter.add.f32 [tilespmem:s12], [sflag:$0x3], $0x80, s20, s15, $0xb8;
	[tilespmem:$0x1CC00] =	vst v63  }
0x9e: {  	_ =	swait.ge [sflag:s11], $0x4000  }
0x9f: {  	[sflag:s11] =	ssyncset.done $0x0  }
0xa0: {  	s8 =	rddreg [dreg:$0x8];
	[sflag:s11] =	ssyncadd.s32 $0xFFFFC000  }
0xa1: {  	[tilespmem:s12], [sflag:$0x1] =	stream.indirect.gather [hbm4b:s2+s15], $0x80, s8, s15, $0xb8;
	[tilespmem:$0x1CC00] =	vst v63  }
0xa2: {  	_ =	swait.ge [sflag:s18], $0x4000  }
0xa3: {  	[sflag:s18] =	ssyncset.done $0x0  }
0xa4: {  	[sflag:s18] =	ssyncadd.s32 $0xFFFFC000  }
0xa5: {  	[spmem:s3] =	stream.indirect.scatter.add.f32 [tilespmem:s16], [sflag:$0x3], $0x80, s21, s15, $0xb8;
	[tilespmem:$0x1CC00] =	vst v63  }
0xa6: {  	_ =	swait.ge [sflag:s11], $0x4000  }
0xa7: {  	[sflag:s11] =	ssyncset.done $0x0  }
0xa8: {  	s10 =	rddreg [dreg:$0x9];
	[sflag:s11] =	ssyncadd.s32 $0xFFFFC000  }
0xa9: {  	[tilespmem:s16], [sflag:$0x2] =	stream.indirect.gather [hbm4b:s2+s15], $0x80, s10, s15, $0xb8;
	[tilespmem:$0x1CC00] =	vst v63  }
0xaa: {  	_ =	swait.ge [sflag:s17], $0x4000  }
0xab: {  	[sflag:s17] =	ssyncset.done $0x0  }
0xac: {  	[sflag:s17] =	ssyncadd.s32 $0xFFFFC000  }
0xad: {  	[spmem:s3] =	stream.indirect.scatter.add.f32 [tilespmem:s12], [sflag:$0x3], $0x80, s22, s15, $0xb8;
	[tilespmem:$0x1CC00] =	vst v63  }
0xae: {  	_ =	swait.ge [sflag:s11], $0x4000  }
0xaf: {  	[sflag:s11] =	ssyncset.done $0x0  }
0xb0: {  	s24 =	rddreg [dreg:$0xa];
	[sflag:s11] =	ssyncadd.s32 $0xFFFFC000  }
0xb1: {  	[tilespmem:s12], [sflag:$0x1] =	stream.indirect.gather [hbm4b:s2+s15], $0x80, s24, s15, $0xb8;
	[tilespmem:$0x1CC00] =	vst v63  }
0xb2: {  	_ =	swait.ge [sflag:s18], $0x4000  }
0xb3: {  	[sflag:s18] =	ssyncset.done $0x0  }
0xb4: {  	[sflag:s18] =	ssyncadd.s32 $0xFFFFC000  }
0xb5: {  	[spmem:s3] =	stream.indirect.scatter.add.f32 [tilespmem:s16], [sflag:$0x3], $0x80, s23, s15, $0xb8;
	[tilespmem:$0x1CC00] =	vst v63  }
0xb6: {  	_ =	swait.ge [sflag:s11], $0x4000  }
0xb7: {  	[sflag:s11] =	ssyncset.done $0x0  }
0xb8: {  	s8 =	rddreg [dreg:$0xb];
	[sflag:s11] =	ssyncadd.s32 $0xFFFFC000  }
0xb9: {  	[tilespmem:s16], [sflag:$0x2] =	stream.indirect.gather [hbm4b:s2+s15], $0x80, s8, s15, $0xb8;
	[tilespmem:$0x1CC00] =	vst v63  }
0xba: {  	_ =	swait.ge [sflag:s17], $0x4000  }
0xbb: {  	[sflag:s17] =	ssyncset.done $0x0  }
0xbc: {  	[sflag:s17] =	ssyncadd.s32 $0xFFFFC000  }
0xbd: {  	[spmem:s3] =	stream.indirect.scatter.add.f32 [tilespmem:s12], [sflag:$0x3], $0x80, s25, s15, $0xb8;
	[tilespmem:$0x1CC00] =	vst v63  }
0xbe: {  	_ =	swait.ge [sflag:s11], $0x4000  }
0xbf: {  	[sflag:s11] =	ssyncset.done $0x0  }
0xc0: {  	s10 =	rddreg [dreg:$0xc];
	[sflag:s11] =	ssyncadd.s32 $0xFFFFC000  }
0xc1: {  	[tilespmem:s12], [sflag:$0x1] =	stream.indirect.gather [hbm4b:s2+s15], $0x80, s10, s15, $0xb8;
	[tilespmem:$0x1CC00] =	vst v63  }
0xc2: {  	_ =	swait.ge [sflag:s18], $0x4000  }
0xc3: {  	[sflag:s18] =	ssyncset.done $0x0  }
0xc4: {  	[sflag:s18] =	ssyncadd.s32 $0xFFFFC000  }
0xc5: {  	[spmem:s3] =	stream.indirect.scatter.add.f32 [tilespmem:s16], [sflag:$0x3], $0x80, s26, s15, $0xb8;
	[tilespmem:$0x1CC00] =	vst v63  }
0xc6: {  	_ =	swait.ge [sflag:s11], $0x4000  }
0xc7: {  	[sflag:s11] =	ssyncset.done $0x0  }
0xc8: {  	s24 =	rddreg [dreg:$0xd];
	[sflag:s11] =	ssyncadd.s32 $0xFFFFC000  }
0xc9: {  	[tilespmem:s16], [sflag:$0x2] =	stream.indirect.gather [hbm4b:s2+s15], $0x80, s24, s15, $0xb8;
	[tilespmem:$0x1CC00] =	vst v63  }
0xca: {  	_ =	swait.ge [sflag:s17], $0x4000  }
0xcb: {  	[sflag:s17] =	ssyncset.done $0x0  }
0xcc: {  	[sflag:s17] =	ssyncadd.s32 $0xFFFFC000  }
0xcd: {  	[spmem:s3] =	stream.indirect.scatter.add.f32 [tilespmem:s12], [sflag:$0x3], $0x80, s28, s15, $0xb8;
	[tilespmem:$0x1CC00] =	vst v63  }
0xce: {  	_ =	swait.ge [sflag:s11], $0x4000  }
0xcf: {  	[sflag:s11] =	ssyncset.done $0x0  }
0xd0: {  	s8 =	rddreg [dreg:$0xe];
	[sflag:s11] =	ssyncadd.s32 $0xFFFFC000  }
0xd1: {  	[tilespmem:s12], [sflag:$0x1] =	stream.indirect.gather [hbm4b:s2+s15], $0x80, s8, s15, $0xb8;
	[tilespmem:$0x1CC00] =	vst v63  }
0xd2: {  	_ =	swait.ge [sflag:s18], $0x4000  }
0xd3: {  	[sflag:s18] =	ssyncset.done $0x0  }
0xd4: {  	[sflag:s18] =	ssyncadd.s32 $0xFFFFC000  }
0xd5: {  	[spmem:s3] =	stream.indirect.scatter.add.f32 [tilespmem:s16], [sflag:$0x3], $0x80, s29, s15, $0xb8;
	[tilespmem:$0x1CC00] =	vst v63  }
0xd6: {  	_ =	swait.ge [sflag:s11], $0x4000  }
0xd7: {  	[sflag:s11] =	ssyncset.done $0x0  }
0xd8: {  	s10 =	rddreg [dreg:$0xf];
	[sflag:s11] =	ssyncadd.s32 $0xFFFFC000  }
0xd9: {  	[tilespmem:s16], [sflag:$0x2] =	stream.indirect.gather [hbm4b:s2+s15], $0x80, s10, s15, $0xb8;
	[tilespmem:$0x1CC00] =	vst v63  }
0xda: {  	_ =	swait.ge [sflag:s17], $0x4000  }
0xdb: {  	[sflag:s17] =	ssyncset.done $0x0  }
0xdc: {  	[sflag:s17] =	ssyncadd.s32 $0xFFFFC000  }
0xdd: {  	[spmem:s3] =	stream.indirect.scatter.add.f32 [tilespmem:s12], [sflag:$0x3], $0x80, s30, s15, $0xb8;
	[tilespmem:$0x1CC00] =	vst v63  }
0xde: {  	_ =	swait.ge [sflag:s11], $0x4000  }
0xdf: {  	[sflag:s11] =	ssyncset.done $0x0  }
0xe0: {  	s24 =	rddreg [dreg:$0x10];
	[sflag:s11] =	ssyncadd.s32 $0xFFFFC000  }
0xe1: {  	[tilespmem:s12], [sflag:$0x1] =	stream.indirect.gather [hbm4b:s2+s15], $0x80, s24, s15, $0xb8;
	[tilespmem:$0x1CC00] =	vst v63  }
0xe2: {  	_ =	swait.ge [sflag:s18], $0x4000  }
0xe3: {  	[sflag:s18] =	ssyncset.done $0x0  }
0xe4: {  	[sflag:s18] =	ssyncadd.s32 $0xFFFFC000  }
0xe5: {  	[spmem:s3] =	stream.indirect.scatter.add.f32 [tilespmem:s16], [sflag:$0x3], $0x80, s31, s15, $0xb8;
	[tilespmem:$0x1CC00] =	vst v63  }
0xe6: {  	_ =	swait.ge [sflag:s11], $0x4000  }
0xe7: {  	[sflag:s11] =	ssyncset.done $0x0  }
0xe8: {  	s8 =	rddreg [dreg:$0x11];
	[sflag:s11] =	ssyncadd.s32 $0xFFFFC000  }
0xe9: {  	[tilespmem:s16], [sflag:$0x2] =	stream.indirect.gather [hbm4b:s2+s15], $0x80, s8, s15, $0xb8;
	[tilespmem:$0x1CC00] =	vst v63  }
0xea: {  	_ =	swait.ge [sflag:s17], $0x4000  }
0xeb: {  	[sflag:s17] =	ssyncset.done $0x0  }
0xec: {  	[sflag:s17] =	ssyncadd.s32 $0xFFFFC000  }
0xed: {  	[spmem:s3] =	stream.indirect.scatter.add.f32 [tilespmem:s12], [sflag:$0x3], $0x80, s0, s15, $0xb8;
	[tilespmem:$0x1CC00] =	vst v63  }
0xee: {  	_ =	swait.ge [sflag:s11], $0x4000  }
0xef: {  	[sflag:s11] =	ssyncset.done $0x0  }
0xf0: {  	s10 =	rddreg [dreg:$0x12];
	[sflag:s11] =	ssyncadd.s32 $0xFFFFC000  }
0xf1: {  	[tilespmem:s12], [sflag:$0x1] =	stream.indirect.gather [hbm4b:s2+s15], $0x80, s10, s15, $0xb8;
	[tilespmem:$0x1CC00] =	vst v63  }
0xf2: {  	_ =	swait.ge [sflag:s18], $0x4000  }
0xf3: {  	[sflag:s18] =	ssyncset.done $0x0  }
0xf4: {  	[sflag:s18] =	ssyncadd.s32 $0xFFFFC000  }
0xf5: {  	[spmem:s3] =	stream.indirect.scatter.add.f32 [tilespmem:s16], [sflag:$0x3], $0x80, s1, s15, $0xb8;
	[tilespmem:$0x1CC00] =	vst v63  }
0xf6: {  	_ =	swait.ge [sflag:s11], $0x4000  }
0xf7: {  	[sflag:s11] =	ssyncset.done $0x0  }
0xf8: {  	s24 =	rddreg [dreg:$0x13];
	[sflag:s11] =	ssyncadd.s32 $0xFFFFC000  }
0xf9: {  	[tilespmem:s16], [sflag:$0x2] =	stream.indirect.gather [hbm4b:s2+s15], $0x80, s24, s15, $0xb8;
	[tilespmem:$0x1CC00] =	vst v63  }
0xfa: {  	_ =	swait.ge [sflag:s17], $0x4000  }
0xfb: {  	[sflag:s17] =	ssyncset.done $0x0  }
0xfc: {  	[sflag:s17] =	ssyncadd.s32 $0xFFFFC000  }
0xfd: {  	[spmem:s3] =	stream.indirect.scatter.add.f32 [tilespmem:s12], [sflag:$0x3], $0x80, s5, s15, $0xb8;
	[tilespmem:$0x1CC00] =	vst v63  }
0xfe: {  	_ =	swait.ge [sflag:s11], $0x4000  }
0xff: {  	[sflag:s11] =	ssyncset.done $0x0  }
0x100: {  	[sflag:s11] =	ssyncadd.s32 $0xFFFFC000  }
0x101: {  	_ =	swait.ge [sflag:s18], $0x4000  }
0x102: {  	[sflag:s18] =	ssyncset.done $0x0  }
0x103: {  	[sflag:s18] =	ssyncadd.s32 $0xFFFFC000  }
0x104: {  	[spmem:s3] =	stream.indirect.scatter.add.f32 [tilespmem:s16], [sflag:$0x3], $0x80, s6, s15, $0xb8;
	[tilespmem:$0x1CC00] =	vst v63  }
0x105: {  	s7 =	simm.s32 $0x200;
	_ =	swait.ge [sflag:s11], $0x4000  }
0x106: {  	s24 =	simm.s32 $0x100;
	s10 =	rddreg [dreg:$0x4];
	[sflag:s11] =	ssyncset.done $0x0  }
.LBB2_3:
0x107: {  	[sflag:s11] =	ssyncadd.s32 $0xFFFFC000;
	s10 =	sadd.s32 s24, s10  }
0x108: {  	[tilespmem:s13], [sflag:$0x3] =	stream.linear.gather [hbm4b:s10+s4], $0x800, $0x38;
	[tilespmem:$0x1CC00] =	vst v63  }
0x109: {  	_ =	swait.ge [sflag:s11], $0x800  }
0x10a: {  	[sflag:s11] =	ssyncset.done $0x0  }
0x10b: {  	s10 =	sadd.s32 s24, s9;
	[sflag:s11] =	ssyncadd.s32 $0xFFFFF800  }
0x10c: {  	[tilespmem:s14], [sflag:$0x3] =	stream.linear.gather [hbm4b:s10+s4], $0x800, $0x38;
	[tilespmem:$0x1CC00] =	vst v63  }
0x10d: {  	_ =	swait.ge [sflag:s11], $0x800  }
0x10e: {  	[sflag:s11] =	ssyncset.done $0x0  }
0x10f: {  	[sflag:s11] =	ssyncadd.s32 $0xFFFFF800  }
0x110: {  	[tilespmem:s12], [sflag:$0x1] =	stream.indirect.gather [hbm4b:s2+s15], $0x80, s13, s15, $0xb8;
	[tilespmem:$0x1CC00] =	vst v63  }
0x111: {  	s10 =	rddreg [dreg:$0x5]  }
0x112: {  	[tilespmem:s16], [sflag:$0x2] =	stream.indirect.gather [hbm4b:s2+s15], $0x80, s10, s15, $0xb8;
	[tilespmem:$0x1CC00] =	vst v63  }
0x113: {  	_ =	swait.ge [sflag:s17], $0x4000  }
0x114: {  	[sflag:s17] =	ssyncset.done $0x0  }
0x115: {  	[sflag:s17] =	ssyncadd.s32 $0xFFFFC000  }
0x116: {  	[spmem:s3] =	stream.indirect.scatter.add.f32 [tilespmem:s12], [sflag:$0x3], $0x80, s14, s15, $0xb8;
	[tilespmem:$0x1CC00] =	vst v63  }
0x117: {  	_ =	swait.ge [sflag:s11], $0x4000  }
0x118: {  	[sflag:s11] =	ssyncset.done $0x0  }
0x119: {  	s10 =	rddreg [dreg:$0x6];
	[sflag:s11] =	ssyncadd.s32 $0xFFFFC000  }
0x11a: {  	[tilespmem:s12], [sflag:$0x1] =	stream.indirect.gather [hbm4b:s2+s15], $0x80, s10, s15, $0xb8;
	[tilespmem:$0x1CC00] =	vst v63  }
0x11b: {  	_ =	swait.ge [sflag:s18], $0x4000  }
0x11c: {  	[sflag:s18] =	ssyncset.done $0x0  }
0x11d: {  	[sflag:s18] =	ssyncadd.s32 $0xFFFFC000  }
0x11e: {  	[spmem:s3] =	stream.indirect.scatter.add.f32 [tilespmem:s16], [sflag:$0x3], $0x80, s19, s15, $0xb8;
	[tilespmem:$0x1CC00] =	vst v63  }
0x11f: {  	_ =	swait.ge [sflag:s11], $0x4000  }
0x120: {  	[sflag:s11] =	ssyncset.done $0x0  }
0x121: {  	s10 =	rddreg [dreg:$0x7];
	[sflag:s11] =	ssyncadd.s32 $0xFFFFC000  }
0x122: {  	[tilespmem:s16], [sflag:$0x2] =	stream.indirect.gather [hbm4b:s2+s15], $0x80, s10, s15, $0xb8;
	[tilespmem:$0x1CC00] =	vst v63  }
0x123: {  	_ =	swait.ge [sflag:s17], $0x4000  }
0x124: {  	[sflag:s17] =	ssyncset.done $0x0  }
0x125: {  	[sflag:s17] =	ssyncadd.s32 $0xFFFFC000  }
0x126: {  	[spmem:s3] =	stream.indirect.scatter.add.f32 [tilespmem:s12], [sflag:$0x3], $0x80, s20, s15, $0xb8;
	[tilespmem:$0x1CC00] =	vst v63  }
0x127: {  	_ =	swait.ge [sflag:s11], $0x4000  }
0x128: {  	[sflag:s11] =	ssyncset.done $0x0  }
0x129: {  	s10 =	rddreg [dreg:$0x8];
	[sflag:s11] =	ssyncadd.s32 $0xFFFFC000  }
0x12a: {  	[tilespmem:s12], [sflag:$0x1] =	stream.indirect.gather [hbm4b:s2+s15], $0x80, s10, s15, $0xb8;
	[tilespmem:$0x1CC00] =	vst v63  }
0x12b: {  	_ =	swait.ge [sflag:s18], $0x4000  }
0x12c: {  	[sflag:s18] =	ssyncset.done $0x0  }
0x12d: {  	[sflag:s18] =	ssyncadd.s32 $0xFFFFC000  }
0x12e: {  	[spmem:s3] =	stream.indirect.scatter.add.f32 [tilespmem:s16], [sflag:$0x3], $0x80, s21, s15, $0xb8;
	[tilespmem:$0x1CC00] =	vst v63  }
0x12f: {  	_ =	swait.ge [sflag:s11], $0x4000  }
0x130: {  	[sflag:s11] =	ssyncset.done $0x0  }
0x131: {  	s10 =	rddreg [dreg:$0x9];
	[sflag:s11] =	ssyncadd.s32 $0xFFFFC000  }
0x132: {  	[tilespmem:s16], [sflag:$0x2] =	stream.indirect.gather [hbm4b:s2+s15], $0x80, s10, s15, $0xb8;
	[tilespmem:$0x1CC00] =	vst v63  }
0x133: {  	_ =	swait.ge [sflag:s17], $0x4000  }
0x134: {  	[sflag:s17] =	ssyncset.done $0x0  }
0x135: {  	[sflag:s17] =	ssyncadd.s32 $0xFFFFC000  }
0x136: {  	[spmem:s3] =	stream.indirect.scatter.add.f32 [tilespmem:s12], [sflag:$0x3], $0x80, s22, s15, $0xb8;
	[tilespmem:$0x1CC00] =	vst v63  }
0x137: {  	_ =	swait.ge [sflag:s11], $0x4000  }
0x138: {  	[sflag:s11] =	ssyncset.done $0x0  }
0x139: {  	s10 =	rddreg [dreg:$0xa];
	[sflag:s11] =	ssyncadd.s32 $0xFFFFC000  }
0x13a: {  	[tilespmem:s12], [sflag:$0x1] =	stream.indirect.gather [hbm4b:s2+s15], $0x80, s10, s15, $0xb8;
	[tilespmem:$0x1CC00] =	vst v63  }
0x13b: {  	_ =	swait.ge [sflag:s18], $0x4000  }
0x13c: {  	[sflag:s18] =	ssyncset.done $0x0  }
0x13d: {  	[sflag:s18] =	ssyncadd.s32 $0xFFFFC000  }
0x13e: {  	[spmem:s3] =	stream.indirect.scatter.add.f32 [tilespmem:s16], [sflag:$0x3], $0x80, s23, s15, $0xb8;
	[tilespmem:$0x1CC00] =	vst v63  }
0x13f: {  	_ =	swait.ge [sflag:s11], $0x4000  }
0x140: {  	[sflag:s11] =	ssyncset.done $0x0  }
0x141: {  	s10 =	rddreg [dreg:$0xb];
	[sflag:s11] =	ssyncadd.s32 $0xFFFFC000  }
0x142: {  	[tilespmem:s16], [sflag:$0x2] =	stream.indirect.gather [hbm4b:s2+s15], $0x80, s10, s15, $0xb8;
	[tilespmem:$0x1CC00] =	vst v63  }
0x143: {  	_ =	swait.ge [sflag:s17], $0x4000  }
0x144: {  	[sflag:s17] =	ssyncset.done $0x0  }
0x145: {  	[sflag:s17] =	ssyncadd.s32 $0xFFFFC000  }
0x146: {  	[spmem:s3] =	stream.indirect.scatter.add.f32 [tilespmem:s12], [sflag:$0x3], $0x80, s25, s15, $0xb8;
	[tilespmem:$0x1CC00] =	vst v63  }
0x147: {  	_ =	swait.ge [sflag:s11], $0x4000  }
0x148: {  	[sflag:s11] =	ssyncset.done $0x0  }
0x149: {  	s10 =	rddreg [dreg:$0xc];
	[sflag:s11] =	ssyncadd.s32 $0xFFFFC000  }
0x14a: {  	[tilespmem:s12], [sflag:$0x1] =	stream.indirect.gather [hbm4b:s2+s15], $0x80, s10, s15, $0xb8;
	[tilespmem:$0x1CC00] =	vst v63  }
0x14b: {  	_ =	swait.ge [sflag:s18], $0x4000  }
0x14c: {  	[sflag:s18] =	ssyncset.done $0x0  }
0x14d: {  	[sflag:s18] =	ssyncadd.s32 $0xFFFFC000  }
0x14e: {  	[spmem:s3] =	stream.indirect.scatter.add.f32 [tilespmem:s16], [sflag:$0x3], $0x80, s26, s15, $0xb8;
	[tilespmem:$0x1CC00] =	vst v63  }
0x14f: {  	_ =	swait.ge [sflag:s11], $0x4000  }
0x150: {  	[sflag:s11] =	ssyncset.done $0x0  }
0x151: {  	s10 =	rddreg [dreg:$0xd];
	[sflag:s11] =	ssyncadd.s32 $0xFFFFC000  }
0x152: {  	[tilespmem:s16], [sflag:$0x2] =	stream.indirect.gather [hbm4b:s2+s15], $0x80, s10, s15, $0xb8;
	[tilespmem:$0x1CC00] =	vst v63  }
0x153: {  	_ =	swait.ge [sflag:s17], $0x4000  }
0x154: {  	[sflag:s17] =	ssyncset.done $0x0  }
0x155: {  	[sflag:s17] =	ssyncadd.s32 $0xFFFFC000  }
0x156: {  	[spmem:s3] =	stream.indirect.scatter.add.f32 [tilespmem:s12], [sflag:$0x3], $0x80, s28, s15, $0xb8;
	[tilespmem:$0x1CC00] =	vst v63  }
0x157: {  	_ =	swait.ge [sflag:s11], $0x4000  }
0x158: {  	[sflag:s11] =	ssyncset.done $0x0  }
0x159: {  	s10 =	rddreg [dreg:$0xe];
	[sflag:s11] =	ssyncadd.s32 $0xFFFFC000  }
0x15a: {  	[tilespmem:s12], [sflag:$0x1] =	stream.indirect.gather [hbm4b:s2+s15], $0x80, s10, s15, $0xb8;
	[tilespmem:$0x1CC00] =	vst v63  }
0x15b: {  	_ =	swait.ge [sflag:s18], $0x4000  }
0x15c: {  	[sflag:s18] =	ssyncset.done $0x0  }
0x15d: {  	[sflag:s18] =	ssyncadd.s32 $0xFFFFC000  }
0x15e: {  	[spmem:s3] =	stream.indirect.scatter.add.f32 [tilespmem:s16], [sflag:$0x3], $0x80, s29, s15, $0xb8;
	[tilespmem:$0x1CC00] =	vst v63  }
0x15f: {  	_ =	swait.ge [sflag:s11], $0x4000  }
0x160: {  	[sflag:s11] =	ssyncset.done $0x0  }
0x161: {  	s10 =	rddreg [dreg:$0xf];
	[sflag:s11] =	ssyncadd.s32 $0xFFFFC000  }
0x162: {  	[tilespmem:s16], [sflag:$0x2] =	stream.indirect.gather [hbm4b:s2+s15], $0x80, s10, s15, $0xb8;
	[tilespmem:$0x1CC00] =	vst v63  }
0x163: {  	_ =	swait.ge [sflag:s17], $0x4000  }
0x164: {  	[sflag:s17] =	ssyncset.done $0x0  }
0x165: {  	[sflag:s17] =	ssyncadd.s32 $0xFFFFC000  }
0x166: {  	[spmem:s3] =	stream.indirect.scatter.add.f32 [tilespmem:s12], [sflag:$0x3], $0x80, s30, s15, $0xb8;
	[tilespmem:$0x1CC00] =	vst v63  }
0x167: {  	_ =	swait.ge [sflag:s11], $0x4000  }
0x168: {  	[sflag:s11] =	ssyncset.done $0x0  }
0x169: {  	s10 =	rddreg [dreg:$0x10];
	[sflag:s11] =	ssyncadd.s32 $0xFFFFC000  }
0x16a: {  	[tilespmem:s12], [sflag:$0x1] =	stream.indirect.gather [hbm4b:s2+s15], $0x80, s10, s15, $0xb8;
	[tilespmem:$0x1CC00] =	vst v63  }
0x16b: {  	_ =	swait.ge [sflag:s18], $0x4000  }
0x16c: {  	[sflag:s18] =	ssyncset.done $0x0  }
0x16d: {  	[sflag:s18] =	ssyncadd.s32 $0xFFFFC000  }
0x16e: {  	[spmem:s3] =	stream.indirect.scatter.add.f32 [tilespmem:s16], [sflag:$0x3], $0x80, s31, s15, $0xb8;
	[tilespmem:$0x1CC00] =	vst v63  }
0x16f: {  	_ =	swait.ge [sflag:s11], $0x4000  }
0x170: {  	[sflag:s11] =	ssyncset.done $0x0  }
0x171: {  	s10 =	rddreg [dreg:$0x11];
	[sflag:s11] =	ssyncadd.s32 $0xFFFFC000  }
0x172: {  	[tilespmem:s16], [sflag:$0x2] =	stream.indirect.gather [hbm4b:s2+s15], $0x80, s10, s15, $0xb8;
	[tilespmem:$0x1CC00] =	vst v63  }
0x173: {  	_ =	swait.ge [sflag:s17], $0x4000  }
0x174: {  	[sflag:s17] =	ssyncset.done $0x0  }
0x175: {  	[sflag:s17] =	ssyncadd.s32 $0xFFFFC000  }
0x176: {  	[spmem:s3] =	stream.indirect.scatter.add.f32 [tilespmem:s12], [sflag:$0x3], $0x80, s0, s15, $0xb8;
	[tilespmem:$0x1CC00] =	vst v63  }
0x177: {  	_ =	swait.ge [sflag:s11], $0x4000  }
0x178: {  	[sflag:s11] =	ssyncset.done $0x0  }
0x179: {  	s10 =	rddreg [dreg:$0x12];
	[sflag:s11] =	ssyncadd.s32 $0xFFFFC000  }
0x17a: {  	[tilespmem:s12], [sflag:$0x1] =	stream.indirect.gather [hbm4b:s2+s15], $0x80, s10, s15, $0xb8;
	[tilespmem:$0x1CC00] =	vst v63  }
0x17b: {  	_ =	swait.ge [sflag:s18], $0x4000  }
0x17c: {  	[sflag:s18] =	ssyncset.done $0x0  }
0x17d: {  	[sflag:s18] =	ssyncadd.s32 $0xFFFFC000  }
0x17e: {  	[spmem:s3] =	stream.indirect.scatter.add.f32 [tilespmem:s16], [sflag:$0x3], $0x80, s1, s15, $0xb8;
	[tilespmem:$0x1CC00] =	vst v63  }
0x17f: {  	_ =	swait.ge [sflag:s11], $0x4000  }
0x180: {  	[sflag:s11] =	ssyncset.done $0x0  }
0x181: {  	s10 =	rddreg [dreg:$0x13];
	[sflag:s11] =	ssyncadd.s32 $0xFFFFC000  }
0x182: {  	[tilespmem:s16], [sflag:$0x2] =	stream.indirect.gather [hbm4b:s2+s15], $0x80, s10, s15, $0xb8;
	[tilespmem:$0x1CC00] =	vst v63  }
0x183: {  	_ =	swait.ge [sflag:s17], $0x4000  }
0x184: {  	[sflag:s17] =	ssyncset.done $0x0  }
0x185: {  	[sflag:s17] =	ssyncadd.s32 $0xFFFFC000  }
0x186: {  	[spmem:s3] =	stream.indirect.scatter.add.f32 [tilespmem:s12], [sflag:$0x3], $0x80, s5, s15, $0xb8;
	[tilespmem:$0x1CC00] =	vst v63  }
0x187: {  	_ =	swait.ge [sflag:s11], $0x4000  }
0x188: {  	[sflag:s11] =	ssyncset.done $0x0  }
0x189: {  	[sflag:s11] =	ssyncadd.s32 $0xFFFFC000  }
0x18a: {  	p2 =	sne.s32 s7, $0x900;
	_ =	swait.ge [sflag:s18], $0x4000  }
.Ltmp3:
0x18b: {  	[sflag:s18] =	ssyncset.done $0x0;
	(pc) =	sbr.rel @p2 .LBB2_3-.Ltmp3, $4  }
0x18c: {  	[sflag:s18] =	ssyncadd.s32 $0xFFFFC000  }
0x18d: {  	[spmem:s3] =	stream.indirect.scatter.add.f32 [tilespmem:s16], [sflag:$0x3], $0x80, s6, s15, $0xb8;
	[tilespmem:$0x1CC00] =	vst v63  }
0x18e: {  	s8 =	smov.u32 s7;
	s7 =	sadd.s32 $0x100, s7;
	_ =	swait.ge [sflag:s11], $0x4000  }
0x18f: {  	s24 =	smov.u32 s8;
	s10 =	rddreg [dreg:$0x4];
	[sflag:s11] =	ssyncset.done $0x0  }
0x190: {  	[sflag:s11] =	ssyncadd.s32 $0xFFFFC000;
	s7 =	sadd.s32 s24, s10  }
0x191: {  	[tilespmem:s13], [sflag:$0x3] =	stream.linear.gather [hbm4b:s7+s4], $0x800, $0x38;
	[tilespmem:$0x1CC00] =	vst v63  }
0x192: {  	_ =	swait.ge [sflag:s11], $0x800  }
0x193: {  	[sflag:s11] =	ssyncset.done $0x0  }
0x194: {  	s24 =	sadd.s32 s24, s9;
	[sflag:s11] =	ssyncadd.s32 $0xFFFFF800  }
0x195: {  	[tilespmem:s14], [sflag:$0x3] =	stream.linear.gather [hbm4b:s24+s4], $0x800, $0x38;
	[tilespmem:$0x1CC00] =	vst v63  }
0x196: {  	_ =	swait.ge [sflag:s11], $0x800  }
0x197: {  	[sflag:s11] =	ssyncset.done $0x0  }
0x198: {  	[sflag:s11] =	ssyncadd.s32 $0xFFFFF800  }
0x199: {  	[tilespmem:s12], [sflag:$0x1] =	stream.indirect.gather [hbm4b:s2+s15], $0x80, s13, s15, $0xb8;
	[tilespmem:$0x1CC00] =	vst v63  }
0x19a: {  	s8 =	rddreg [dreg:$0x5]  }
0x19b: {  	[tilespmem:s16], [sflag:$0x2] =	stream.indirect.gather [hbm4b:s2+s15], $0x80, s8, s15, $0xb8;
	[tilespmem:$0x1CC00] =	vst v63  }
0x19c: {  	_ =	swait.ge [sflag:s17], $0x4000  }
0x19d: {  	[sflag:s17] =	ssyncset.done $0x0  }
0x19e: {  	[sflag:s17] =	ssyncadd.s32 $0xFFFFC000  }
0x19f: {  	[spmem:s3] =	stream.indirect.scatter.add.f32 [tilespmem:s12], [sflag:$0x3], $0x80, s14, s15, $0xb8;
	[tilespmem:$0x1CC00] =	vst v63  }
0x1a0: {  	_ =	swait.ge [sflag:s11], $0x4000  }
0x1a1: {  	[sflag:s11] =	ssyncset.done $0x0  }
0x1a2: {  	s10 =	rddreg [dreg:$0x6];
	[sflag:s11] =	ssyncadd.s32 $0xFFFFC000  }
0x1a3: {  	[tilespmem:s12], [sflag:$0x1] =	stream.indirect.gather [hbm4b:s2+s15], $0x80, s10, s15, $0xb8;
	[tilespmem:$0x1CC00] =	vst v63  }
0x1a4: {  	_ =	swait.ge [sflag:s18], $0x4000  }
0x1a5: {  	[sflag:s18] =	ssyncset.done $0x0  }
0x1a6: {  	[sflag:s18] =	ssyncadd.s32 $0xFFFFC000  }
0x1a7: {  	[spmem:s3] =	stream.indirect.scatter.add.f32 [tilespmem:s16], [sflag:$0x3], $0x80, s19, s15, $0xb8;
	[tilespmem:$0x1CC00] =	vst v63  }
0x1a8: {  	_ =	swait.ge [sflag:s11], $0x4000  }
0x1a9: {  	[sflag:s11] =	ssyncset.done $0x0  }
0x1aa: {  	s24 =	rddreg [dreg:$0x7];
	[sflag:s11] =	ssyncadd.s32 $0xFFFFC000  }
0x1ab: {  	[tilespmem:s16], [sflag:$0x2] =	stream.indirect.gather [hbm4b:s2+s15], $0x80, s24, s15, $0xb8;
	[tilespmem:$0x1CC00] =	vst v63  }
0x1ac: {  	_ =	swait.ge [sflag:s17], $0x4000  }
0x1ad: {  	[sflag:s17] =	ssyncset.done $0x0  }
0x1ae: {  	[sflag:s17] =	ssyncadd.s32 $0xFFFFC000  }
0x1af: {  	[spmem:s3] =	stream.indirect.scatter.add.f32 [tilespmem:s12], [sflag:$0x3], $0x80, s20, s15, $0xb8;
	[tilespmem:$0x1CC00] =	vst v63  }
0x1b0: {  	_ =	swait.ge [sflag:s11], $0x4000  }
0x1b1: {  	[sflag:s11] =	ssyncset.done $0x0  }
0x1b2: {  	s8 =	rddreg [dreg:$0x8];
	[sflag:s11] =	ssyncadd.s32 $0xFFFFC000  }
0x1b3: {  	[tilespmem:s12], [sflag:$0x1] =	stream.indirect.gather [hbm4b:s2+s15], $0x80, s8, s15, $0xb8;
	[tilespmem:$0x1CC00] =	vst v63  }
0x1b4: {  	_ =	swait.ge [sflag:s18], $0x4000  }
0x1b5: {  	[sflag:s18] =	ssyncset.done $0x0  }
0x1b6: {  	[sflag:s18] =	ssyncadd.s32 $0xFFFFC000  }
0x1b7: {  	[spmem:s3] =	stream.indirect.scatter.add.f32 [tilespmem:s16], [sflag:$0x3], $0x80, s21, s15, $0xb8;
	[tilespmem:$0x1CC00] =	vst v63  }
0x1b8: {  	_ =	swait.ge [sflag:s11], $0x4000  }
0x1b9: {  	[sflag:s11] =	ssyncset.done $0x0  }
0x1ba: {  	s10 =	rddreg [dreg:$0x9];
	[sflag:s11] =	ssyncadd.s32 $0xFFFFC000  }
0x1bb: {  	[tilespmem:s16], [sflag:$0x2] =	stream.indirect.gather [hbm4b:s2+s15], $0x80, s10, s15, $0xb8;
	[tilespmem:$0x1CC00] =	vst v63  }
0x1bc: {  	_ =	swait.ge [sflag:s17], $0x4000  }
0x1bd: {  	[sflag:s17] =	ssyncset.done $0x0  }
0x1be: {  	[sflag:s17] =	ssyncadd.s32 $0xFFFFC000  }
0x1bf: {  	[spmem:s3] =	stream.indirect.scatter.add.f32 [tilespmem:s12], [sflag:$0x3], $0x80, s22, s15, $0xb8;
	[tilespmem:$0x1CC00] =	vst v63  }
0x1c0: {  	_ =	swait.ge [sflag:s11], $0x4000  }
0x1c1: {  	[sflag:s11] =	ssyncset.done $0x0  }
0x1c2: {  	s24 =	rddreg [dreg:$0xa];
	[sflag:s11] =	ssyncadd.s32 $0xFFFFC000  }
0x1c3: {  	[tilespmem:s12], [sflag:$0x1] =	stream.indirect.gather [hbm4b:s2+s15], $0x80, s24, s15, $0xb8;
	[tilespmem:$0x1CC00] =	vst v63  }
0x1c4: {  	_ =	swait.ge [sflag:s18], $0x4000  }
0x1c5: {  	[sflag:s18] =	ssyncset.done $0x0  }
0x1c6: {  	[sflag:s18] =	ssyncadd.s32 $0xFFFFC000  }
0x1c7: {  	[spmem:s3] =	stream.indirect.scatter.add.f32 [tilespmem:s16], [sflag:$0x3], $0x80, s23, s15, $0xb8;
	[tilespmem:$0x1CC00] =	vst v63  }
0x1c8: {  	_ =	swait.ge [sflag:s11], $0x4000  }
0x1c9: {  	[sflag:s11] =	ssyncset.done $0x0  }
0x1ca: {  	s8 =	rddreg [dreg:$0xb];
	[sflag:s11] =	ssyncadd.s32 $0xFFFFC000  }
0x1cb: {  	[tilespmem:s16], [sflag:$0x2] =	stream.indirect.gather [hbm4b:s2+s15], $0x80, s8, s15, $0xb8;
	[tilespmem:$0x1CC00] =	vst v63  }
0x1cc: {  	_ =	swait.ge [sflag:s17], $0x4000  }
0x1cd: {  	[sflag:s17] =	ssyncset.done $0x0  }
0x1ce: {  	[sflag:s17] =	ssyncadd.s32 $0xFFFFC000  }
0x1cf: {  	[spmem:s3] =	stream.indirect.scatter.add.f32 [tilespmem:s12], [sflag:$0x3], $0x80, s25, s15, $0xb8;
	[tilespmem:$0x1CC00] =	vst v63  }
0x1d0: {  	_ =	swait.ge [sflag:s11], $0x4000  }
0x1d1: {  	[sflag:s11] =	ssyncset.done $0x0  }
0x1d2: {  	s10 =	rddreg [dreg:$0xc];
	[sflag:s11] =	ssyncadd.s32 $0xFFFFC000  }
0x1d3: {  	[tilespmem:s12], [sflag:$0x1] =	stream.indirect.gather [hbm4b:s2+s15], $0x80, s10, s15, $0xb8;
	[tilespmem:$0x1CC00] =	vst v63  }
0x1d4: {  	_ =	swait.ge [sflag:s18], $0x4000  }
0x1d5: {  	[sflag:s18] =	ssyncset.done $0x0  }
0x1d6: {  	[sflag:s18] =	ssyncadd.s32 $0xFFFFC000  }
0x1d7: {  	[spmem:s3] =	stream.indirect.scatter.add.f32 [tilespmem:s16], [sflag:$0x3], $0x80, s26, s15, $0xb8;
	[tilespmem:$0x1CC00] =	vst v63  }
0x1d8: {  	_ =	swait.ge [sflag:s11], $0x4000  }
0x1d9: {  	[sflag:s11] =	ssyncset.done $0x0  }
0x1da: {  	s24 =	rddreg [dreg:$0xd];
	[sflag:s11] =	ssyncadd.s32 $0xFFFFC000  }
0x1db: {  	[tilespmem:s16], [sflag:$0x2] =	stream.indirect.gather [hbm4b:s2+s15], $0x80, s24, s15, $0xb8;
	[tilespmem:$0x1CC00] =	vst v63  }
0x1dc: {  	_ =	swait.ge [sflag:s17], $0x4000  }
0x1dd: {  	[sflag:s17] =	ssyncset.done $0x0  }
0x1de: {  	[sflag:s17] =	ssyncadd.s32 $0xFFFFC000  }
0x1df: {  	[spmem:s3] =	stream.indirect.scatter.add.f32 [tilespmem:s12], [sflag:$0x3], $0x80, s28, s15, $0xb8;
	[tilespmem:$0x1CC00] =	vst v63  }
0x1e0: {  	_ =	swait.ge [sflag:s11], $0x4000  }
0x1e1: {  	[sflag:s11] =	ssyncset.done $0x0  }
0x1e2: {  	s8 =	rddreg [dreg:$0xe];
	[sflag:s11] =	ssyncadd.s32 $0xFFFFC000  }
0x1e3: {  	[tilespmem:s12], [sflag:$0x1] =	stream.indirect.gather [hbm4b:s2+s15], $0x80, s8, s15, $0xb8;
	[tilespmem:$0x1CC00] =	vst v63  }
0x1e4: {  	_ =	swait.ge [sflag:s18], $0x4000  }
0x1e5: {  	[sflag:s18] =	ssyncset.done $0x0  }
0x1e6: {  	[sflag:s18] =	ssyncadd.s32 $0xFFFFC000  }
0x1e7: {  	[spmem:s3] =	stream.indirect.scatter.add.f32 [tilespmem:s16], [sflag:$0x3], $0x80, s29, s15, $0xb8;
	[tilespmem:$0x1CC00] =	vst v63  }
0x1e8: {  	_ =	swait.ge [sflag:s11], $0x4000  }
0x1e9: {  	[sflag:s11] =	ssyncset.done $0x0  }
0x1ea: {  	s10 =	rddreg [dreg:$0xf];
	[sflag:s11] =	ssyncadd.s32 $0xFFFFC000  }
0x1eb: {  	[tilespmem:s16], [sflag:$0x2] =	stream.indirect.gather [hbm4b:s2+s15], $0x80, s10, s15, $0xb8;
	[tilespmem:$0x1CC00] =	vst v63  }
0x1ec: {  	_ =	swait.ge [sflag:s17], $0x4000  }
0x1ed: {  	[sflag:s17] =	ssyncset.done $0x0  }
0x1ee: {  	[sflag:s17] =	ssyncadd.s32 $0xFFFFC000  }
0x1ef: {  	[spmem:s3] =	stream.indirect.scatter.add.f32 [tilespmem:s12], [sflag:$0x3], $0x80, s30, s15, $0xb8;
	[tilespmem:$0x1CC00] =	vst v63  }
0x1f0: {  	_ =	swait.ge [sflag:s11], $0x4000  }
0x1f1: {  	[sflag:s11] =	ssyncset.done $0x0  }
0x1f2: {  	s24 =	rddreg [dreg:$0x10];
	[sflag:s11] =	ssyncadd.s32 $0xFFFFC000  }
0x1f3: {  	[tilespmem:s12], [sflag:$0x1] =	stream.indirect.gather [hbm4b:s2+s15], $0x80, s24, s15, $0xb8;
	[tilespmem:$0x1CC00] =	vst v63  }
0x1f4: {  	_ =	swait.ge [sflag:s18], $0x4000  }
0x1f5: {  	[sflag:s18] =	ssyncset.done $0x0  }
0x1f6: {  	[sflag:s18] =	ssyncadd.s32 $0xFFFFC000  }
0x1f7: {  	[spmem:s3] =	stream.indirect.scatter.add.f32 [tilespmem:s16], [sflag:$0x3], $0x80, s31, s15, $0xb8;
	[tilespmem:$0x1CC00] =	vst v63  }
0x1f8: {  	_ =	swait.ge [sflag:s11], $0x4000  }
0x1f9: {  	[sflag:s11] =	ssyncset.done $0x0  }
0x1fa: {  	s8 =	rddreg [dreg:$0x11];
	[sflag:s11] =	ssyncadd.s32 $0xFFFFC000  }
0x1fb: {  	[tilespmem:s16], [sflag:$0x2] =	stream.indirect.gather [hbm4b:s2+s15], $0x80, s8, s15, $0xb8;
	[tilespmem:$0x1CC00] =	vst v63  }
0x1fc: {  	_ =	swait.ge [sflag:s17], $0x4000  }
0x1fd: {  	[sflag:s17] =	ssyncset.done $0x0  }
0x1fe: {  	[sflag:s17] =	ssyncadd.s32 $0xFFFFC000  }
0x1ff: {  	[spmem:s3] =	stream.indirect.scatter.add.f32 [tilespmem:s12], [sflag:$0x3], $0x80, s0, s15, $0xb8;
	[tilespmem:$0x1CC00] =	vst v63  }
0x200: {  	_ =	swait.ge [sflag:s11], $0x4000  }
0x201: {  	[sflag:s11] =	ssyncset.done $0x0  }
0x202: {  	s10 =	rddreg [dreg:$0x12];
	[sflag:s11] =	ssyncadd.s32 $0xFFFFC000  }
0x203: {  	[tilespmem:s12], [sflag:$0x1] =	stream.indirect.gather [hbm4b:s2+s15], $0x80, s10, s15, $0xb8;
	[tilespmem:$0x1CC00] =	vst v63  }
0x204: {  	_ =	swait.ge [sflag:s18], $0x4000  }
0x205: {  	[sflag:s18] =	ssyncset.done $0x0  }
0x206: {  	[sflag:s18] =	ssyncadd.s32 $0xFFFFC000  }
0x207: {  	[spmem:s3] =	stream.indirect.scatter.add.f32 [tilespmem:s16], [sflag:$0x3], $0x80, s1, s15, $0xb8;
	[tilespmem:$0x1CC00] =	vst v63  }
0x208: {  	_ =	swait.ge [sflag:s11], $0x4000  }
0x209: {  	[sflag:s11] =	ssyncset.done $0x0  }
0x20a: {  	s24 =	rddreg [dreg:$0x13];
	[sflag:s11] =	ssyncadd.s32 $0xFFFFC000  }
0x20b: {  	[tilespmem:s16], [sflag:$0x2] =	stream.indirect.gather [hbm4b:s2+s15], $0x80, s24, s15, $0xb8;
	[tilespmem:$0x1CC00] =	vst v63  }
0x20c: {  	_ =	swait.ge [sflag:s17], $0x4000  }
0x20d: {  	[sflag:s17] =	ssyncset.done $0x0  }
0x20e: {  	[sflag:s17] =	ssyncadd.s32 $0xFFFFC000  }
0x20f: {  	[spmem:s3] =	stream.indirect.scatter.add.f32 [tilespmem:s12], [sflag:$0x3], $0x80, s5, s15, $0xb8;
	[tilespmem:$0x1CC00] =	vst v63  }
0x210: {  	_ =	swait.ge [sflag:s11], $0x4000  }
0x211: {  	[sflag:s11] =	ssyncset.done $0x0  }
0x212: {  	[sflag:s11] =	ssyncadd.s32 $0xFFFFC000  }
0x213: {  	_ =	swait.ge [sflag:s18], $0x4000  }
0x214: {  	[sflag:s18] =	ssyncset.done $0x0  }
0x215: {  	[sflag:s18] =	ssyncadd.s32 $0xFFFFC000  }
0x216: {  	[spmem:s3] =	stream.indirect.scatter.add.f32 [tilespmem:s16], [sflag:$0x3], $0x80, s6, s15, $0xb8;
	[tilespmem:$0x1CC00] =	vst v63  }
0x217: {  	_ =	swait.ge [sflag:s11], $0x4000  }
0x218: {  	s10 =	rddreg [dreg:$0x16]  }
0x219: {  	[sflag:s11] =	ssyncset.done $0x0;
	s8 =	rddreg [dreg:$0x18]  }
0x21a: {  	s24 =	rddreg [dreg:$0x1a];
	[sflag:s11] =	ssyncadd.s32 $0xFFFFC000  }
.LBB2_5:
.Ltmp4:
0x21b: {  	(pc) =	sbr.rel @!p0 .LBB2_9-.Ltmp4, $1  }
0x21c: {  	_ =	sdelay $0x3  }
0x21d: {  	s7 =	sadd.s32 $0x0, s9  }
0x21e: {  	[tilespmem:s14], [sflag:$0x3] =	stream.linear.gather [hbm4b:s7+s4], $0x800, $0x38;
	[tilespmem:$0x1CC00] =	vst v63  }
0x21f: {  	_ =	swait.ge [sflag:s11], $0x800  }
0x220: {  	[sflag:s11] =	ssyncset.done $0x0  }
0x221: {  	[sflag:s11] =	ssyncadd.s32 $0xFFFFF800  }
0x222: {  	[spmem:s3] =	stream.indirect.scatter.add.f32 [tilespmem:s12], [sflag:$0x3], $0x80, s14, s15, $0xb8;
	[tilespmem:$0x1CC00] =	vst v63  }
0x223: {  	_ =	swait.ge [sflag:s11], $0x4000  }
0x224: {  	[sflag:s11] =	ssyncset.done $0x0  }
0x225: {  	[sflag:s11] =	ssyncadd.s32 $0xFFFFC000  }
0x226: {  	[spmem:s3] =	stream.indirect.scatter.add.f32 [tilespmem:s12], [sflag:$0x3], $0x80, s19, s15, $0xb8;
	[tilespmem:$0x1CC00] =	vst v63  }
0x227: {  	_ =	swait.ge [sflag:s11], $0x4000  }
0x228: {  	[sflag:s11] =	ssyncset.done $0x0  }
0x229: {  	[sflag:s11] =	ssyncadd.s32 $0xFFFFC000  }
0x22a: {  	[spmem:s3] =	stream.indirect.scatter.add.f32 [tilespmem:s12], [sflag:$0x3], $0x80, s20, s15, $0xb8;
	[tilespmem:$0x1CC00] =	vst v63  }
0x22b: {  	_ =	swait.ge [sflag:s11], $0x4000  }
0x22c: {  	[sflag:s11] =	ssyncset.done $0x0  }
0x22d: {  	[sflag:s11] =	ssyncadd.s32 $0xFFFFC000  }
0x22e: {  	[spmem:s3] =	stream.indirect.scatter.add.f32 [tilespmem:s12], [sflag:$0x3], $0x80, s21, s15, $0xb8;
	[tilespmem:$0x1CC00] =	vst v63  }
0x22f: {  	_ =	swait.ge [sflag:s11], $0x4000  }
0x230: {  	[sflag:s11] =	ssyncset.done $0x0  }
0x231: {  	[sflag:s11] =	ssyncadd.s32 $0xFFFFC000  }
0x232: {  	[spmem:s3] =	stream.indirect.scatter.add.f32 [tilespmem:s12], [sflag:$0x3], $0x80, s22, s15, $0xb8;
	[tilespmem:$0x1CC00] =	vst v63  }
0x233: {  	_ =	swait.ge [sflag:s11], $0x4000  }
0x234: {  	[sflag:s11] =	ssyncset.done $0x0  }
0x235: {  	[sflag:s11] =	ssyncadd.s32 $0xFFFFC000  }
0x236: {  	[spmem:s3] =	stream.indirect.scatter.add.f32 [tilespmem:s12], [sflag:$0x3], $0x80, s23, s15, $0xb8;
	[tilespmem:$0x1CC00] =	vst v63  }
0x237: {  	_ =	swait.ge [sflag:s11], $0x4000  }
0x238: {  	[sflag:s11] =	ssyncset.done $0x0  }
0x239: {  	[sflag:s11] =	ssyncadd.s32 $0xFFFFC000  }
0x23a: {  	[spmem:s3] =	stream.indirect.scatter.add.f32 [tilespmem:s12], [sflag:$0x3], $0x80, s25, s15, $0xb8;
	[tilespmem:$0x1CC00] =	vst v63  }
0x23b: {  	_ =	swait.ge [sflag:s11], $0x4000  }
0x23c: {  	[sflag:s11] =	ssyncset.done $0x0  }
0x23d: {  	[sflag:s11] =	ssyncadd.s32 $0xFFFFC000  }
0x23e: {  	[spmem:s3] =	stream.indirect.scatter.add.f32 [tilespmem:s12], [sflag:$0x3], $0x80, s26, s15, $0xb8;
	[tilespmem:$0x1CC00] =	vst v63  }
0x23f: {  	_ =	swait.ge [sflag:s11], $0x4000  }
0x240: {  	[sflag:s11] =	ssyncset.done $0x0  }
0x241: {  	[sflag:s11] =	ssyncadd.s32 $0xFFFFC000  }
0x242: {  	[spmem:s3] =	stream.indirect.scatter.add.f32 [tilespmem:s12], [sflag:$0x3], $0x80, s28, s15, $0xb8;
	[tilespmem:$0x1CC00] =	vst v63  }
0x243: {  	_ =	swait.ge [sflag:s11], $0x4000  }
0x244: {  	[sflag:s11] =	ssyncset.done $0x0  }
0x245: {  	[sflag:s11] =	ssyncadd.s32 $0xFFFFC000  }
0x246: {  	[spmem:s3] =	stream.indirect.scatter.add.f32 [tilespmem:s12], [sflag:$0x3], $0x80, s29, s15, $0xb8;
	[tilespmem:$0x1CC00] =	vst v63  }
0x247: {  	_ =	swait.ge [sflag:s11], $0x4000  }
0x248: {  	[sflag:s11] =	ssyncset.done $0x0  }
0x249: {  	[sflag:s11] =	ssyncadd.s32 $0xFFFFC000  }
0x24a: {  	[spmem:s3] =	stream.indirect.scatter.add.f32 [tilespmem:s12], [sflag:$0x3], $0x80, s30, s15, $0xb8;
	[tilespmem:$0x1CC00] =	vst v63  }
0x24b: {  	_ =	swait.ge [sflag:s11], $0x4000  }
0x24c: {  	[sflag:s11] =	ssyncset.done $0x0  }
0x24d: {  	[sflag:s11] =	ssyncadd.s32 $0xFFFFC000  }
0x24e: {  	[spmem:s3] =	stream.indirect.scatter.add.f32 [tilespmem:s12], [sflag:$0x3], $0x80, s31, s15, $0xb8;
	[tilespmem:$0x1CC00] =	vst v63  }
0x24f: {  	_ =	swait.ge [sflag:s11], $0x4000  }
0x250: {  	[sflag:s11] =	ssyncset.done $0x0  }
0x251: {  	[sflag:s11] =	ssyncadd.s32 $0xFFFFC000  }
0x252: {  	[spmem:s3] =	stream.indirect.scatter.add.f32 [tilespmem:s12], [sflag:$0x3], $0x80, s0, s15, $0xb8;
	[tilespmem:$0x1CC00] =	vst v63  }
0x253: {  	_ =	swait.ge [sflag:s11], $0x4000  }
0x254: {  	[sflag:s11] =	ssyncset.done $0x0  }
0x255: {  	[sflag:s11] =	ssyncadd.s32 $0xFFFFC000  }
0x256: {  	[spmem:s3] =	stream.indirect.scatter.add.f32 [tilespmem:s12], [sflag:$0x3], $0x80, s1, s15, $0xb8;
	[tilespmem:$0x1CC00] =	vst v63  }
0x257: {  	_ =	swait.ge [sflag:s11], $0x4000  }
0x258: {  	[sflag:s11] =	ssyncset.done $0x0  }
0x259: {  	[sflag:s11] =	ssyncadd.s32 $0xFFFFC000  }
0x25a: {  	[spmem:s3] =	stream.indirect.scatter.add.f32 [tilespmem:s12], [sflag:$0x3], $0x80, s5, s15, $0xb8;
	[tilespmem:$0x1CC00] =	vst v63  }
0x25b: {  	_ =	swait.ge [sflag:s11], $0x4000  }
0x25c: {  	[sflag:s11] =	ssyncset.done $0x0  }
0x25d: {  	[sflag:s11] =	ssyncadd.s32 $0xFFFFC000  }
0x25e: {  	[spmem:s3] =	stream.indirect.scatter.add.f32 [tilespmem:s12], [sflag:$0x3], $0x80, s6, s15, $0xb8;
	[tilespmem:$0x1CC00] =	vst v63  }
0x25f: {  	_ =	swait.ge [sflag:s11], $0x4000  }
0x260: {  	s10 =	simm.s32 $0x200;
	s7 =	simm.s32 $0x100;
	[sflag:s11] =	ssyncset.done $0x0  }
.LBB2_7:
0x261: {  	s8 =	sadd.s32 s7, s9  }
0x262: {  	[sflag:s11] =	ssyncadd.s32 $0xFFFFC000;
	s7 =	smov.u32 s10;
	s24 =	sadd.s32 $0x100, s10  }
0x263: {  	[tilespmem:s14], [sflag:$0x3] =	stream.linear.gather [hbm4b:s8+s4], $0x800, $0x38;
	[tilespmem:$0x1CC00] =	vst v63  }
0x264: {  	p2 =	sne.s32 s10, $0x900;
	_ =	swait.ge [sflag:s11], $0x800  }
0x265: {  	[sflag:s11] =	ssyncset.done $0x0  }
0x266: {  	[sflag:s11] =	ssyncadd.s32 $0xFFFFF800  }
0x267: {  	[spmem:s3] =	stream.indirect.scatter.add.f32 [tilespmem:s12], [sflag:$0x3], $0x80, s14, s15, $0xb8;
	[tilespmem:$0x1CC00] =	vst v63  }
0x268: {  	_ =	swait.ge [sflag:s11], $0x4000  }
0x269: {  	[sflag:s11] =	ssyncset.done $0x0  }
0x26a: {  	[sflag:s11] =	ssyncadd.s32 $0xFFFFC000  }
0x26b: {  	[spmem:s3] =	stream.indirect.scatter.add.f32 [tilespmem:s12], [sflag:$0x3], $0x80, s19, s15, $0xb8;
	[tilespmem:$0x1CC00] =	vst v63  }
0x26c: {  	_ =	swait.ge [sflag:s11], $0x4000  }
0x26d: {  	[sflag:s11] =	ssyncset.done $0x0  }
0x26e: {  	[sflag:s11] =	ssyncadd.s32 $0xFFFFC000  }
0x26f: {  	[spmem:s3] =	stream.indirect.scatter.add.f32 [tilespmem:s12], [sflag:$0x3], $0x80, s20, s15, $0xb8;
	[tilespmem:$0x1CC00] =	vst v63  }
0x270: {  	_ =	swait.ge [sflag:s11], $0x4000  }
0x271: {  	[sflag:s11] =	ssyncset.done $0x0  }
0x272: {  	[sflag:s11] =	ssyncadd.s32 $0xFFFFC000  }
0x273: {  	[spmem:s3] =	stream.indirect.scatter.add.f32 [tilespmem:s12], [sflag:$0x3], $0x80, s21, s15, $0xb8;
	[tilespmem:$0x1CC00] =	vst v63  }
0x274: {  	_ =	swait.ge [sflag:s11], $0x4000  }
0x275: {  	[sflag:s11] =	ssyncset.done $0x0  }
0x276: {  	[sflag:s11] =	ssyncadd.s32 $0xFFFFC000  }
0x277: {  	[spmem:s3] =	stream.indirect.scatter.add.f32 [tilespmem:s12], [sflag:$0x3], $0x80, s22, s15, $0xb8;
	[tilespmem:$0x1CC00] =	vst v63  }
0x278: {  	_ =	swait.ge [sflag:s11], $0x4000  }
0x279: {  	[sflag:s11] =	ssyncset.done $0x0  }
0x27a: {  	[sflag:s11] =	ssyncadd.s32 $0xFFFFC000  }
0x27b: {  	[spmem:s3] =	stream.indirect.scatter.add.f32 [tilespmem:s12], [sflag:$0x3], $0x80, s23, s15, $0xb8;
	[tilespmem:$0x1CC00] =	vst v63  }
0x27c: {  	_ =	swait.ge [sflag:s11], $0x4000  }
0x27d: {  	[sflag:s11] =	ssyncset.done $0x0  }
0x27e: {  	[sflag:s11] =	ssyncadd.s32 $0xFFFFC000  }
0x27f: {  	[spmem:s3] =	stream.indirect.scatter.add.f32 [tilespmem:s12], [sflag:$0x3], $0x80, s25, s15, $0xb8;
	[tilespmem:$0x1CC00] =	vst v63  }
0x280: {  	_ =	swait.ge [sflag:s11], $0x4000  }
0x281: {  	[sflag:s11] =	ssyncset.done $0x0  }
0x282: {  	[sflag:s11] =	ssyncadd.s32 $0xFFFFC000  }
0x283: {  	[spmem:s3] =	stream.indirect.scatter.add.f32 [tilespmem:s12], [sflag:$0x3], $0x80, s26, s15, $0xb8;
	[tilespmem:$0x1CC00] =	vst v63  }
0x284: {  	_ =	swait.ge [sflag:s11], $0x4000  }
0x285: {  	[sflag:s11] =	ssyncset.done $0x0  }
0x286: {  	[sflag:s11] =	ssyncadd.s32 $0xFFFFC000  }
0x287: {  	[spmem:s3] =	stream.indirect.scatter.add.f32 [tilespmem:s12], [sflag:$0x3], $0x80, s28, s15, $0xb8;
	[tilespmem:$0x1CC00] =	vst v63  }
0x288: {  	_ =	swait.ge [sflag:s11], $0x4000  }
0x289: {  	[sflag:s11] =	ssyncset.done $0x0  }
0x28a: {  	[sflag:s11] =	ssyncadd.s32 $0xFFFFC000  }
0x28b: {  	[spmem:s3] =	stream.indirect.scatter.add.f32 [tilespmem:s12], [sflag:$0x3], $0x80, s29, s15, $0xb8;
	[tilespmem:$0x1CC00] =	vst v63  }
0x28c: {  	_ =	swait.ge [sflag:s11], $0x4000  }
0x28d: {  	[sflag:s11] =	ssyncset.done $0x0  }
0x28e: {  	[sflag:s11] =	ssyncadd.s32 $0xFFFFC000  }
0x28f: {  	[spmem:s3] =	stream.indirect.scatter.add.f32 [tilespmem:s12], [sflag:$0x3], $0x80, s30, s15, $0xb8;
	[tilespmem:$0x1CC00] =	vst v63  }
0x290: {  	_ =	swait.ge [sflag:s11], $0x4000  }
0x291: {  	[sflag:s11] =	ssyncset.done $0x0  }
0x292: {  	[sflag:s11] =	ssyncadd.s32 $0xFFFFC000  }
0x293: {  	[spmem:s3] =	stream.indirect.scatter.add.f32 [tilespmem:s12], [sflag:$0x3], $0x80, s31, s15, $0xb8;
	[tilespmem:$0x1CC00] =	vst v63  }
0x294: {  	_ =	swait.ge [sflag:s11], $0x4000  }
0x295: {  	[sflag:s11] =	ssyncset.done $0x0  }
0x296: {  	[sflag:s11] =	ssyncadd.s32 $0xFFFFC000  }
0x297: {  	[spmem:s3] =	stream.indirect.scatter.add.f32 [tilespmem:s12], [sflag:$0x3], $0x80, s0, s15, $0xb8;
	[tilespmem:$0x1CC00] =	vst v63  }
0x298: {  	_ =	swait.ge [sflag:s11], $0x4000  }
0x299: {  	[sflag:s11] =	ssyncset.done $0x0  }
0x29a: {  	[sflag:s11] =	ssyncadd.s32 $0xFFFFC000  }
0x29b: {  	[spmem:s3] =	stream.indirect.scatter.add.f32 [tilespmem:s12], [sflag:$0x3], $0x80, s1, s15, $0xb8;
	[tilespmem:$0x1CC00] =	vst v63  }
0x29c: {  	_ =	swait.ge [sflag:s11], $0x4000  }
0x29d: {  	[sflag:s11] =	ssyncset.done $0x0  }
0x29e: {  	[sflag:s11] =	ssyncadd.s32 $0xFFFFC000  }
0x29f: {  	[spmem:s3] =	stream.indirect.scatter.add.f32 [tilespmem:s12], [sflag:$0x3], $0x80, s5, s15, $0xb8;
	[tilespmem:$0x1CC00] =	vst v63  }
0x2a0: {  	_ =	swait.ge [sflag:s11], $0x4000  }
.Ltmp5:
0x2a1: {  	[sflag:s11] =	ssyncset.done $0x0;
	(pc) =	sbr.rel @p2 .LBB2_7-.Ltmp5, $4  }
0x2a2: {  	[sflag:s11] =	ssyncadd.s32 $0xFFFFC000  }
0x2a3: {  	[spmem:s3] =	stream.indirect.scatter.add.f32 [tilespmem:s12], [sflag:$0x3], $0x80, s6, s15, $0xb8;
	[tilespmem:$0x1CC00] =	vst v63  }
0x2a4: {  	_ =	swait.ge [sflag:s11], $0x4000  }
0x2a5: {  	s10 =	smov.u32 s24;
	[sflag:s11] =	ssyncset.done $0x0  }
.Ltmp6:
0x2a6: {  	_ = 	snop;
	(pc) =	sbr.rel .LBB2_8-.Ltmp6, $1  }
0x2a7: {  	_ =	sdelay $0x3  }
.LBB2_10:
0x2a8: {  	_ =	sfence.sel $0x180000  }
0x2a9: {  	[bflag:$0x0] =	sbarrier.arrive $0xFFFF  }
0x2aa: {  	_ =	strace $0x90000047  }
0x2ab: {  	s0 =	stileid.u32;
	[bflag:$0x2] =	sbarrier.arrive $0xFFFF  }
0x2ac: {  	p0 =	sne.s32 s0, $0x0;
	s0 =	rddreg [dreg:$0x3]  }
0x2ad: {  	s0 =	sadd.s32 @!p0 $0x100000, s0  }
0x2ae: {  	[sflag:s0] =	ssyncadd.tile.s32 @!p0 $0x1;
	_ =	shalt  }
.Lfunc_end2:
_tile_overlayer_lowered:
.L_overlay_start_2:
0x2af: {  	(tag) =	ssettag $0x2  }
0x2b0: {  	s0 =	rddreg [dreg:$0x0];
	s2 =	stileid.u32  }
0x2b1: {  	s1 =	rddreg [dreg:$0x1];
	p0 =	sne.s32 s2, $0x0  }
0x2b2: {  	s3 =	rddreg [dreg:$0x2];
	[bflag:$0x3] =	sbarrier.arrive $0xFFFF;
	s2 =	simm.s32 @!p0 $0x1C03  }
0x2b3: {  	[timem:s3], [sflag:s2] =	dma.local @!p0 [hbm:s0], s1  }
0x2b4: {  	s0 =	simm.s32 @!p0 $0x3  }
0x2b5: {  	_ =	swait.ge @!p0 [sflag:s0], s1  }
0x2b6: {  	s1 =	ssub.s32 @!p0 $0x0, s1;
	[sflag:s0] =	ssyncset.done @!p0 $0x0  }
0x2b7: {  	[sflag:s0] =	ssyncadd.s32 @!p0 s1  }
0x2b8: {  	[bflag:$0x3] =	sbarrier.arrive $0xFFFF  }
0x2b9: {  	_ =	shalt  }

</sc_bundles>
